<compile_context>
chip_gen: v7x
topology: tpu7x:2x2x1
jax: 0.10.2.dev20260603
libtpu: 0.0.44.dev20260713+nightly
codegen_flags: <defaults>
</compile_context>

<pallas_src>
import jax
import jax.numpy as jnp
from jax import lax
from jax.experimental import pallas as pl
from jax.experimental.pallas import tpu as pltpu
from jax.experimental.pallas import tpu_sc as plsc

N_NODES = 100000
N_SPECIES = 119
EMBED_DIM = 256
NC = 2
NS = 16
NW = NC * NS

LANES = 16
CHUNK = 16
IDX_OFF = 8

ROWS_MAIN = 3136
ROWS_LAST = N_NODES - 31 * ROWS_MAIN
N_CHUNKS = ROWS_MAIN // CHUNK


NBUF = 2


def _gather_body(idx_hbm, table_hbm, out_hbm,
                 table_v, idx0, idx1,
                 tsem, isem0, isem1, osem0, osem1):
    wid = lax.axis_index("s") * NC + lax.axis_index("c")
    base = wid * ROWS_MAIN
    count = jnp.where(wid == NW - 1, ROWS_LAST, ROWS_MAIN)
    last_start = base + count - CHUNK

    idx_bufs = (idx0, idx1)
    isems = (isem0, isem1)
    osems = (osem0, osem1)

    def cstart(j):
        return jnp.minimum(base + j * CHUNK, last_start)

    def idx_copy(j, b):
        return pltpu.make_async_copy(
            idx_hbm.at[pl.ds(cstart(j), CHUNK)],
            idx_bufs[b].at[pl.ds(IDX_OFF, CHUNK)], isems[b])

    def row_copy(src_row, dst_row, b):
        return pltpu.make_async_copy(
            table_v.at[pl.ds(src_row * EMBED_DIM, EMBED_DIM)],
            out_hbm.at[pl.ds(dst_row * EMBED_DIM, EMBED_DIM)], osems[b])

    def issue(j, b):
        iv = idx_bufs[b][pl.ds(IDX_OFF, CHUNK)]
        start = cstart(j)
        for r in range(CHUNK):
            row_copy(iv[r], start + r, b).start()

    def drain(b):
        for _ in range(CHUNK):
            row_copy(0, 0, b).wait()

    tcp = pltpu.make_async_copy(table_hbm, table_v, tsem)
    tcp.start()
    for b in range(NBUF):
        idx_copy(b, b).start()
    tcp.wait()

    for b in range(NBUF):
        idx_copy(b, b).wait()
        issue(b, b)
        idx_copy(b + NBUF, b).start()

    def body(p, carry):
        for b in range(NBUF):
            j = NBUF * p + b
            idx_copy(j, b).wait()
            drain(b)
            issue(j, b)
            idx_copy(j + NBUF, b).start()
        return carry

    lax.fori_loop(1, N_CHUNKS // NBUF, body, None)

    for b in range(NBUF):
        idx_copy(N_CHUNKS + b, b).wait()
        drain(b)


@jax.jit
def _gather(node_specie, embeddings_flat):
    mesh = plsc.VectorSubcoreMesh(
        core_axis_name="c", subcore_axis_name="s",
        num_cores=NC, num_subcores=NS)
    out_flat = pl.kernel(
        _gather_body,
        out_type=jax.ShapeDtypeStruct((N_NODES * EMBED_DIM,), jnp.float32),
        mesh=mesh,
        compiler_params=pltpu.CompilerParams(needs_layout_passes=False),
        scratch_types=(
            [pltpu.VMEM((N_SPECIES * EMBED_DIM,), jnp.float32)]
            + [pltpu.VMEM((IDX_OFF + CHUNK,), jnp.int32)] * NBUF
            + [pltpu.SemaphoreType.DMA] * (1 + 2 * NBUF)
        ),
        name="embedding_gather_sc",
    )(node_specie, embeddings_flat)
    return out_flat.reshape(N_NODES, EMBED_DIM)


def kernel(node_specie, embeddings):
    return _gather(node_specie.astype(jnp.int32),
                   embeddings.reshape(N_SPECIES * EMBED_DIM))

# --- scband reference (transcript-rebuilt; emitter-appended) ---
"""Pipeline reference for scband-linear-node-embedding-block-19653770347270 (READ-ONLY COPY).

The authoritative reference and input builder live on the scoring server;
editing this copy changes nothing except your own understanding.
"""

import jax, jax.numpy as jnp
import numpy as np

NUM_SPECIES = 119
EMBED_DIM = 256  # irreps_out = '256x0e' -> scalar irreps, dim = 256
N_NODES = 100000


def setup_inputs(seed: int = 0) -> dict:
    key = jax.random.key(seed)
    k1, k2 = jax.random.split(key)
    node_specie = jax.random.randint(k1, (N_NODES,), 0, NUM_SPECIES)
    # learned parameter: hk.get_parameter('embeddings', (num_species, irreps_out.dim), RandomNormal)
    embeddings = jax.random.normal(k2, (NUM_SPECIES, EMBED_DIM), dtype=jnp.float32)
    return {"node_specie": node_specie, "embeddings": embeddings}


def reference(node_specie, embeddings):
    # LinearNodeEmbeddingBlock.__call__: w[node_specie]
    # irreps_out.filter('0e').regroup() keeps only scalar (0e) irreps; with
    # irreps_out='256x0e' the full 256-dim table survives. The IrrepsArray
    # wrapper carries metadata only; numerically the output is the gather.
    return jnp.take(embeddings, node_specie, axis=0)

if __name__ == "__main__":
    import jax
    _d = setup_inputs()
    print(jax.jit(kernel)(*tuple(_d.values())))

</pallas_src>

<mosaic_0001>
#map = affine_map<(d0, d1) -> (0)>
module attributes {stable_mosaic.version = 14 : i64} {
  func.func @embedding_gather_sc(%arg0: i32, %arg1: i32, %arg2: memref<100000xi32, #tpu.memory_space<hbm>>, %arg3: memref<30464xf32, #tpu.memory_space<hbm>>, %arg4: memref<25600000xf32, #tpu.memory_space<hbm>>, %arg5: memref<30464xf32, #tpu.memory_space<vmem>>, %arg6: memref<24xi32, #tpu.memory_space<vmem>>, %arg7: memref<24xi32, #tpu.memory_space<vmem>>, %arg8: memref<!tpu.dma_semaphore, #tpu.memory_space<semaphore_mem>>, %arg9: memref<!tpu.dma_semaphore, #tpu.memory_space<semaphore_mem>>, %arg10: memref<!tpu.dma_semaphore, #tpu.memory_space<semaphore_mem>>, %arg11: memref<!tpu.dma_semaphore, #tpu.memory_space<semaphore_mem>>, %arg12: memref<!tpu.dma_semaphore, #tpu.memory_space<semaphore_mem>>) attributes {dimension_semantics = [#tpu.dimension_semantics<core_parallel>, #tpu.dimension_semantics<subcore_parallel>], iteration_bounds = array<i64: 2, 16>, scalar_prefetch = 0 : i64, scratch_operands = 8 : i64, tpu.core_type = #tpu.core_type<sc_vector_subcore>, window_params = [{transform_indices = #map}, {transform_indices = #map}, {transform_indices = #map}]} {
    %mul3A = arith.constant 2 : i32
    %mul3A_0 = arith.muli %arg1, %mul3A : i32
    %add3A = arith.addi %mul3A_0, %arg0 : i32
    %mul3A_1 = arith.constant 3136 : i32
    %mul3A_2 = arith.muli %add3A, %mul3A_1 : i32
    %eq3A = arith.constant 31 : i32
    %eq3A_3 = arith.cmpi eq, %add3A, %eq3A : i32
    %jit3A = arith.constant 2784 : i32
    %jit3A_4 = arith.constant 3136 : i32
    %select_n3A = arith.select %eq3A_3, %jit3A, %jit3A_4 : i32
    %add3A_5 = arith.addi %mul3A_2, %select_n3A : i32
    %sub3A = arith.constant 16 : i32
    %sub3A_6 = arith.subi %add3A_5, %sub3A : i32
    tpu.enqueue_dma source(%arg3 : memref<30464xf32, #tpu.memory_space<hbm>>) target(%arg5 : memref<30464xf32, #tpu.memory_space<vmem>>) target_semaphore(%arg8 : memref<!tpu.dma_semaphore, #tpu.memory_space<semaphore_mem>>)
    %add3A_7 = arith.constant 0 : i32
    %add3A_8 = arith.addi %mul3A_2, %add3A_7 : i32
    %min3A = arith.minsi %add3A_8, %sub3A_6 : i32
    %dma_start3A = arith.constant 8 : i32
    %dma_start3A_9 = tpu.memref_slice %arg6[%dma_start3A] : memref<24xi32, #tpu.memory_space<vmem>> -> memref<16xi32, #tpu.memory_space<vmem>>
    %dma_start3A_10 = tpu.memref_slice %arg2[%min3A] : memref<100000xi32, #tpu.memory_space<hbm>> -> memref<16xi32, #tpu.memory_space<hbm>>
    %dma_start3A_11 = arith.constant 8 : i32
    %dma_start3A_12 = tpu.memref_slice %arg6[%dma_start3A_11] : memref<24xi32, #tpu.memory_space<vmem>> -> memref<16xi32, #tpu.memory_space<vmem>>
    %dma_start3A_13 = tpu.memref_slice %arg2[%min3A] : memref<100000xi32, #tpu.memory_space<hbm>> -> memref<16xi32, #tpu.memory_space<hbm>>
    tpu.enqueue_dma source(%dma_start3A_13 : memref<16xi32, #tpu.memory_space<hbm>>) target(%dma_start3A_12 : memref<16xi32, #tpu.memory_space<vmem>>) target_semaphore(%arg9 : memref<!tpu.dma_semaphore, #tpu.memory_space<semaphore_mem>>)
    %add3A_14 = arith.constant 16 : i32
    %add3A_15 = arith.addi %mul3A_2, %add3A_14 : i32
    %min3A_16 = arith.minsi %add3A_15, %sub3A_6 : i32
    %dma_start3A_17 = arith.constant 8 : i32
    %dma_start3A_18 = tpu.memref_slice %arg7[%dma_start3A_17] : memref<24xi32, #tpu.memory_space<vmem>> -> memref<16xi32, #tpu.memory_space<vmem>>
    %dma_start3A_19 = tpu.memref_slice %arg2[%min3A_16] : memref<100000xi32, #tpu.memory_space<hbm>> -> memref<16xi32, #tpu.memory_space<hbm>>
    %dma_start3A_20 = arith.constant 8 : i32
    %dma_start3A_21 = tpu.memref_slice %arg7[%dma_start3A_20] : memref<24xi32, #tpu.memory_space<vmem>> -> memref<16xi32, #tpu.memory_space<vmem>>
    %dma_start3A_22 = tpu.memref_slice %arg2[%min3A_16] : memref<100000xi32, #tpu.memory_space<hbm>> -> memref<16xi32, #tpu.memory_space<hbm>>
    tpu.enqueue_dma source(%dma_start3A_22 : memref<16xi32, #tpu.memory_space<hbm>>) target(%dma_start3A_21 : memref<16xi32, #tpu.memory_space<vmem>>) target_semaphore(%arg10 : memref<!tpu.dma_semaphore, #tpu.memory_space<semaphore_mem>>)
    tpu.wait_dma2 semaphore(%arg8 : memref<!tpu.dma_semaphore, #tpu.memory_space<semaphore_mem>>) src(%arg3 : memref<30464xf32, #tpu.memory_space<hbm>>) dst(%arg5 : memref<30464xf32, #tpu.memory_space<vmem>>)
    %add3A_23 = arith.constant 0 : i32
    %add3A_24 = arith.addi %mul3A_2, %add3A_23 : i32
    %min3A_25 = arith.minsi %add3A_24, %sub3A_6 : i32
    %dma_wait3A = arith.constant 8 : i32
    %dma_wait3A_26 = tpu.memref_slice %arg6[%dma_wait3A] : memref<24xi32, #tpu.memory_space<vmem>> -> memref<16xi32, #tpu.memory_space<vmem>>
    %dma_wait3A_27 = tpu.memref_slice %arg2[%min3A_25] : memref<100000xi32, #tpu.memory_space<hbm>> -> memref<16xi32, #tpu.memory_space<hbm>>
    %dma_wait3A_28 = arith.constant 8 : i32
    %dma_wait3A_29 = tpu.memref_slice %arg6[%dma_wait3A_28] : memref<24xi32, #tpu.memory_space<vmem>> -> memref<16xi32, #tpu.memory_space<vmem>>
    %dma_wait3A_30 = tpu.memref_slice %arg2[%min3A_25] : memref<100000xi32, #tpu.memory_space<hbm>> -> memref<16xi32, #tpu.memory_space<hbm>>
    tpu.wait_dma2 semaphore(%arg9 : memref<!tpu.dma_semaphore, #tpu.memory_space<semaphore_mem>>) src(%dma_wait3A_30 : memref<16xi32, #tpu.memory_space<hbm>>) dst(%dma_wait3A_29 : memref<16xi32, #tpu.memory_space<vmem>>)
    %get3A = arith.constant 8 : index
    %get3A_31 = tpu.vector_load %arg6[%get3A] {strides = array<i32>} : memref<24xi32, #tpu.memory_space<vmem>>, vector<16xi32>,
    %add3A_32 = arith.constant 0 : i32
    %add3A_33 = arith.addi %mul3A_2, %add3A_32 : i32
    %min3A_34 = arith.minsi %add3A_33, %sub3A_6 : i32
    %slice3A = vector.extract_strided_slice %get3A_31 {offsets = [0], sizes = [1], strides = [1]} : vector<16xi32> to vector<1xi32>
    %squeeze3A = vector.extract %slice3A[0] : i32 from vector<1xi32>
    %add3A_35 = arith.constant 0 : i32
    %add3A_36 = arith.addi %min3A_34, %add3A_35 : i32
    %mul3A_37 = arith.constant 256 : i32
    %mul3A_38 = arith.muli %squeeze3A, %mul3A_37 : i32
    %mul3A_39 = arith.constant 256 : i32
    %mul3A_40 = arith.muli %add3A_36, %mul3A_39 : i32
    %dma_start3A_41 = tpu.memref_slice %arg5[%mul3A_38] : memref<30464xf32, #tpu.memory_space<vmem>> -> memref<256xf32, #tpu.memory_space<vmem>>
    %dma_start3A_42 = tpu.memref_slice %arg4[%mul3A_40] : memref<25600000xf32, #tpu.memory_space<hbm>> -> memref<256xf32, #tpu.memory_space<hbm>>
    %dma_start3A_43 = tpu.memref_slice %arg4[%mul3A_40] : memref<25600000xf32, #tpu.memory_space<hbm>> -> memref<256xf32, #tpu.memory_space<hbm>>
    %dma_start3A_44 = tpu.memref_slice %arg5[%mul3A_38] : memref<30464xf32, #tpu.memory_space<vmem>> -> memref<256xf32, #tpu.memory_space<vmem>>
    tpu.enqueue_dma source(%dma_start3A_44 : memref<256xf32, #tpu.memory_space<vmem>>) target(%dma_start3A_43 : memref<256xf32, #tpu.memory_space<hbm>>) target_semaphore(%arg11 : memref<!tpu.dma_semaphore, #tpu.memory_space<semaphore_mem>>)
    %slice3A_45 = vector.extract_strided_slice %get3A_31 {offsets = [1], sizes = [1], strides = [1]} : vector<16xi32> to vector<1xi32>
    %squeeze3A_46 = vector.extract %slice3A_45[0] : i32 from vector<1xi32>
    %add3A_47 = arith.constant 1 : i32
    %add3A_48 = arith.addi %min3A_34, %add3A_47 : i32
    %mul3A_49 = arith.constant 256 : i32
    %mul3A_50 = arith.muli %squeeze3A_46, %mul3A_49 : i32
    %mul3A_51 = arith.constant 256 : i32
    %mul3A_52 = arith.muli %add3A_48, %mul3A_51 : i32
    %dma_start3A_53 = tpu.memref_slice %arg5[%mul3A_50] : memref<30464xf32, #tpu.memory_space<vmem>> -> memref<256xf32, #tpu.memory_space<vmem>>
    %dma_start3A_54 = tpu.memref_slice %arg4[%mul3A_52] : memref<25600000xf32, #tpu.memory_space<hbm>> -> memref<256xf32, #tpu.memory_space<hbm>>
    %dma_start3A_55 = tpu.memref_slice %arg4[%mul3A_52] : memref<25600000xf32, #tpu.memory_space<hbm>> -> memref<256xf32, #tpu.memory_space<hbm>>
    %dma_start3A_56 = tpu.memref_slice %arg5[%mul3A_50] : memref<30464xf32, #tpu.memory_space<vmem>> -> memref<256xf32, #tpu.memory_space<vmem>>
    tpu.enqueue_dma source(%dma_start3A_56 : memref<256xf32, #tpu.memory_space<vmem>>) target(%dma_start3A_55 : memref<256xf32, #tpu.memory_space<hbm>>) target_semaphore(%arg11 : memref<!tpu.dma_semaphore, #tpu.memory_space<semaphore_mem>>)
    %slice3A_57 = vector.extract_strided_slice %get3A_31 {offsets = [2], sizes = [1], strides = [1]} : vector<16xi32> to vector<1xi32>
    %squeeze3A_58 = vector.extract %slice3A_57[0] : i32 from vector<1xi32>
    %add3A_59 = arith.constant 2 : i32
    %add3A_60 = arith.addi %min3A_34, %add3A_59 : i32
    %mul3A_61 = arith.constant 256 : i32
    %mul3A_62 = arith.muli %squeeze3A_58, %mul3A_61 : i32
    %mul3A_63 = arith.constant 256 : i32
    %mul3A_64 = arith.muli %add3A_60, %mul3A_63 : i32
    %dma_start3A_65 = tpu.memref_slice %arg5[%mul3A_62] : memref<30464xf32, #tpu.memory_space<vmem>> -> memref<256xf32, #tpu.memory_space<vmem>>
    %dma_start3A_66 = tpu.memref_slice %arg4[%mul3A_64] : memref<25600000xf32, #tpu.memory_space<hbm>> -> memref<256xf32, #tpu.memory_space<hbm>>
    %dma_start3A_67 = tpu.memref_slice %arg4[%mul3A_64] : memref<25600000xf32, #tpu.memory_space<hbm>> -> memref<256xf32, #tpu.memory_space<hbm>>
    %dma_start3A_68 = tpu.memref_slice %arg5[%mul3A_62] : memref<30464xf32, #tpu.memory_space<vmem>> -> memref<256xf32, #tpu.memory_space<vmem>>
    tpu.enqueue_dma source(%dma_start3A_68 : memref<256xf32, #tpu.memory_space<vmem>>) target(%dma_start3A_67 : memref<256xf32, #tpu.memory_space<hbm>>) target_semaphore(%arg11 : memref<!tpu.dma_semaphore, #tpu.memory_space<semaphore_mem>>)
    %slice3A_69 = vector.extract_strided_slice %get3A_31 {offsets = [3], sizes = [1], strides = [1]} : vector<16xi32> to vector<1xi32>
    %squeeze3A_70 = vector.extract %slice3A_69[0] : i32 from vector<1xi32>
    %add3A_71 = arith.constant 3 : i32
    %add3A_72 = arith.addi %min3A_34, %add3A_71 : i32
    %mul3A_73 = arith.constant 256 : i32
    %mul3A_74 = arith.muli %squeeze3A_70, %mul3A_73 : i32
    %mul3A_75 = arith.constant 256 : i32
    %mul3A_76 = arith.muli %add3A_72, %mul3A_75 : i32
    %dma_start3A_77 = tpu.memref_slice %arg5[%mul3A_74] : memref<30464xf32, #tpu.memory_space<vmem>> -> memref<256xf32, #tpu.memory_space<vmem>>
    %dma_start3A_78 = tpu.memref_slice %arg4[%mul3A_76] : memref<25600000xf32, #tpu.memory_space<hbm>> -> memref<256xf32, #tpu.memory_space<hbm>>
    %dma_start3A_79 = tpu.memref_slice %arg4[%mul3A_76] : memref<25600000xf32, #tpu.memory_space<hbm>> -> memref<256xf32, #tpu.memory_space<hbm>>
    %dma_start3A_80 = tpu.memref_slice %arg5[%mul3A_74] : memref<30464xf32, #tpu.memory_space<vmem>> -> memref<256xf32, #tpu.memory_space<vmem>>
    tpu.enqueue_dma source(%dma_start3A_80 : memref<256xf32, #tpu.memory_space<vmem>>) target(%dma_start3A_79 : memref<256xf32, #tpu.memory_space<hbm>>) target_semaphore(%arg11 : memref<!tpu.dma_semaphore, #tpu.memory_space<semaphore_mem>>)
    %slice3A_81 = vector.extract_strided_slice %get3A_31 {offsets = [4], sizes = [1], strides = [1]} : vector<16xi32> to vector<1xi32>
    %squeeze3A_82 = vector.extract %slice3A_81[0] : i32 from vector<1xi32>
    %add3A_83 = arith.constant 4 : i32
    %add3A_84 = arith.addi %min3A_34, %add3A_83 : i32
    %mul3A_85 = arith.constant 256 : i32
    %mul3A_86 = arith.muli %squeeze3A_82, %mul3A_85 : i32
    %mul3A_87 = arith.constant 256 : i32
    %mul3A_88 = arith.muli %add3A_84, %mul3A_87 : i32
    %dma_start3A_89 = tpu.memref_slice %arg5[%mul3A_86] : memref<30464xf32, #tpu.memory_space<vmem>> -> memref<256xf32, #tpu.memory_space<vmem>>
    %dma_start3A_90 = tpu.memref_slice %arg4[%mul3A_88] : memref<25600000xf32, #tpu.memory_space<hbm>> -> memref<256xf32, #tpu.memory_space<hbm>>
    %dma_start3A_91 = tpu.memref_slice %arg4[%mul3A_88] : memref<25600000xf32, #tpu.memory_space<hbm>> -> memref<256xf32, #tpu.memory_space<hbm>>
    %dma_start3A_92 = tpu.memref_slice %arg5[%mul3A_86] : memref<30464xf32, #tpu.memory_space<vmem>> -> memref<256xf32, #tpu.memory_space<vmem>>
    tpu.enqueue_dma source(%dma_start3A_92 : memref<256xf32, #tpu.memory_space<vmem>>) target(%dma_start3A_91 : memref<256xf32, #tpu.memory_space<hbm>>) target_semaphore(%arg11 : memref<!tpu.dma_semaphore, #tpu.memory_space<semaphore_mem>>)
    %slice3A_93 = vector.extract_strided_slice %get3A_31 {offsets = [5], sizes = [1], strides = [1]} : vector<16xi32> to vector<1xi32>
    %squeeze3A_94 = vector.extract %slice3A_93[0] : i32 from vector<1xi32>
    %add3A_95 = arith.constant 5 : i32
    %add3A_96 = arith.addi %min3A_34, %add3A_95 : i32
    %mul3A_97 = arith.constant 256 : i32
    %mul3A_98 = arith.muli %squeeze3A_94, %mul3A_97 : i32
    %mul3A_99 = arith.constant 256 : i32
    %mul3A_100 = arith.muli %add3A_96, %mul3A_99 : i32
    %dma_start3A_101 = tpu.memref_slice %arg5[%mul3A_98] : memref<30464xf32, #tpu.memory_space<vmem>> -> memref<256xf32, #tpu.memory_space<vmem>>
    %dma_start3A_102 = tpu.memref_slice %arg4[%mul3A_100] : memref<25600000xf32, #tpu.memory_space<hbm>> -> memref<256xf32, #tpu.memory_space<hbm>>
    %dma_start3A_103 = tpu.memref_slice %arg4[%mul3A_100] : memref<25600000xf32, #tpu.memory_space<hbm>> -> memref<256xf32, #tpu.memory_space<hbm>>
    %dma_start3A_104 = tpu.memref_slice %arg5[%mul3A_98] : memref<30464xf32, #tpu.memory_space<vmem>> -> memref<256xf32, #tpu.memory_space<vmem>>
    tpu.enqueue_dma source(%dma_start3A_104 : memref<256xf32, #tpu.memory_space<vmem>>) target(%dma_start3A_103 : memref<256xf32, #tpu.memory_space<hbm>>) target_semaphore(%arg11 : memref<!tpu.dma_semaphore, #tpu.memory_space<semaphore_mem>>)
    %slice3A_105 = vector.extract_strided_slice %get3A_31 {offsets = [6], sizes = [1], strides = [1]} : vector<16xi32> to vector<1xi32>
    %squeeze3A_106 = vector.extract %slice3A_105[0] : i32 from vector<1xi32>
    %add3A_107 = arith.constant 6 : i32
    %add3A_108 = arith.addi %min3A_34, %add3A_107 : i32
    %mul3A_109 = arith.constant 256 : i32
    %mul3A_110 = arith.muli %squeeze3A_106, %mul3A_109 : i32
    %mul3A_111 = arith.constant 256 : i32
    %mul3A_112 = arith.muli %add3A_108, %mul3A_111 : i32
    %dma_start3A_113 = tpu.memref_slice %arg5[%mul3A_110] : memref<30464xf32, #tpu.memory_space<vmem>> -> memref<256xf32, #tpu.memory_space<vmem>>
    %dma_start3A_114 = tpu.memref_slice %arg4[%mul3A_112] : memref<25600000xf32, #tpu.memory_space<hbm>> -> memref<256xf32, #tpu.memory_space<hbm>>
    %dma_start3A_115 = tpu.memref_slice %arg4[%mul3A_112] : memref<25600000xf32, #tpu.memory_space<hbm>> -> memref<256xf32, #tpu.memory_space<hbm>>
    %dma_start3A_116 = tpu.memref_slice %arg5[%mul3A_110] : memref<30464xf32, #tpu.memory_space<vmem>> -> memref<256xf32, #tpu.memory_space<vmem>>
    tpu.enqueue_dma source(%dma_start3A_116 : memref<256xf32, #tpu.memory_space<vmem>>) target(%dma_start3A_115 : memref<256xf32, #tpu.memory_space<hbm>>) target_semaphore(%arg11 : memref<!tpu.dma_semaphore, #tpu.memory_space<semaphore_mem>>)
    %slice3A_117 = vector.extract_strided_slice %get3A_31 {offsets = [7], sizes = [1], strides = [1]} : vector<16xi32> to vector<1xi32>
    %squeeze3A_118 = vector.extract %slice3A_117[0] : i32 from vector<1xi32>
    %add3A_119 = arith.constant 7 : i32
    %add3A_120 = arith.addi %min3A_34, %add3A_119 : i32
    %mul3A_121 = arith.constant 256 : i32
    %mul3A_122 = arith.muli %squeeze3A_118, %mul3A_121 : i32
    %mul3A_123 = arith.constant 256 : i32
    %mul3A_124 = arith.muli %add3A_120, %mul3A_123 : i32
    %dma_start3A_125 = tpu.memref_slice %arg5[%mul3A_122] : memref<30464xf32, #tpu.memory_space<vmem>> -> memref<256xf32, #tpu.memory_space<vmem>>
    %dma_start3A_126 = tpu.memref_slice %arg4[%mul3A_124] : memref<25600000xf32, #tpu.memory_space<hbm>> -> memref<256xf32, #tpu.memory_space<hbm>>
    %dma_start3A_127 = tpu.memref_slice %arg4[%mul3A_124] : memref<25600000xf32, #tpu.memory_space<hbm>> -> memref<256xf32, #tpu.memory_space<hbm>>
    %dma_start3A_128 = tpu.memref_slice %arg5[%mul3A_122] : memref<30464xf32, #tpu.memory_space<vmem>> -> memref<256xf32, #tpu.memory_space<vmem>>
    tpu.enqueue_dma source(%dma_start3A_128 : memref<256xf32, #tpu.memory_space<vmem>>) target(%dma_start3A_127 : memref<256xf32, #tpu.memory_space<hbm>>) target_semaphore(%arg11 : memref<!tpu.dma_semaphore, #tpu.memory_space<semaphore_mem>>)
    %slice3A_129 = vector.extract_strided_slice %get3A_31 {offsets = [8], sizes = [1], strides = [1]} : vector<16xi32> to vector<1xi32>
    %squeeze3A_130 = vector.extract %slice3A_129[0] : i32 from vector<1xi32>
    %add3A_131 = arith.constant 8 : i32
    %add3A_132 = arith.addi %min3A_34, %add3A_131 : i32
    %mul3A_133 = arith.constant 256 : i32
    %mul3A_134 = arith.muli %squeeze3A_130, %mul3A_133 : i32
    %mul3A_135 = arith.constant 256 : i32
    %mul3A_136 = arith.muli %add3A_132, %mul3A_135 : i32
    %dma_start3A_137 = tpu.memref_slice %arg5[%mul3A_134] : memref<30464xf32, #tpu.memory_space<vmem>> -> memref<256xf32, #tpu.memory_space<vmem>>
    %dma_start3A_138 = tpu.memref_slice %arg4[%mul3A_136] : memref<25600000xf32, #tpu.memory_space<hbm>> -> memref<256xf32, #tpu.memory_space<hbm>>
    %dma_start3A_139 = tpu.memref_slice %arg4[%mul3A_136] : memref<25600000xf32, #tpu.memory_space<hbm>> -> memref<256xf32, #tpu.memory_space<hbm>>
    %dma_start3A_140 = tpu.memref_slice %arg5[%mul3A_134] : memref<30464xf32, #tpu.memory_space<vmem>> -> memref<256xf32, #tpu.memory_space<vmem>>
    tpu.enqueue_dma source(%dma_start3A_140 : memref<256xf32, #tpu.memory_space<vmem>>) target(%dma_start3A_139 : memref<256xf32, #tpu.memory_space<hbm>>) target_semaphore(%arg11 : memref<!tpu.dma_semaphore, #tpu.memory_space<semaphore_mem>>)
    %slice3A_141 = vector.extract_strided_slice %get3A_31 {offsets = [9], sizes = [1], strides = [1]} : vector<16xi32> to vector<1xi32>
    %squeeze3A_142 = vector.extract %slice3A_141[0] : i32 from vector<1xi32>
    %add3A_143 = arith.constant 9 : i32
    %add3A_144 = arith.addi %min3A_34, %add3A_143 : i32
    %mul3A_145 = arith.constant 256 : i32
    %mul3A_146 = arith.muli %squeeze3A_142, %mul3A_145 : i32
    %mul3A_147 = arith.constant 256 : i32
    %mul3A_148 = arith.muli %add3A_144, %mul3A_147 : i32
    %dma_start3A_149 = tpu.memref_slice %arg5[%mul3A_146] : memref<30464xf32, #tpu.memory_space<vmem>> -> memref<256xf32, #tpu.memory_space<vmem>>
    %dma_start3A_150 = tpu.memref_slice %arg4[%mul3A_148] : memref<25600000xf32, #tpu.memory_space<hbm>> -> memref<256xf32, #tpu.memory_space<hbm>>
    %dma_start3A_151 = tpu.memref_slice %arg4[%mul3A_148] : memref<25600000xf32, #tpu.memory_space<hbm>> -> memref<256xf32, #tpu.memory_space<hbm>>
    %dma_start3A_152 = tpu.memref_slice %arg5[%mul3A_146] : memref<30464xf32, #tpu.memory_space<vmem>> -> memref<256xf32, #tpu.memory_space<vmem>>
    tpu.enqueue_dma source(%dma_start3A_152 : memref<256xf32, #tpu.memory_space<vmem>>) target(%dma_start3A_151 : memref<256xf32, #tpu.memory_space<hbm>>) target_semaphore(%arg11 : memref<!tpu.dma_semaphore, #tpu.memory_space<semaphore_mem>>)
    %slice3A_153 = vector.extract_strided_slice %get3A_31 {offsets = [10], sizes = [1], strides = [1]} : vector<16xi32> to vector<1xi32>
    %squeeze3A_154 = vector.extract %slice3A_153[0] : i32 from vector<1xi32>
    %add3A_155 = arith.constant 10 : i32
    %add3A_156 = arith.addi %min3A_34, %add3A_155 : i32
    %mul3A_157 = arith.constant 256 : i32
    %mul3A_158 = arith.muli %squeeze3A_154, %mul3A_157 : i32
    %mul3A_159 = arith.constant 256 : i32
    %mul3A_160 = arith.muli %add3A_156, %mul3A_159 : i32
    %dma_start3A_161 = tpu.memref_slice %arg5[%mul3A_158] : memref<30464xf32, #tpu.memory_space<vmem>> -> memref<256xf32, #tpu.memory_space<vmem>>
    %dma_start3A_162 = tpu.memref_slice %arg4[%mul3A_160] : memref<25600000xf32, #tpu.memory_space<hbm>> -> memref<256xf32, #tpu.memory_space<hbm>>
    %dma_start3A_163 = tpu.memref_slice %arg4[%mul3A_160] : memref<25600000xf32, #tpu.memory_space<hbm>> -> memref<256xf32, #tpu.memory_space<hbm>>
    %dma_start3A_164 = tpu.memref_slice %arg5[%mul3A_158] : memref<30464xf32, #tpu.memory_space<vmem>> -> memref<256xf32, #tpu.memory_space<vmem>>
    tpu.enqueue_dma source(%dma_start3A_164 : memref<256xf32, #tpu.memory_space<vmem>>) target(%dma_start3A_163 : memref<256xf32, #tpu.memory_space<hbm>>) target_semaphore(%arg11 : memref<!tpu.dma_semaphore, #tpu.memory_space<semaphore_mem>>)
    %slice3A_165 = vector.extract_strided_slice %get3A_31 {offsets = [11], sizes = [1], strides = [1]} : vector<16xi32> to vector<1xi32>
    %squeeze3A_166 = vector.extract %slice3A_165[0] : i32 from vector<1xi32>
    %add3A_167 = arith.constant 11 : i32
    %add3A_168 = arith.addi %min3A_34, %add3A_167 : i32
    %mul3A_169 = arith.constant 256 : i32
    %mul3A_170 = arith.muli %squeeze3A_166, %mul3A_169 : i32
    %mul3A_171 = arith.constant 256 : i32
    %mul3A_172 = arith.muli %add3A_168, %mul3A_171 : i32
    %dma_start3A_173 = tpu.memref_slice %arg5[%mul3A_170] : memref<30464xf32, #tpu.memory_space<vmem>> -> memref<256xf32, #tpu.memory_space<vmem>>
    %dma_start3A_174 = tpu.memref_slice %arg4[%mul3A_172] : memref<25600000xf32, #tpu.memory_space<hbm>> -> memref<256xf32, #tpu.memory_space<hbm>>
    %dma_start3A_175 = tpu.memref_slice %arg4[%mul3A_172] : memref<25600000xf32, #tpu.memory_space<hbm>> -> memref<256xf32, #tpu.memory_space<hbm>>
    %dma_start3A_176 = tpu.memref_slice %arg5[%mul3A_170] : memref<30464xf32, #tpu.memory_space<vmem>> -> memref<256xf32, #tpu.memory_space<vmem>>
    tpu.enqueue_dma source(%dma_start3A_176 : memref<256xf32, #tpu.memory_space<vmem>>) target(%dma_start3A_175 : memref<256xf32, #tpu.memory_space<hbm>>) target_semaphore(%arg11 : memref<!tpu.dma_semaphore, #tpu.memory_space<semaphore_mem>>)
    %slice3A_177 = vector.extract_strided_slice %get3A_31 {offsets = [12], sizes = [1], strides = [1]} : vector<16xi32> to vector<1xi32>
    %squeeze3A_178 = vector.extract %slice3A_177[0] : i32 from vector<1xi32>
    %add3A_179 = arith.constant 12 : i32
    %add3A_180 = arith.addi %min3A_34, %add3A_179 : i32
    %mul3A_181 = arith.constant 256 : i32
    %mul3A_182 = arith.muli %squeeze3A_178, %mul3A_181 : i32
    %mul3A_183 = arith.constant 256 : i32
    %mul3A_184 = arith.muli %add3A_180, %mul3A_183 : i32
    %dma_start3A_185 = tpu.memref_slice %arg5[%mul3A_182] : memref<30464xf32, #tpu.memory_space<vmem>> -> memref<256xf32, #tpu.memory_space<vmem>>
    %dma_start3A_186 = tpu.memref_slice %arg4[%mul3A_184] : memref<25600000xf32, #tpu.memory_space<hbm>> -> memref<256xf32, #tpu.memory_space<hbm>>
    %dma_start3A_187 = tpu.memref_slice %arg4[%mul3A_184] : memref<25600000xf32, #tpu.memory_space<hbm>> -> memref<256xf32, #tpu.memory_space<hbm>>
    %dma_start3A_188 = tpu.memref_slice %arg5[%mul3A_182] : memref<30464xf32, #tpu.memory_space<vmem>> -> memref<256xf32, #tpu.memory_space<vmem>>
    tpu.enqueue_dma source(%dma_start3A_188 : memref<256xf32, #tpu.memory_space<vmem>>) target(%dma_start3A_187 : memref<256xf32, #tpu.memory_space<hbm>>) target_semaphore(%arg11 : memref<!tpu.dma_semaphore, #tpu.memory_space<semaphore_mem>>)
    %slice3A_189 = vector.extract_strided_slice %get3A_31 {offsets = [13], sizes = [1], strides = [1]} : vector<16xi32> to vector<1xi32>
    %squeeze3A_190 = vector.extract %slice3A_189[0] : i32 from vector<1xi32>
    %add3A_191 = arith.constant 13 : i32
    %add3A_192 = arith.addi %min3A_34, %add3A_191 : i32
    %mul3A_193 = arith.constant 256 : i32
    %mul3A_194 = arith.muli %squeeze3A_190, %mul3A_193 : i32
    %mul3A_195 = arith.constant 256 : i32
    %mul3A_196 = arith.muli %add3A_192, %mul3A_195 : i32
    %dma_start3A_197 = tpu.memref_slice %arg5[%mul3A_194] : memref<30464xf32, #tpu.memory_space<vmem>> -> memref<256xf32, #tpu.memory_space<vmem>>
    %dma_start3A_198 = tpu.memref_slice %arg4[%mul3A_196] : memref<25600000xf32, #tpu.memory_space<hbm>> -> memref<256xf32, #tpu.memory_space<hbm>>
    %dma_start3A_199 = tpu.memref_slice %arg4[%mul3A_196] : memref<25600000xf32, #tpu.memory_space<hbm>> -> memref<256xf32, #tpu.memory_space<hbm>>
    %dma_start3A_200 = tpu.memref_slice %arg5[%mul3A_194] : memref<30464xf32, #tpu.memory_space<vmem>> -> memref<256xf32, #tpu.memory_space<vmem>>
    tpu.enqueue_dma source(%dma_start3A_200 : memref<256xf32, #tpu.memory_space<vmem>>) target(%dma_start3A_199 : memref<256xf32, #tpu.memory_space<hbm>>) target_semaphore(%arg11 : memref<!tpu.dma_semaphore, #tpu.memory_space<semaphore_mem>>)
    %slice3A_201 = vector.extract_strided_slice %get3A_31 {offsets = [14], sizes = [1], strides = [1]} : vector<16xi32> to vector<1xi32>
    %squeeze3A_202 = vector.extract %slice3A_201[0] : i32 from vector<1xi32>
    %add3A_203 = arith.constant 14 : i32
    %add3A_204 = arith.addi %min3A_34, %add3A_203 : i32
    %mul3A_205 = arith.constant 256 : i32
    %mul3A_206 = arith.muli %squeeze3A_202, %mul3A_205 : i32
    %mul3A_207 = arith.constant 256 : i32
    %mul3A_208 = arith.muli %add3A_204, %mul3A_207 : i32
    %dma_start3A_209 = tpu.memref_slice %arg5[%mul3A_206] : memref<30464xf32, #tpu.memory_space<vmem>> -> memref<256xf32, #tpu.memory_space<vmem>>
    %dma_start3A_210 = tpu.memref_slice %arg4[%mul3A_208] : memref<25600000xf32, #tpu.memory_space<hbm>> -> memref<256xf32, #tpu.memory_space<hbm>>
    %dma_start3A_211 = tpu.memref_slice %arg4[%mul3A_208] : memref<25600000xf32, #tpu.memory_space<hbm>> -> memref<256xf32, #tpu.memory_space<hbm>>
    %dma_start3A_212 = tpu.memref_slice %arg5[%mul3A_206] : memref<30464xf32, #tpu.memory_space<vmem>> -> memref<256xf32, #tpu.memory_space<vmem>>
    tpu.enqueue_dma source(%dma_start3A_212 : memref<256xf32, #tpu.memory_space<vmem>>) target(%dma_start3A_211 : memref<256xf32, #tpu.memory_space<hbm>>) target_semaphore(%arg11 : memref<!tpu.dma_semaphore, #tpu.memory_space<semaphore_mem>>)
    %slice3A_213 = vector.extract_strided_slice %get3A_31 {offsets = [15], sizes = [1], strides = [1]} : vector<16xi32> to vector<1xi32>
    %squeeze3A_214 = vector.extract %slice3A_213[0] : i32 from vector<1xi32>
    %add3A_215 = arith.constant 15 : i32
    %add3A_216 = arith.addi %min3A_34, %add3A_215 : i32
    %mul3A_217 = arith.constant 256 : i32
    %mul3A_218 = arith.muli %squeeze3A_214, %mul3A_217 : i32
    %mul3A_219 = arith.constant 256 : i32
    %mul3A_220 = arith.muli %add3A_216, %mul3A_219 : i32
    %dma_start3A_221 = tpu.memref_slice %arg5[%mul3A_218] : memref<30464xf32, #tpu.memory_space<vmem>> -> memref<256xf32, #tpu.memory_space<vmem>>
    %dma_start3A_222 = tpu.memref_slice %arg4[%mul3A_220] : memref<25600000xf32, #tpu.memory_space<hbm>> -> memref<256xf32, #tpu.memory_space<hbm>>
    %dma_start3A_223 = tpu.memref_slice %arg4[%mul3A_220] : memref<25600000xf32, #tpu.memory_space<hbm>> -> memref<256xf32, #tpu.memory_space<hbm>>
    %dma_start3A_224 = tpu.memref_slice %arg5[%mul3A_218] : memref<30464xf32, #tpu.memory_space<vmem>> -> memref<256xf32, #tpu.memory_space<vmem>>
    tpu.enqueue_dma source(%dma_start3A_224 : memref<256xf32, #tpu.memory_space<vmem>>) target(%dma_start3A_223 : memref<256xf32, #tpu.memory_space<hbm>>) target_semaphore(%arg11 : memref<!tpu.dma_semaphore, #tpu.memory_space<semaphore_mem>>)
    %add3A_225 = arith.constant 32 : i32
    %add3A_226 = arith.addi %mul3A_2, %add3A_225 : i32
    %min3A_227 = arith.minsi %add3A_226, %sub3A_6 : i32
    %dma_start3A_228 = arith.constant 8 : i32
    %dma_start3A_229 = tpu.memref_slice %arg6[%dma_start3A_228] : memref<24xi32, #tpu.memory_space<vmem>> -> memref<16xi32, #tpu.memory_space<vmem>>
    %dma_start3A_230 = tpu.memref_slice %arg2[%min3A_227] : memref<100000xi32, #tpu.memory_space<hbm>> -> memref<16xi32, #tpu.memory_space<hbm>>
    %dma_start3A_231 = arith.constant 8 : i32
    %dma_start3A_232 = tpu.memref_slice %arg6[%dma_start3A_231] : memref<24xi32, #tpu.memory_space<vmem>> -> memref<16xi32, #tpu.memory_space<vmem>>
    %dma_start3A_233 = tpu.memref_slice %arg2[%min3A_227] : memref<100000xi32, #tpu.memory_space<hbm>> -> memref<16xi32, #tpu.memory_space<hbm>>
    tpu.enqueue_dma source(%dma_start3A_233 : memref<16xi32, #tpu.memory_space<hbm>>) target(%dma_start3A_232 : memref<16xi32, #tpu.memory_space<vmem>>) target_semaphore(%arg9 : memref<!tpu.dma_semaphore, #tpu.memory_space<semaphore_mem>>)
    %add3A_234 = arith.constant 16 : i32
    %add3A_235 = arith.addi %mul3A_2, %add3A_234 : i32
    %min3A_236 = arith.minsi %add3A_235, %sub3A_6 : i32
    %dma_wait3A_237 = arith.constant 8 : i32
    %dma_wait3A_238 = tpu.memref_slice %arg7[%dma_wait3A_237] : memref<24xi32, #tpu.memory_space<vmem>> -> memref<16xi32, #tpu.memory_space<vmem>>
    %dma_wait3A_239 = tpu.memref_slice %arg2[%min3A_236] : memref<100000xi32, #tpu.memory_space<hbm>> -> memref<16xi32, #tpu.memory_space<hbm>>
    %dma_wait3A_240 = arith.constant 8 : i32
    %dma_wait3A_241 = tpu.memref_slice %arg7[%dma_wait3A_240] : memref<24xi32, #tpu.memory_space<vmem>> -> memref<16xi32, #tpu.memory_space<vmem>>
    %dma_wait3A_242 = tpu.memref_slice %arg2[%min3A_236] : memref<100000xi32, #tpu.memory_space<hbm>> -> memref<16xi32, #tpu.memory_space<hbm>>
    tpu.wait_dma2 semaphore(%arg10 : memref<!tpu.dma_semaphore, #tpu.memory_space<semaphore_mem>>) src(%dma_wait3A_242 : memref<16xi32, #tpu.memory_space<hbm>>) dst(%dma_wait3A_241 : memref<16xi32, #tpu.memory_space<vmem>>)
    %get3A_243 = arith.constant 8 : index
    %get3A_244 = tpu.vector_load %arg7[%get3A_243] {strides = array<i32>} : memref<24xi32, #tpu.memory_space<vmem>>, vector<16xi32>,
    %add3A_245 = arith.constant 16 : i32
    %add3A_246 = arith.addi %mul3A_2, %add3A_245 : i32
    %min3A_247 = arith.minsi %add3A_246, %sub3A_6 : i32
    %slice3A_248 = vector.extract_strided_slice %get3A_244 {offsets = [0], sizes = [1], strides = [1]} : vector<16xi32> to vector<1xi32>
    %squeeze3A_249 = vector.extract %slice3A_248[0] : i32 from vector<1xi32>
    %add3A_250 = arith.constant 0 : i32
    %add3A_251 = arith.addi %min3A_247, %add3A_250 : i32
    %mul3A_252 = arith.constant 256 : i32
    %mul3A_253 = arith.muli %squeeze3A_249, %mul3A_252 : i32
    %mul3A_254 = arith.constant 256 : i32
    %mul3A_255 = arith.muli %add3A_251, %mul3A_254 : i32
    %dma_start3A_256 = tpu.memref_slice %arg5[%mul3A_253] : memref<30464xf32, #tpu.memory_space<vmem>> -> memref<256xf32, #tpu.memory_space<vmem>>
    %dma_start3A_257 = tpu.memref_slice %arg4[%mul3A_255] : memref<25600000xf32, #tpu.memory_space<hbm>> -> memref<256xf32, #tpu.memory_space<hbm>>
    %dma_start3A_258 = tpu.memref_slice %arg4[%mul3A_255] : memref<25600000xf32, #tpu.memory_space<hbm>> -> memref<256xf32, #tpu.memory_space<hbm>>
    %dma_start3A_259 = tpu.memref_slice %arg5[%mul3A_253] : memref<30464xf32, #tpu.memory_space<vmem>> -> memref<256xf32, #tpu.memory_space<vmem>>
    tpu.enqueue_dma source(%dma_start3A_259 : memref<256xf32, #tpu.memory_space<vmem>>) target(%dma_start3A_258 : memref<256xf32, #tpu.memory_space<hbm>>) target_semaphore(%arg12 : memref<!tpu.dma_semaphore, #tpu.memory_space<semaphore_mem>>)
    %slice3A_260 = vector.extract_strided_slice %get3A_244 {offsets = [1], sizes = [1], strides = [1]} : vector<16xi32> to vector<1xi32>
    %squeeze3A_261 = vector.extract %slice3A_260[0] : i32 from vector<1xi32>
    %add3A_262 = arith.constant 1 : i32
    %add3A_263 = arith.addi %min3A_247, %add3A_262 : i32
    %mul3A_264 = arith.constant 256 : i32
    %mul3A_265 = arith.muli %squeeze3A_261, %mul3A_264 : i32
    %mul3A_266 = arith.constant 256 : i32
    %mul3A_267 = arith.muli %add3A_263, %mul3A_266 : i32
    %dma_start3A_268 = tpu.memref_slice %arg5[%mul3A_265] : memref<30464xf32, #tpu.memory_space<vmem>> -> memref<256xf32, #tpu.memory_space<vmem>>
    %dma_start3A_269 = tpu.memref_slice %arg4[%mul3A_267] : memref<25600000xf32, #tpu.memory_space<hbm>> -> memref<256xf32, #tpu.memory_space<hbm>>
    %dma_start3A_270 = tpu.memref_slice %arg4[%mul3A_267] : memref<25600000xf32, #tpu.memory_space<hbm>> -> memref<256xf32, #tpu.memory_space<hbm>>
    %dma_start3A_271 = tpu.memref_slice %arg5[%mul3A_265] : memref<30464xf32, #tpu.memory_space<vmem>> -> memref<256xf32, #tpu.memory_space<vmem>>
    tpu.enqueue_dma source(%dma_start3A_271 : memref<256xf32, #tpu.memory_space<vmem>>) target(%dma_start3A_270 : memref<256xf32, #tpu.memory_space<hbm>>) target_semaphore(%arg12 : memref<!tpu.dma_semaphore, #tpu.memory_space<semaphore_mem>>)
    %slice3A_272 = vector.extract_strided_slice %get3A_244 {offsets = [2], sizes = [1], strides = [1]} : vector<16xi32> to vector<1xi32>
    %squeeze3A_273 = vector.extract %slice3A_272[0] : i32 from vector<1xi32>
    %add3A_274 = arith.constant 2 : i32
    %add3A_275 = arith.addi %min3A_247, %add3A_274 : i32
    %mul3A_276 = arith.constant 256 : i32
    %mul3A_277 = arith.muli %squeeze3A_273, %mul3A_276 : i32
    %mul3A_278 = arith.constant 256 : i32
    %mul3A_279 = arith.muli %add3A_275, %mul3A_278 : i32
    %dma_start3A_280 = tpu.memref_slice %arg5[%mul3A_277] : memref<30464xf32, #tpu.memory_space<vmem>> -> memref<256xf32, #tpu.memory_space<vmem>>
    %dma_start3A_281 = tpu.memref_slice %arg4[%mul3A_279] : memref<25600000xf32, #tpu.memory_space<hbm>> -> memref<256xf32, #tpu.memory_space<hbm>>
    %dma_start3A_282 = tpu.memref_slice %arg4[%mul3A_279] : memref<25600000xf32, #tpu.memory_space<hbm>> -> memref<256xf32, #tpu.memory_space<hbm>>
    %dma_start3A_283 = tpu.memref_slice %arg5[%mul3A_277] : memref<30464xf32, #tpu.memory_space<vmem>> -> memref<256xf32, #tpu.memory_space<vmem>>
    tpu.enqueue_dma source(%dma_start3A_283 : memref<256xf32, #tpu.memory_space<vmem>>) target(%dma_start3A_282 : memref<256xf32, #tpu.memory_space<hbm>>) target_semaphore(%arg12 : memref<!tpu.dma_semaphore, #tpu.memory_space<semaphore_mem>>)
    %slice3A_284 = vector.extract_strided_slice %get3A_244 {offsets = [3], sizes = [1], strides = [1]} : vector<16xi32> to vector<1xi32>
    %squeeze3A_285 = vector.extract %slice3A_284[0] : i32 from vector<1xi32>
    %add3A_286 = arith.constant 3 : i32
    %add3A_287 = arith.addi %min3A_247, %add3A_286 : i32
    %mul3A_288 = arith.constant 256 : i32
    %mul3A_289 = arith.muli %squeeze3A_285, %mul3A_288 : i32
    %mul3A_290 = arith.constant 256 : i32
    %mul3A_291 = arith.muli %add3A_287, %mul3A_290 : i32
    %dma_start3A_292 = tpu.memref_slice %arg5[%mul3A_289] : memref<30464xf32, #tpu.memory_space<vmem>> -> memref<256xf32, #tpu.memory_space<vmem>>
    %dma_start3A_293 = tpu.memref_slice %arg4[%mul3A_291] : memref<25600000xf32, #tpu.memory_space<hbm>> -> memref<256xf32, #tpu.memory_space<hbm>>
    %dma_start3A_294 = tpu.memref_slice %arg4[%mul3A_291] : memref<25600000xf32, #tpu.memory_space<hbm>> -> memref<256xf32, #tpu.memory_space<hbm>>
    %dma_start3A_295 = tpu.memref_slice %arg5[%mul3A_289] : memref<30464xf32, #tpu.memory_space<vmem>> -> memref<256xf32, #tpu.memory_space<vmem>>
    tpu.enqueue_dma source(%dma_start3A_295 : memref<256xf32, #tpu.memory_space<vmem>>) target(%dma_start3A_294 : memref<256xf32, #tpu.memory_space<hbm>>) target_semaphore(%arg12 : memref<!tpu.dma_semaphore, #tpu.memory_space<semaphore_mem>>)
    %slice3A_296 = vector.extract_strided_slice %get3A_244 {offsets = [4], sizes = [1], strides = [1]} : vector<16xi32> to vector<1xi32>
    %squeeze3A_297 = vector.extract %slice3A_296[0] : i32 from vector<1xi32>
    %add3A_298 = arith.constant 4 : i32
    %add3A_299 = arith.addi %min3A_247, %add3A_298 : i32
    %mul3A_300 = arith.constant 256 : i32
    %mul3A_301 = arith.muli %squeeze3A_297, %mul3A_300 : i32
    %mul3A_302 = arith.constant 256 : i32
    %mul3A_303 = arith.muli %add3A_299, %mul3A_302 : i32
    %dma_start3A_304 = tpu.memref_slice %arg5[%mul3A_301] : memref<30464xf32, #tpu.memory_space<vmem>> -> memref<256xf32, #tpu.memory_space<vmem>>
    %dma_start3A_305 = tpu.memref_slice %arg4[%mul3A_303] : memref<25600000xf32, #tpu.memory_space<hbm>> -> memref<256xf32, #tpu.memory_space<hbm>>
    %dma_start3A_306 = tpu.memref_slice %arg4[%mul3A_303] : memref<25600000xf32, #tpu.memory_space<hbm>> -> memref<256xf32, #tpu.memory_space<hbm>>
    %dma_start3A_307 = tpu.memref_slice %arg5[%mul3A_301] : memref<30464xf32, #tpu.memory_space<vmem>> -> memref<256xf32, #tpu.memory_space<vmem>>
    tpu.enqueue_dma source(%dma_start3A_307 : memref<256xf32, #tpu.memory_space<vmem>>) target(%dma_start3A_306 : memref<256xf32, #tpu.memory_space<hbm>>) target_semaphore(%arg12 : memref<!tpu.dma_semaphore, #tpu.memory_space<semaphore_mem>>)
    %slice3A_308 = vector.extract_strided_slice %get3A_244 {offsets = [5], sizes = [1], strides = [1]} : vector<16xi32> to vector<1xi32>
    %squeeze3A_309 = vector.extract %slice3A_308[0] : i32 from vector<1xi32>
    %add3A_310 = arith.constant 5 : i32
    %add3A_311 = arith.addi %min3A_247, %add3A_310 : i32
    %mul3A_312 = arith.constant 256 : i32
    %mul3A_313 = arith.muli %squeeze3A_309, %mul3A_312 : i32
    %mul3A_314 = arith.constant 256 : i32
    %mul3A_315 = arith.muli %add3A_311, %mul3A_314 : i32
    %dma_start3A_316 = tpu.memref_slice %arg5[%mul3A_313] : memref<30464xf32, #tpu.memory_space<vmem>> -> memref<256xf32, #tpu.memory_space<vmem>>
    %dma_start3A_317 = tpu.memref_slice %arg4[%mul3A_315] : memref<25600000xf32, #tpu.memory_space<hbm>> -> memref<256xf32, #tpu.memory_space<hbm>>
    %dma_start3A_318 = tpu.memref_slice %arg4[%mul3A_315] : memref<25600000xf32, #tpu.memory_space<hbm>> -> memref<256xf32, #tpu.memory_space<hbm>>
    %dma_start3A_319 = tpu.memref_slice %arg5[%mul3A_313] : memref<30464xf32, #tpu.memory_space<vmem>> -> memref<256xf32, #tpu.memory_space<vmem>>
    tpu.enqueue_dma source(%dma_start3A_319 : memref<256xf32, #tpu.memory_space<vmem>>) target(%dma_start3A_318 : memref<256xf32, #tpu.memory_space<hbm>>) target_semaphore(%arg12 : memref<!tpu.dma_semaphore, #tpu.memory_space<semaphore_mem>>)
    %slice3A_320 = vector.extract_strided_slice %get3A_244 {offsets = [6], sizes = [1], strides = [1]} : vector<16xi32> to vector<1xi32>
    %squeeze3A_321 = vector.extract %slice3A_320[0] : i32 from vector<1xi32>
    %add3A_322 = arith.constant 6 : i32
    %add3A_323 = arith.addi %min3A_247, %add3A_322 : i32
    %mul3A_324 = arith.constant 256 : i32
    %mul3A_325 = arith.muli %squeeze3A_321, %mul3A_324 : i32
    %mul3A_326 = arith.constant 256 : i32
    %mul3A_327 = arith.muli %add3A_323, %mul3A_326 : i32
    %dma_start3A_328 = tpu.memref_slice %arg5[%mul3A_325] : memref<30464xf32, #tpu.memory_space<vmem>> -> memref<256xf32, #tpu.memory_space<vmem>>
    %dma_start3A_329 = tpu.memref_slice %arg4[%mul3A_327] : memref<25600000xf32, #tpu.memory_space<hbm>> -> memref<256xf32, #tpu.memory_space<hbm>>
    %dma_start3A_330 = tpu.memref_slice %arg4[%mul3A_327] : memref<25600000xf32, #tpu.memory_space<hbm>> -> memref<256xf32, #tpu.memory_space<hbm>>
    %dma_start3A_331 = tpu.memref_slice %arg5[%mul3A_325] : memref<30464xf32, #tpu.memory_space<vmem>> -> memref<256xf32, #tpu.memory_space<vmem>>
    tpu.enqueue_dma source(%dma_start3A_331 : memref<256xf32, #tpu.memory_space<vmem>>) target(%dma_start3A_330 : memref<256xf32, #tpu.memory_space<hbm>>) target_semaphore(%arg12 : memref<!tpu.dma_semaphore, #tpu.memory_space<semaphore_mem>>)
    %slice3A_332 = vector.extract_strided_slice %get3A_244 {offsets = [7], sizes = [1], strides = [1]} : vector<16xi32> to vector<1xi32>
    %squeeze3A_333 = vector.extract %slice3A_332[0] : i32 from vector<1xi32>
    %add3A_334 = arith.constant 7 : i32
    %add3A_335 = arith.addi %min3A_247, %add3A_334 : i32
    %mul3A_336 = arith.constant 256 : i32
    %mul3A_337 = arith.muli %squeeze3A_333, %mul3A_336 : i32
    %mul3A_338 = arith.constant 256 : i32
    %mul3A_339 = arith.muli %add3A_335, %mul3A_338 : i32
    %dma_start3A_340 = tpu.memref_slice %arg5[%mul3A_337] : memref<30464xf32, #tpu.memory_space<vmem>> -> memref<256xf32, #tpu.memory_space<vmem>>
    %dma_start3A_341 = tpu.memref_slice %arg4[%mul3A_339] : memref<25600000xf32, #tpu.memory_space<hbm>> -> memref<256xf32, #tpu.memory_space<hbm>>
    %dma_start3A_342 = tpu.memref_slice %arg4[%mul3A_339] : memref<25600000xf32, #tpu.memory_space<hbm>> -> memref<256xf32, #tpu.memory_space<hbm>>
    %dma_start3A_343 = tpu.memref_slice %arg5[%mul3A_337] : memref<30464xf32, #tpu.memory_space<vmem>> -> memref<256xf32, #tpu.memory_space<vmem>>
    tpu.enqueue_dma source(%dma_start3A_343 : memref<256xf32, #tpu.memory_space<vmem>>) target(%dma_start3A_342 : memref<256xf32, #tpu.memory_space<hbm>>) target_semaphore(%arg12 : memref<!tpu.dma_semaphore, #tpu.memory_space<semaphore_mem>>)
    %slice3A_344 = vector.extract_strided_slice %get3A_244 {offsets = [8], sizes = [1], strides = [1]} : vector<16xi32> to vector<1xi32>
    %squeeze3A_345 = vector.extract %slice3A_344[0] : i32 from vector<1xi32>
    %add3A_346 = arith.constant 8 : i32
    %add3A_347 = arith.addi %min3A_247, %add3A_346 : i32
    %mul3A_348 = arith.constant 256 : i32
    %mul3A_349 = arith.muli %squeeze3A_345, %mul3A_348 : i32
    %mul3A_350 = arith.constant 256 : i32
    %mul3A_351 = arith.muli %add3A_347, %mul3A_350 : i32
    %dma_start3A_352 = tpu.memref_slice %arg5[%mul3A_349] : memref<30464xf32, #tpu.memory_space<vmem>> -> memref<256xf32, #tpu.memory_space<vmem>>
    %dma_start3A_353 = tpu.memref_slice %arg4[%mul3A_351] : memref<25600000xf32, #tpu.memory_space<hbm>> -> memref<256xf32, #tpu.memory_space<hbm>>
    %dma_start3A_354 = tpu.memref_slice %arg4[%mul3A_351] : memref<25600000xf32, #tpu.memory_space<hbm>> -> memref<256xf32, #tpu.memory_space<hbm>>
    %dma_start3A_355 = tpu.memref_slice %arg5[%mul3A_349] : memref<30464xf32, #tpu.memory_space<vmem>> -> memref<256xf32, #tpu.memory_space<vmem>>
    tpu.enqueue_dma source(%dma_start3A_355 : memref<256xf32, #tpu.memory_space<vmem>>) target(%dma_start3A_354 : memref<256xf32, #tpu.memory_space<hbm>>) target_semaphore(%arg12 : memref<!tpu.dma_semaphore, #tpu.memory_space<semaphore_mem>>)
    %slice3A_356 = vector.extract_strided_slice %get3A_244 {offsets = [9], sizes = [1], strides = [1]} : vector<16xi32> to vector<1xi32>
    %squeeze3A_357 = vector.extract %slice3A_356[0] : i32 from vector<1xi32>
    %add3A_358 = arith.constant 9 : i32
    %add3A_359 = arith.addi %min3A_247, %add3A_358 : i32
    %mul3A_360 = arith.constant 256 : i32
    %mul3A_361 = arith.muli %squeeze3A_357, %mul3A_360 : i32
    %mul3A_362 = arith.constant 256 : i32
    %mul3A_363 = arith.muli %add3A_359, %mul3A_362 : i32
    %dma_start3A_364 = tpu.memref_slice %arg5[%mul3A_361] : memref<30464xf32, #tpu.memory_space<vmem>> -> memref<256xf32, #tpu.memory_space<vmem>>
    %dma_start3A_365 = tpu.memref_slice %arg4[%mul3A_363] : memref<25600000xf32, #tpu.memory_space<hbm>> -> memref<256xf32, #tpu.memory_space<hbm>>
    %dma_start3A_366 = tpu.memref_slice %arg4[%mul3A_363] : memref<25600000xf32, #tpu.memory_space<hbm>> -> memref<256xf32, #tpu.memory_space<hbm>>
    %dma_start3A_367 = tpu.memref_slice %arg5[%mul3A_361] : memref<30464xf32, #tpu.memory_space<vmem>> -> memref<256xf32, #tpu.memory_space<vmem>>
    tpu.enqueue_dma source(%dma_start3A_367 : memref<256xf32, #tpu.memory_space<vmem>>) target(%dma_start3A_366 : memref<256xf32, #tpu.memory_space<hbm>>) target_semaphore(%arg12 : memref<!tpu.dma_semaphore, #tpu.memory_space<semaphore_mem>>)
    %slice3A_368 = vector.extract_strided_slice %get3A_244 {offsets = [10], sizes = [1], strides = [1]} : vector<16xi32> to vector<1xi32>
    %squeeze3A_369 = vector.extract %slice3A_368[0] : i32 from vector<1xi32>
    %add3A_370 = arith.constant 10 : i32
    %add3A_371 = arith.addi %min3A_247, %add3A_370 : i32
    %mul3A_372 = arith.constant 256 : i32
    %mul3A_373 = arith.muli %squeeze3A_369, %mul3A_372 : i32
    %mul3A_374 = arith.constant 256 : i32
    %mul3A_375 = arith.muli %add3A_371, %mul3A_374 : i32
    %dma_start3A_376 = tpu.memref_slice %arg5[%mul3A_373] : memref<30464xf32, #tpu.memory_space<vmem>> -> memref<256xf32, #tpu.memory_space<vmem>>
    %dma_start3A_377 = tpu.memref_slice %arg4[%mul3A_375] : memref<25600000xf32, #tpu.memory_space<hbm>> -> memref<256xf32, #tpu.memory_space<hbm>>
    %dma_start3A_378 = tpu.memref_slice %arg4[%mul3A_375] : memref<25600000xf32, #tpu.memory_space<hbm>> -> memref<256xf32, #tpu.memory_space<hbm>>
    %dma_start3A_379 = tpu.memref_slice %arg5[%mul3A_373] : memref<30464xf32, #tpu.memory_space<vmem>> -> memref<256xf32, #tpu.memory_space<vmem>>
    tpu.enqueue_dma source(%dma_start3A_379 : memref<256xf32, #tpu.memory_space<vmem>>) target(%dma_start3A_378 : memref<256xf32, #tpu.memory_space<hbm>>) target_semaphore(%arg12 : memref<!tpu.dma_semaphore, #tpu.memory_space<semaphore_mem>>)
    %slice3A_380 = vector.extract_strided_slice %get3A_244 {offsets = [11], sizes = [1], strides = [1]} : vector<16xi32> to vector<1xi32>
    %squeeze3A_381 = vector.extract %slice3A_380[0] : i32 from vector<1xi32>
    %add3A_382 = arith.constant 11 : i32
    %add3A_383 = arith.addi %min3A_247, %add3A_382 : i32
    %mul3A_384 = arith.constant 256 : i32
    %mul3A_385 = arith.muli %squeeze3A_381, %mul3A_384 : i32
    %mul3A_386 = arith.constant 256 : i32
    %mul3A_387 = arith.muli %add3A_383, %mul3A_386 : i32
    %dma_start3A_388 = tpu.memref_slice %arg5[%mul3A_385] : memref<30464xf32, #tpu.memory_space<vmem>> -> memref<256xf32, #tpu.memory_space<vmem>>
    %dma_start3A_389 = tpu.memref_slice %arg4[%mul3A_387] : memref<25600000xf32, #tpu.memory_space<hbm>> -> memref<256xf32, #tpu.memory_space<hbm>>
    %dma_start3A_390 = tpu.memref_slice %arg4[%mul3A_387] : memref<25600000xf32, #tpu.memory_space<hbm>> -> memref<256xf32, #tpu.memory_space<hbm>>
    %dma_start3A_391 = tpu.memref_slice %arg5[%mul3A_385] : memref<30464xf32, #tpu.memory_space<vmem>> -> memref<256xf32, #tpu.memory_space<vmem>>
    tpu.enqueue_dma source(%dma_start3A_391 : memref<256xf32, #tpu.memory_space<vmem>>) target(%dma_start3A_390 : memref<256xf32, #tpu.memory_space<hbm>>) target_semaphore(%arg12 : memref<!tpu.dma_semaphore, #tpu.memory_space<semaphore_mem>>)
    %slice3A_392 = vector.extract_strided_slice %get3A_244 {offsets = [12], sizes = [1], strides = [1]} : vector<16xi32> to vector<1xi32>
    %squeeze3A_393 = vector.extract %slice3A_392[0] : i32 from vector<1xi32>
    %add3A_394 = arith.constant 12 : i32
    %add3A_395 = arith.addi %min3A_247, %add3A_394 : i32
    %mul3A_396 = arith.constant 256 : i32
    %mul3A_397 = arith.muli %squeeze3A_393, %mul3A_396 : i32
    %mul3A_398 = arith.constant 256 : i32
    %mul3A_399 = arith.muli %add3A_395, %mul3A_398 : i32
    %dma_start3A_400 = tpu.memref_slice %arg5[%mul3A_397] : memref<30464xf32, #tpu.memory_space<vmem>> -> memref<256xf32, #tpu.memory_space<vmem>>
    %dma_start3A_401 = tpu.memref_slice %arg4[%mul3A_399] : memref<25600000xf32, #tpu.memory_space<hbm>> -> memref<256xf32, #tpu.memory_space<hbm>>
    %dma_start3A_402 = tpu.memref_slice %arg4[%mul3A_399] : memref<25600000xf32, #tpu.memory_space<hbm>> -> memref<256xf32, #tpu.memory_space<hbm>>
    %dma_start3A_403 = tpu.memref_slice %arg5[%mul3A_397] : memref<30464xf32, #tpu.memory_space<vmem>> -> memref<256xf32, #tpu.memory_space<vmem>>
    tpu.enqueue_dma source(%dma_start3A_403 : memref<256xf32, #tpu.memory_space<vmem>>) target(%dma_start3A_402 : memref<256xf32, #tpu.memory_space<hbm>>) target_semaphore(%arg12 : memref<!tpu.dma_semaphore, #tpu.memory_space<semaphore_mem>>)
    %slice3A_404 = vector.extract_strided_slice %get3A_244 {offsets = [13], sizes = [1], strides = [1]} : vector<16xi32> to vector<1xi32>
    %squeeze3A_405 = vector.extract %slice3A_404[0] : i32 from vector<1xi32>
    %add3A_406 = arith.constant 13 : i32
    %add3A_407 = arith.addi %min3A_247, %add3A_406 : i32
    %mul3A_408 = arith.constant 256 : i32
    %mul3A_409 = arith.muli %squeeze3A_405, %mul3A_408 : i32
    %mul3A_410 = arith.constant 256 : i32
    %mul3A_411 = arith.muli %add3A_407, %mul3A_410 : i32
    %dma_start3A_412 = tpu.memref_slice %arg5[%mul3A_409] : memref<30464xf32, #tpu.memory_space<vmem>> -> memref<256xf32, #tpu.memory_space<vmem>>
    %dma_start3A_413 = tpu.memref_slice %arg4[%mul3A_411] : memref<25600000xf32, #tpu.memory_space<hbm>> -> memref<256xf32, #tpu.memory_space<hbm>>
    %dma_start3A_414 = tpu.memref_slice %arg4[%mul3A_411] : memref<25600000xf32, #tpu.memory_space<hbm>> -> memref<256xf32, #tpu.memory_space<hbm>>
    %dma_start3A_415 = tpu.memref_slice %arg5[%mul3A_409] : memref<30464xf32, #tpu.memory_space<vmem>> -> memref<256xf32, #tpu.memory_space<vmem>>
    tpu.enqueue_dma source(%dma_start3A_415 : memref<256xf32, #tpu.memory_space<vmem>>) target(%dma_start3A_414 : memref<256xf32, #tpu.memory_space<hbm>>) target_semaphore(%arg12 : memref<!tpu.dma_semaphore, #tpu.memory_space<semaphore_mem>>)
    %slice3A_416 = vector.extract_strided_slice %get3A_244 {offsets = [14], sizes = [1], strides = [1]} : vector<16xi32> to vector<1xi32>
    %squeeze3A_417 = vector.extract %slice3A_416[0] : i32 from vector<1xi32>
    %add3A_418 = arith.constant 14 : i32
    %add3A_419 = arith.addi %min3A_247, %add3A_418 : i32
    %mul3A_420 = arith.constant 256 : i32
    %mul3A_421 = arith.muli %squeeze3A_417, %mul3A_420 : i32
    %mul3A_422 = arith.constant 256 : i32
    %mul3A_423 = arith.muli %add3A_419, %mul3A_422 : i32
    %dma_start3A_424 = tpu.memref_slice %arg5[%mul3A_421] : memref<30464xf32, #tpu.memory_space<vmem>> -> memref<256xf32, #tpu.memory_space<vmem>>
    %dma_start3A_425 = tpu.memref_slice %arg4[%mul3A_423] : memref<25600000xf32, #tpu.memory_space<hbm>> -> memref<256xf32, #tpu.memory_space<hbm>>
    %dma_start3A_426 = tpu.memref_slice %arg4[%mul3A_423] : memref<25600000xf32, #tpu.memory_space<hbm>> -> memref<256xf32, #tpu.memory_space<hbm>>
    %dma_start3A_427 = tpu.memref_slice %arg5[%mul3A_421] : memref<30464xf32, #tpu.memory_space<vmem>> -> memref<256xf32, #tpu.memory_space<vmem>>
    tpu.enqueue_dma source(%dma_start3A_427 : memref<256xf32, #tpu.memory_space<vmem>>) target(%dma_start3A_426 : memref<256xf32, #tpu.memory_space<hbm>>) target_semaphore(%arg12 : memref<!tpu.dma_semaphore, #tpu.memory_space<semaphore_mem>>)
    %slice3A_428 = vector.extract_strided_slice %get3A_244 {offsets = [15], sizes = [1], strides = [1]} : vector<16xi32> to vector<1xi32>
    %squeeze3A_429 = vector.extract %slice3A_428[0] : i32 from vector<1xi32>
    %add3A_430 = arith.constant 15 : i32
    %add3A_431 = arith.addi %min3A_247, %add3A_430 : i32
    %mul3A_432 = arith.constant 256 : i32
    %mul3A_433 = arith.muli %squeeze3A_429, %mul3A_432 : i32
    %mul3A_434 = arith.constant 256 : i32
    %mul3A_435 = arith.muli %add3A_431, %mul3A_434 : i32
    %dma_start3A_436 = tpu.memref_slice %arg5[%mul3A_433] : memref<30464xf32, #tpu.memory_space<vmem>> -> memref<256xf32, #tpu.memory_space<vmem>>
    %dma_start3A_437 = tpu.memref_slice %arg4[%mul3A_435] : memref<25600000xf32, #tpu.memory_space<hbm>> -> memref<256xf32, #tpu.memory_space<hbm>>
    %dma_start3A_438 = tpu.memref_slice %arg4[%mul3A_435] : memref<25600000xf32, #tpu.memory_space<hbm>> -> memref<256xf32, #tpu.memory_space<hbm>>
    %dma_start3A_439 = tpu.memref_slice %arg5[%mul3A_433] : memref<30464xf32, #tpu.memory_space<vmem>> -> memref<256xf32, #tpu.memory_space<vmem>>
    tpu.enqueue_dma source(%dma_start3A_439 : memref<256xf32, #tpu.memory_space<vmem>>) target(%dma_start3A_438 : memref<256xf32, #tpu.memory_space<hbm>>) target_semaphore(%arg12 : memref<!tpu.dma_semaphore, #tpu.memory_space<semaphore_mem>>)
    %add3A_440 = arith.constant 48 : i32
    %add3A_441 = arith.addi %mul3A_2, %add3A_440 : i32
    %min3A_442 = arith.minsi %add3A_441, %sub3A_6 : i32
    %dma_start3A_443 = arith.constant 8 : i32
    %dma_start3A_444 = tpu.memref_slice %arg7[%dma_start3A_443] : memref<24xi32, #tpu.memory_space<vmem>> -> memref<16xi32, #tpu.memory_space<vmem>>
    %dma_start3A_445 = tpu.memref_slice %arg2[%min3A_442] : memref<100000xi32, #tpu.memory_space<hbm>> -> memref<16xi32, #tpu.memory_space<hbm>>
    %dma_start3A_446 = arith.constant 8 : i32
    %dma_start3A_447 = tpu.memref_slice %arg7[%dma_start3A_446] : memref<24xi32, #tpu.memory_space<vmem>> -> memref<16xi32, #tpu.memory_space<vmem>>
    %dma_start3A_448 = tpu.memref_slice %arg2[%min3A_442] : memref<100000xi32, #tpu.memory_space<hbm>> -> memref<16xi32, #tpu.memory_space<hbm>>
    tpu.enqueue_dma source(%dma_start3A_448 : memref<16xi32, #tpu.memory_space<hbm>>) target(%dma_start3A_447 : memref<16xi32, #tpu.memory_space<vmem>>) target_semaphore(%arg10 : memref<!tpu.dma_semaphore, #tpu.memory_space<semaphore_mem>>)
    %scan3A = arith.constant 1 : i32
    %scan3A_449 = arith.constant 97 : i32
    %scan3A_450 = arith.addi %scan3A, %scan3A_449 : i32
    %scan3A_451 = arith.constant 1 : i32
    scf.for %scan3A_727 = %scan3A to %scan3A_450 step %scan3A_451  : i32 {
      %mul3A_728 = arith.constant 2 : i32
      %mul3A_729 = arith.muli %mul3A_728, %scan3A_727 : i32
      %add3A_730 = arith.constant 0 : i32
      %add3A_731 = arith.addi %mul3A_729, %add3A_730 : i32
      %mul3A_732 = arith.constant 16 : i32
      %mul3A_733 = arith.muli %add3A_731, %mul3A_732 : i32
      %add3A_734 = arith.addi %mul3A_2, %mul3A_733 : i32
      %min3A_735 = arith.minsi %add3A_734, %sub3A_6 : i32
      %dma_wait3A_736 = arith.constant 8 : i32
      %dma_wait3A_737 = tpu.memref_slice %arg6[%dma_wait3A_736] : memref<24xi32, #tpu.memory_space<vmem>> -> memref<16xi32, #tpu.memory_space<vmem>>
      %dma_wait3A_738 = tpu.memref_slice %arg2[%min3A_735] : memref<100000xi32, #tpu.memory_space<hbm>> -> memref<16xi32, #tpu.memory_space<hbm>>
      %dma_wait3A_739 = arith.constant 8 : i32
      %dma_wait3A_740 = tpu.memref_slice %arg6[%dma_wait3A_739] : memref<24xi32, #tpu.memory_space<vmem>> -> memref<16xi32, #tpu.memory_space<vmem>>
      %dma_wait3A_741 = tpu.memref_slice %arg2[%min3A_735] : memref<100000xi32, #tpu.memory_space<hbm>> -> memref<16xi32, #tpu.memory_space<hbm>>
      tpu.wait_dma2 semaphore(%arg9 : memref<!tpu.dma_semaphore, #tpu.memory_space<semaphore_mem>>) src(%dma_wait3A_741 : memref<16xi32, #tpu.memory_space<hbm>>) dst(%dma_wait3A_740 : memref<16xi32, #tpu.memory_space<vmem>>)
      %dma_wait3A_742 = arith.constant 0 : i32
      %dma_wait3A_743 = tpu.memref_slice %arg5[%dma_wait3A_742] : memref<30464xf32, #tpu.memory_space<vmem>> -> memref<256xf32, #tpu.memory_space<vmem>>
      %dma_wait3A_744 = arith.constant 0 : i32
      %dma_wait3A_745 = tpu.memref_slice %arg4[%dma_wait3A_744] : memref<25600000xf32, #tpu.memory_space<hbm>> -> memref<256xf32, #tpu.memory_space<hbm>>
      %dma_wait3A_746 = arith.constant 0 : i32
      %dma_wait3A_747 = tpu.memref_slice %arg4[%dma_wait3A_746] : memref<25600000xf32, #tpu.memory_space<hbm>> -> memref<256xf32, #tpu.memory_space<hbm>>
      %dma_wait3A_748 = arith.constant 0 : i32
      %dma_wait3A_749 = tpu.memref_slice %arg5[%dma_wait3A_748] : memref<30464xf32, #tpu.memory_space<vmem>> -> memref<256xf32, #tpu.memory_space<vmem>>
      tpu.wait_dma2 semaphore(%arg11 : memref<!tpu.dma_semaphore, #tpu.memory_space<semaphore_mem>>) src(%dma_wait3A_749 : memref<256xf32, #tpu.memory_space<vmem>>) dst(%dma_wait3A_747 : memref<256xf32, #tpu.memory_space<hbm>>)
      %dma_wait3A_750 = arith.constant 0 : i32
      %dma_wait3A_751 = tpu.memref_slice %arg5[%dma_wait3A_750] : memref<30464xf32, #tpu.memory_space<vmem>> -> memref<256xf32, #tpu.memory_space<vmem>>
      %dma_wait3A_752 = arith.constant 0 : i32
      %dma_wait3A_753 = tpu.memref_slice %arg4[%dma_wait3A_752] : memref<25600000xf32, #tpu.memory_space<hbm>> -> memref<256xf32, #tpu.memory_space<hbm>>
      %dma_wait3A_754 = arith.constant 0 : i32
      %dma_wait3A_755 = tpu.memref_slice %arg4[%dma_wait3A_754] : memref<25600000xf32, #tpu.memory_space<hbm>> -> memref<256xf32, #tpu.memory_space<hbm>>
      %dma_wait3A_756 = arith.constant 0 : i32
      %dma_wait3A_757 = tpu.memref_slice %arg5[%dma_wait3A_756] : memref<30464xf32, #tpu.memory_space<vmem>> -> memref<256xf32, #tpu.memory_space<vmem>>
      tpu.wait_dma2 semaphore(%arg11 : memref<!tpu.dma_semaphore, #tpu.memory_space<semaphore_mem>>) src(%dma_wait3A_757 : memref<256xf32, #tpu.memory_space<vmem>>) dst(%dma_wait3A_755 : memref<256xf32, #tpu.memory_space<hbm>>)
      %dma_wait3A_758 = arith.constant 0 : i32
      %dma_wait3A_759 = tpu.memref_slice %arg5[%dma_wait3A_758] : memref<30464xf32, #tpu.memory_space<vmem>> -> memref<256xf32, #tpu.memory_space<vmem>>
      %dma_wait3A_760 = arith.constant 0 : i32
      %dma_wait3A_761 = tpu.memref_slice %arg4[%dma_wait3A_760] : memref<25600000xf32, #tpu.memory_space<hbm>> -> memref<256xf32, #tpu.memory_space<hbm>>
      %dma_wait3A_762 = arith.constant 0 : i32
      %dma_wait3A_763 = tpu.memref_slice %arg4[%dma_wait3A_762] : memref<25600000xf32, #tpu.memory_space<hbm>> -> memref<256xf32, #tpu.memory_space<hbm>>
      %dma_wait3A_764 = arith.constant 0 : i32
      %dma_wait3A_765 = tpu.memref_slice %arg5[%dma_wait3A_764] : memref<30464xf32, #tpu.memory_space<vmem>> -> memref<256xf32, #tpu.memory_space<vmem>>
      tpu.wait_dma2 semaphore(%arg11 : memref<!tpu.dma_semaphore, #tpu.memory_space<semaphore_mem>>) src(%dma_wait3A_765 : memref<256xf32, #tpu.memory_space<vmem>>) dst(%dma_wait3A_763 : memref<256xf32, #tpu.memory_space<hbm>>)
      %dma_wait3A_766 = arith.constant 0 : i32
      %dma_wait3A_767 = tpu.memref_slice %arg5[%dma_wait3A_766] : memref<30464xf32, #tpu.memory_space<vmem>> -> memref<256xf32, #tpu.memory_space<vmem>>
      %dma_wait3A_768 = arith.constant 0 : i32
      %dma_wait3A_769 = tpu.memref_slice %arg4[%dma_wait3A_768] : memref<25600000xf32, #tpu.memory_space<hbm>> -> memref<256xf32, #tpu.memory_space<hbm>>
      %dma_wait3A_770 = arith.constant 0 : i32
      %dma_wait3A_771 = tpu.memref_slice %arg4[%dma_wait3A_770] : memref<25600000xf32, #tpu.memory_space<hbm>> -> memref<256xf32, #tpu.memory_space<hbm>>
      %dma_wait3A_772 = arith.constant 0 : i32
      %dma_wait3A_773 = tpu.memref_slice %arg5[%dma_wait3A_772] : memref<30464xf32, #tpu.memory_space<vmem>> -> memref<256xf32, #tpu.memory_space<vmem>>
      tpu.wait_dma2 semaphore(%arg11 : memref<!tpu.dma_semaphore, #tpu.memory_space<semaphore_mem>>) src(%dma_wait3A_773 : memref<256xf32, #tpu.memory_space<vmem>>) dst(%dma_wait3A_771 : memref<256xf32, #tpu.memory_space<hbm>>)
      %dma_wait3A_774 = arith.constant 0 : i32
      %dma_wait3A_775 = tpu.memref_slice %arg5[%dma_wait3A_774] : memref<30464xf32, #tpu.memory_space<vmem>> -> memref<256xf32, #tpu.memory_space<vmem>>
      %dma_wait3A_776 = arith.constant 0 : i32
      %dma_wait3A_777 = tpu.memref_slice %arg4[%dma_wait3A_776] : memref<25600000xf32, #tpu.memory_space<hbm>> -> memref<256xf32, #tpu.memory_space<hbm>>
      %dma_wait3A_778 = arith.constant 0 : i32
      %dma_wait3A_779 = tpu.memref_slice %arg4[%dma_wait3A_778] : memref<25600000xf32, #tpu.memory_space<hbm>> -> memref<256xf32, #tpu.memory_space<hbm>>
      %dma_wait3A_780 = arith.constant 0 : i32
      %dma_wait3A_781 = tpu.memref_slice %arg5[%dma_wait3A_780] : memref<30464xf32, #tpu.memory_space<vmem>> -> memref<256xf32, #tpu.memory_space<vmem>>
      tpu.wait_dma2 semaphore(%arg11 : memref<!tpu.dma_semaphore, #tpu.memory_space<semaphore_mem>>) src(%dma_wait3A_781 : memref<256xf32, #tpu.memory_space<vmem>>) dst(%dma_wait3A_779 : memref<256xf32, #tpu.memory_space<hbm>>)
      %dma_wait3A_782 = arith.constant 0 : i32
      %dma_wait3A_783 = tpu.memref_slice %arg5[%dma_wait3A_782] : memref<30464xf32, #tpu.memory_space<vmem>> -> memref<256xf32, #tpu.memory_space<vmem>>
      %dma_wait3A_784 = arith.constant 0 : i32
      %dma_wait3A_785 = tpu.memref_slice %arg4[%dma_wait3A_784] : memref<25600000xf32, #tpu.memory_space<hbm>> -> memref<256xf32, #tpu.memory_space<hbm>>
      %dma_wait3A_786 = arith.constant 0 : i32
      %dma_wait3A_787 = tpu.memref_slice %arg4[%dma_wait3A_786] : memref<25600000xf32, #tpu.memory_space<hbm>> -> memref<256xf32, #tpu.memory_space<hbm>>
      %dma_wait3A_788 = arith.constant 0 : i32
      %dma_wait3A_789 = tpu.memref_slice %arg5[%dma_wait3A_788] : memref<30464xf32, #tpu.memory_space<vmem>> -> memref<256xf32, #tpu.memory_space<vmem>>
      tpu.wait_dma2 semaphore(%arg11 : memref<!tpu.dma_semaphore, #tpu.memory_space<semaphore_mem>>) src(%dma_wait3A_789 : memref<256xf32, #tpu.memory_space<vmem>>) dst(%dma_wait3A_787 : memref<256xf32, #tpu.memory_space<hbm>>)
      %dma_wait3A_790 = arith.constant 0 : i32
      %dma_wait3A_791 = tpu.memref_slice %arg5[%dma_wait3A_790] : memref<30464xf32, #tpu.memory_space<vmem>> -> memref<256xf32, #tpu.memory_space<vmem>>
      %dma_wait3A_792 = arith.constant 0 : i32
      %dma_wait3A_793 = tpu.memref_slice %arg4[%dma_wait3A_792] : memref<25600000xf32, #tpu.memory_space<hbm>> -> memref<256xf32, #tpu.memory_space<hbm>>
      %dma_wait3A_794 = arith.constant 0 : i32
      %dma_wait3A_795 = tpu.memref_slice %arg4[%dma_wait3A_794] : memref<25600000xf32, #tpu.memory_space<hbm>> -> memref<256xf32, #tpu.memory_space<hbm>>
      %dma_wait3A_796 = arith.constant 0 : i32
      %dma_wait3A_797 = tpu.memref_slice %arg5[%dma_wait3A_796] : memref<30464xf32, #tpu.memory_space<vmem>> -> memref<256xf32, #tpu.memory_space<vmem>>
      tpu.wait_dma2 semaphore(%arg11 : memref<!tpu.dma_semaphore, #tpu.memory_space<semaphore_mem>>) src(%dma_wait3A_797 : memref<256xf32, #tpu.memory_space<vmem>>) dst(%dma_wait3A_795 : memref<256xf32, #tpu.memory_space<hbm>>)
      %dma_wait3A_798 = arith.constant 0 : i32
      %dma_wait3A_799 = tpu.memref_slice %arg5[%dma_wait3A_798] : memref<30464xf32, #tpu.memory_space<vmem>> -> memref<256xf32, #tpu.memory_space<vmem>>
      %dma_wait3A_800 = arith.constant 0 : i32
      %dma_wait3A_801 = tpu.memref_slice %arg4[%dma_wait3A_800] : memref<25600000xf32, #tpu.memory_space<hbm>> -> memref<256xf32, #tpu.memory_space<hbm>>
      %dma_wait3A_802 = arith.constant 0 : i32
      %dma_wait3A_803 = tpu.memref_slice %arg4[%dma_wait3A_802] : memref<25600000xf32, #tpu.memory_space<hbm>> -> memref<256xf32, #tpu.memory_space<hbm>>
      %dma_wait3A_804 = arith.constant 0 : i32
      %dma_wait3A_805 = tpu.memref_slice %arg5[%dma_wait3A_804] : memref<30464xf32, #tpu.memory_space<vmem>> -> memref<256xf32, #tpu.memory_space<vmem>>
      tpu.wait_dma2 semaphore(%arg11 : memref<!tpu.dma_semaphore, #tpu.memory_space<semaphore_mem>>) src(%dma_wait3A_805 : memref<256xf32, #tpu.memory_space<vmem>>) dst(%dma_wait3A_803 : memref<256xf32, #tpu.memory_space<hbm>>)
      %dma_wait3A_806 = arith.constant 0 : i32
      %dma_wait3A_807 = tpu.memref_slice %arg5[%dma_wait3A_806] : memref<30464xf32, #tpu.memory_space<vmem>> -> memref<256xf32, #tpu.memory_space<vmem>>
      %dma_wait3A_808 = arith.constant 0 : i32
      %dma_wait3A_809 = tpu.memref_slice %arg4[%dma_wait3A_808] : memref<25600000xf32, #tpu.memory_space<hbm>> -> memref<256xf32, #tpu.memory_space<hbm>>
      %dma_wait3A_810 = arith.constant 0 : i32
      %dma_wait3A_811 = tpu.memref_slice %arg4[%dma_wait3A_810] : memref<25600000xf32, #tpu.memory_space<hbm>> -> memref<256xf32, #tpu.memory_space<hbm>>
      %dma_wait3A_812 = arith.constant 0 : i32
      %dma_wait3A_813 = tpu.memref_slice %arg5[%dma_wait3A_812] : memref<30464xf32, #tpu.memory_space<vmem>> -> memref<256xf32, #tpu.memory_space<vmem>>
      tpu.wait_dma2 semaphore(%arg11 : memref<!tpu.dma_semaphore, #tpu.memory_space<semaphore_mem>>) src(%dma_wait3A_813 : memref<256xf32, #tpu.memory_space<vmem>>) dst(%dma_wait3A_811 : memref<256xf32, #tpu.memory_space<hbm>>)
      %dma_wait3A_814 = arith.constant 0 : i32
      %dma_wait3A_815 = tpu.memref_slice %arg5[%dma_wait3A_814] : memref<30464xf32, #tpu.memory_space<vmem>> -> memref<256xf32, #tpu.memory_space<vmem>>
      %dma_wait3A_816 = arith.constant 0 : i32
      %dma_wait3A_817 = tpu.memref_slice %arg4[%dma_wait3A_816] : memref<25600000xf32, #tpu.memory_space<hbm>> -> memref<256xf32, #tpu.memory_space<hbm>>
      %dma_wait3A_818 = arith.constant 0 : i32
      %dma_wait3A_819 = tpu.memref_slice %arg4[%dma_wait3A_818] : memref<25600000xf32, #tpu.memory_space<hbm>> -> memref<256xf32, #tpu.memory_space<hbm>>
      %dma_wait3A_820 = arith.constant 0 : i32
      %dma_wait3A_821 = tpu.memref_slice %arg5[%dma_wait3A_820] : memref<30464xf32, #tpu.memory_space<vmem>> -> memref<256xf32, #tpu.memory_space<vmem>>
      tpu.wait_dma2 semaphore(%arg11 : memref<!tpu.dma_semaphore, #tpu.memory_space<semaphore_mem>>) src(%dma_wait3A_821 : memref<256xf32, #tpu.memory_space<vmem>>) dst(%dma_wait3A_819 : memref<256xf32, #tpu.memory_space<hbm>>)
      %dma_wait3A_822 = arith.constant 0 : i32
      %dma_wait3A_823 = tpu.memref_slice %arg5[%dma_wait3A_822] : memref<30464xf32, #tpu.memory_space<vmem>> -> memref<256xf32, #tpu.memory_space<vmem>>
      %dma_wait3A_824 = arith.constant 0 : i32
      %dma_wait3A_825 = tpu.memref_slice %arg4[%dma_wait3A_824] : memref<25600000xf32, #tpu.memory_space<hbm>> -> memref<256xf32, #tpu.memory_space<hbm>>
      %dma_wait3A_826 = arith.constant 0 : i32
      %dma_wait3A_827 = tpu.memref_slice %arg4[%dma_wait3A_826] : memref<25600000xf32, #tpu.memory_space<hbm>> -> memref<256xf32, #tpu.memory_space<hbm>>
      %dma_wait3A_828 = arith.constant 0 : i32
      %dma_wait3A_829 = tpu.memref_slice %arg5[%dma_wait3A_828] : memref<30464xf32, #tpu.memory_space<vmem>> -> memref<256xf32, #tpu.memory_space<vmem>>
      tpu.wait_dma2 semaphore(%arg11 : memref<!tpu.dma_semaphore, #tpu.memory_space<semaphore_mem>>) src(%dma_wait3A_829 : memref<256xf32, #tpu.memory_space<vmem>>) dst(%dma_wait3A_827 : memref<256xf32, #tpu.memory_space<hbm>>)
      %dma_wait3A_830 = arith.constant 0 : i32
      %dma_wait3A_831 = tpu.memref_slice %arg5[%dma_wait3A_830] : memref<30464xf32, #tpu.memory_space<vmem>> -> memref<256xf32, #tpu.memory_space<vmem>>
      %dma_wait3A_832 = arith.constant 0 : i32
      %dma_wait3A_833 = tpu.memref_slice %arg4[%dma_wait3A_832] : memref<25600000xf32, #tpu.memory_space<hbm>> -> memref<256xf32, #tpu.memory_space<hbm>>
      %dma_wait3A_834 = arith.constant 0 : i32
      %dma_wait3A_835 = tpu.memref_slice %arg4[%dma_wait3A_834] : memref<25600000xf32, #tpu.memory_space<hbm>> -> memref<256xf32, #tpu.memory_space<hbm>>
      %dma_wait3A_836 = arith.constant 0 : i32
      %dma_wait3A_837 = tpu.memref_slice %arg5[%dma_wait3A_836] : memref<30464xf32, #tpu.memory_space<vmem>> -> memref<256xf32, #tpu.memory_space<vmem>>
      tpu.wait_dma2 semaphore(%arg11 : memref<!tpu.dma_semaphore, #tpu.memory_space<semaphore_mem>>) src(%dma_wait3A_837 : memref<256xf32, #tpu.memory_space<vmem>>) dst(%dma_wait3A_835 : memref<256xf32, #tpu.memory_space<hbm>>)
      %dma_wait3A_838 = arith.constant 0 : i32
      %dma_wait3A_839 = tpu.memref_slice %arg5[%dma_wait3A_838] : memref<30464xf32, #tpu.memory_space<vmem>> -> memref<256xf32, #tpu.memory_space<vmem>>
      %dma_wait3A_840 = arith.constant 0 : i32
      %dma_wait3A_841 = tpu.memref_slice %arg4[%dma_wait3A_840] : memref<25600000xf32, #tpu.memory_space<hbm>> -> memref<256xf32, #tpu.memory_space<hbm>>
      %dma_wait3A_842 = arith.constant 0 : i32
      %dma_wait3A_843 = tpu.memref_slice %arg4[%dma_wait3A_842] : memref<25600000xf32, #tpu.memory_space<hbm>> -> memref<256xf32, #tpu.memory_space<hbm>>
      %dma_wait3A_844 = arith.constant 0 : i32
      %dma_wait3A_845 = tpu.memref_slice %arg5[%dma_wait3A_844] : memref<30464xf32, #tpu.memory_space<vmem>> -> memref<256xf32, #tpu.memory_space<vmem>>
      tpu.wait_dma2 semaphore(%arg11 : memref<!tpu.dma_semaphore, #tpu.memory_space<semaphore_mem>>) src(%dma_wait3A_845 : memref<256xf32, #tpu.memory_space<vmem>>) dst(%dma_wait3A_843 : memref<256xf32, #tpu.memory_space<hbm>>)
      %dma_wait3A_846 = arith.constant 0 : i32
      %dma_wait3A_847 = tpu.memref_slice %arg5[%dma_wait3A_846] : memref<30464xf32, #tpu.memory_space<vmem>> -> memref<256xf32, #tpu.memory_space<vmem>>
      %dma_wait3A_848 = arith.constant 0 : i32
      %dma_wait3A_849 = tpu.memref_slice %arg4[%dma_wait3A_848] : memref<25600000xf32, #tpu.memory_space<hbm>> -> memref<256xf32, #tpu.memory_space<hbm>>
      %dma_wait3A_850 = arith.constant 0 : i32
      %dma_wait3A_851 = tpu.memref_slice %arg4[%dma_wait3A_850] : memref<25600000xf32, #tpu.memory_space<hbm>> -> memref<256xf32, #tpu.memory_space<hbm>>
      %dma_wait3A_852 = arith.constant 0 : i32
      %dma_wait3A_853 = tpu.memref_slice %arg5[%dma_wait3A_852] : memref<30464xf32, #tpu.memory_space<vmem>> -> memref<256xf32, #tpu.memory_space<vmem>>
      tpu.wait_dma2 semaphore(%arg11 : memref<!tpu.dma_semaphore, #tpu.memory_space<semaphore_mem>>) src(%dma_wait3A_853 : memref<256xf32, #tpu.memory_space<vmem>>) dst(%dma_wait3A_851 : memref<256xf32, #tpu.memory_space<hbm>>)
      %dma_wait3A_854 = arith.constant 0 : i32
      %dma_wait3A_855 = tpu.memref_slice %arg5[%dma_wait3A_854] : memref<30464xf32, #tpu.memory_space<vmem>> -> memref<256xf32, #tpu.memory_space<vmem>>
      %dma_wait3A_856 = arith.constant 0 : i32
      %dma_wait3A_857 = tpu.memref_slice %arg4[%dma_wait3A_856] : memref<25600000xf32, #tpu.memory_space<hbm>> -> memref<256xf32, #tpu.memory_space<hbm>>
      %dma_wait3A_858 = arith.constant 0 : i32
      %dma_wait3A_859 = tpu.memref_slice %arg4[%dma_wait3A_858] : memref<25600000xf32, #tpu.memory_space<hbm>> -> memref<256xf32, #tpu.memory_space<hbm>>
      %dma_wait3A_860 = arith.constant 0 : i32
      %dma_wait3A_861 = tpu.memref_slice %arg5[%dma_wait3A_860] : memref<30464xf32, #tpu.memory_space<vmem>> -> memref<256xf32, #tpu.memory_space<vmem>>
      tpu.wait_dma2 semaphore(%arg11 : memref<!tpu.dma_semaphore, #tpu.memory_space<semaphore_mem>>) src(%dma_wait3A_861 : memref<256xf32, #tpu.memory_space<vmem>>) dst(%dma_wait3A_859 : memref<256xf32, #tpu.memory_space<hbm>>)
      %dma_wait3A_862 = arith.constant 0 : i32
      %dma_wait3A_863 = tpu.memref_slice %arg5[%dma_wait3A_862] : memref<30464xf32, #tpu.memory_space<vmem>> -> memref<256xf32, #tpu.memory_space<vmem>>
      %dma_wait3A_864 = arith.constant 0 : i32
      %dma_wait3A_865 = tpu.memref_slice %arg4[%dma_wait3A_864] : memref<25600000xf32, #tpu.memory_space<hbm>> -> memref<256xf32, #tpu.memory_space<hbm>>
      %dma_wait3A_866 = arith.constant 0 : i32
      %dma_wait3A_867 = tpu.memref_slice %arg4[%dma_wait3A_866] : memref<25600000xf32, #tpu.memory_space<hbm>> -> memref<256xf32, #tpu.memory_space<hbm>>
      %dma_wait3A_868 = arith.constant 0 : i32
      %dma_wait3A_869 = tpu.memref_slice %arg5[%dma_wait3A_868] : memref<30464xf32, #tpu.memory_space<vmem>> -> memref<256xf32, #tpu.memory_space<vmem>>
      tpu.wait_dma2 semaphore(%arg11 : memref<!tpu.dma_semaphore, #tpu.memory_space<semaphore_mem>>) src(%dma_wait3A_869 : memref<256xf32, #tpu.memory_space<vmem>>) dst(%dma_wait3A_867 : memref<256xf32, #tpu.memory_space<hbm>>)
      %get3A_870 = arith.constant 8 : index
      %get3A_871 = tpu.vector_load %arg6[%get3A_870] {strides = array<i32>} : memref<24xi32, #tpu.memory_space<vmem>>, vector<16xi32>,
      %mul3A_872 = arith.constant 16 : i32
      %mul3A_873 = arith.muli %add3A_731, %mul3A_872 : i32
      %add3A_874 = arith.addi %mul3A_2, %mul3A_873 : i32
      %min3A_875 = arith.minsi %add3A_874, %sub3A_6 : i32
      %slice3A_876 = vector.extract_strided_slice %get3A_871 {offsets = [0], sizes = [1], strides = [1]} : vector<16xi32> to vector<1xi32>
      %squeeze3A_877 = vector.extract %slice3A_876[0] : i32 from vector<1xi32>
      %add3A_878 = arith.constant 0 : i32
      %add3A_879 = arith.addi %min3A_875, %add3A_878 : i32
      %mul3A_880 = arith.constant 256 : i32
      %mul3A_881 = arith.muli %squeeze3A_877, %mul3A_880 : i32
      %mul3A_882 = arith.constant 256 : i32
      %mul3A_883 = arith.muli %add3A_879, %mul3A_882 : i32
      %dma_start3A_884 = tpu.memref_slice %arg5[%mul3A_881] : memref<30464xf32, #tpu.memory_space<vmem>> -> memref<256xf32, #tpu.memory_space<vmem>>
      %dma_start3A_885 = tpu.memref_slice %arg4[%mul3A_883] : memref<25600000xf32, #tpu.memory_space<hbm>> -> memref<256xf32, #tpu.memory_space<hbm>>
      %dma_start3A_886 = tpu.memref_slice %arg4[%mul3A_883] : memref<25600000xf32, #tpu.memory_space<hbm>> -> memref<256xf32, #tpu.memory_space<hbm>>
      %dma_start3A_887 = tpu.memref_slice %arg5[%mul3A_881] : memref<30464xf32, #tpu.memory_space<vmem>> -> memref<256xf32, #tpu.memory_space<vmem>>
      tpu.enqueue_dma source(%dma_start3A_887 : memref<256xf32, #tpu.memory_space<vmem>>) target(%dma_start3A_886 : memref<256xf32, #tpu.memory_space<hbm>>) target_semaphore(%arg11 : memref<!tpu.dma_semaphore, #tpu.memory_space<semaphore_mem>>)
      %slice3A_888 = vector.extract_strided_slice %get3A_871 {offsets = [1], sizes = [1], strides = [1]} : vector<16xi32> to vector<1xi32>
      %squeeze3A_889 = vector.extract %slice3A_888[0] : i32 from vector<1xi32>
      %add3A_890 = arith.constant 1 : i32
      %add3A_891 = arith.addi %min3A_875, %add3A_890 : i32
      %mul3A_892 = arith.constant 256 : i32
      %mul3A_893 = arith.muli %squeeze3A_889, %mul3A_892 : i32
      %mul3A_894 = arith.constant 256 : i32
      %mul3A_895 = arith.muli %add3A_891, %mul3A_894 : i32
      %dma_start3A_896 = tpu.memref_slice %arg5[%mul3A_893] : memref<30464xf32, #tpu.memory_space<vmem>> -> memref<256xf32, #tpu.memory_space<vmem>>
      %dma_start3A_897 = tpu.memref_slice %arg4[%mul3A_895] : memref<25600000xf32, #tpu.memory_space<hbm>> -> memref<256xf32, #tpu.memory_space<hbm>>
      %dma_start3A_898 = tpu.memref_slice %arg4[%mul3A_895] : memref<25600000xf32, #tpu.memory_space<hbm>> -> memref<256xf32, #tpu.memory_space<hbm>>
      %dma_start3A_899 = tpu.memref_slice %arg5[%mul3A_893] : memref<30464xf32, #tpu.memory_space<vmem>> -> memref<256xf32, #tpu.memory_space<vmem>>
      tpu.enqueue_dma source(%dma_start3A_899 : memref<256xf32, #tpu.memory_space<vmem>>) target(%dma_start3A_898 : memref<256xf32, #tpu.memory_space<hbm>>) target_semaphore(%arg11 : memref<!tpu.dma_semaphore, #tpu.memory_space<semaphore_mem>>)
      %slice3A_900 = vector.extract_strided_slice %get3A_871 {offsets = [2], sizes = [1], strides = [1]} : vector<16xi32> to vector<1xi32>
      %squeeze3A_901 = vector.extract %slice3A_900[0] : i32 from vector<1xi32>
      %add3A_902 = arith.constant 2 : i32
      %add3A_903 = arith.addi %min3A_875, %add3A_902 : i32
      %mul3A_904 = arith.constant 256 : i32
      %mul3A_905 = arith.muli %squeeze3A_901, %mul3A_904 : i32
      %mul3A_906 = arith.constant 256 : i32
      %mul3A_907 = arith.muli %add3A_903, %mul3A_906 : i32
      %dma_start3A_908 = tpu.memref_slice %arg5[%mul3A_905] : memref<30464xf32, #tpu.memory_space<vmem>> -> memref<256xf32, #tpu.memory_space<vmem>>
      %dma_start3A_909 = tpu.memref_slice %arg4[%mul3A_907] : memref<25600000xf32, #tpu.memory_space<hbm>> -> memref<256xf32, #tpu.memory_space<hbm>>
      %dma_start3A_910 = tpu.memref_slice %arg4[%mul3A_907] : memref<25600000xf32, #tpu.memory_space<hbm>> -> memref<256xf32, #tpu.memory_space<hbm>>
      %dma_start3A_911 = tpu.memref_slice %arg5[%mul3A_905] : memref<30464xf32, #tpu.memory_space<vmem>> -> memref<256xf32, #tpu.memory_space<vmem>>
      tpu.enqueue_dma source(%dma_start3A_911 : memref<256xf32, #tpu.memory_space<vmem>>) target(%dma_start3A_910 : memref<256xf32, #tpu.memory_space<hbm>>) target_semaphore(%arg11 : memref<!tpu.dma_semaphore, #tpu.memory_space<semaphore_mem>>)
      %slice3A_912 = vector.extract_strided_slice %get3A_871 {offsets = [3], sizes = [1], strides = [1]} : vector<16xi32> to vector<1xi32>
      %squeeze3A_913 = vector.extract %slice3A_912[0] : i32 from vector<1xi32>
      %add3A_914 = arith.constant 3 : i32
      %add3A_915 = arith.addi %min3A_875, %add3A_914 : i32
      %mul3A_916 = arith.constant 256 : i32
      %mul3A_917 = arith.muli %squeeze3A_913, %mul3A_916 : i32
      %mul3A_918 = arith.constant 256 : i32
      %mul3A_919 = arith.muli %add3A_915, %mul3A_918 : i32
      %dma_start3A_920 = tpu.memref_slice %arg5[%mul3A_917] : memref<30464xf32, #tpu.memory_space<vmem>> -> memref<256xf32, #tpu.memory_space<vmem>>
      %dma_start3A_921 = tpu.memref_slice %arg4[%mul3A_919] : memref<25600000xf32, #tpu.memory_space<hbm>> -> memref<256xf32, #tpu.memory_space<hbm>>
      %dma_start3A_922 = tpu.memref_slice %arg4[%mul3A_919] : memref<25600000xf32, #tpu.memory_space<hbm>> -> memref<256xf32, #tpu.memory_space<hbm>>
      %dma_start3A_923 = tpu.memref_slice %arg5[%mul3A_917] : memref<30464xf32, #tpu.memory_space<vmem>> -> memref<256xf32, #tpu.memory_space<vmem>>
      tpu.enqueue_dma source(%dma_start3A_923 : memref<256xf32, #tpu.memory_space<vmem>>) target(%dma_start3A_922 : memref<256xf32, #tpu.memory_space<hbm>>) target_semaphore(%arg11 : memref<!tpu.dma_semaphore, #tpu.memory_space<semaphore_mem>>)
      %slice3A_924 = vector.extract_strided_slice %get3A_871 {offsets = [4], sizes = [1], strides = [1]} : vector<16xi32> to vector<1xi32>
      %squeeze3A_925 = vector.extract %slice3A_924[0] : i32 from vector<1xi32>
      %add3A_926 = arith.constant 4 : i32
      %add3A_927 = arith.addi %min3A_875, %add3A_926 : i32
      %mul3A_928 = arith.constant 256 : i32
      %mul3A_929 = arith.muli %squeeze3A_925, %mul3A_928 : i32
      %mul3A_930 = arith.constant 256 : i32
      %mul3A_931 = arith.muli %add3A_927, %mul3A_930 : i32
      %dma_start3A_932 = tpu.memref_slice %arg5[%mul3A_929] : memref<30464xf32, #tpu.memory_space<vmem>> -> memref<256xf32, #tpu.memory_space<vmem>>
      %dma_start3A_933 = tpu.memref_slice %arg4[%mul3A_931] : memref<25600000xf32, #tpu.memory_space<hbm>> -> memref<256xf32, #tpu.memory_space<hbm>>
      %dma_start3A_934 = tpu.memref_slice %arg4[%mul3A_931] : memref<25600000xf32, #tpu.memory_space<hbm>> -> memref<256xf32, #tpu.memory_space<hbm>>
      %dma_start3A_935 = tpu.memref_slice %arg5[%mul3A_929] : memref<30464xf32, #tpu.memory_space<vmem>> -> memref<256xf32, #tpu.memory_space<vmem>>
      tpu.enqueue_dma source(%dma_start3A_935 : memref<256xf32, #tpu.memory_space<vmem>>) target(%dma_start3A_934 : memref<256xf32, #tpu.memory_space<hbm>>) target_semaphore(%arg11 : memref<!tpu.dma_semaphore, #tpu.memory_space<semaphore_mem>>)
      %slice3A_936 = vector.extract_strided_slice %get3A_871 {offsets = [5], sizes = [1], strides = [1]} : vector<16xi32> to vector<1xi32>
      %squeeze3A_937 = vector.extract %slice3A_936[0] : i32 from vector<1xi32>
      %add3A_938 = arith.constant 5 : i32
      %add3A_939 = arith.addi %min3A_875, %add3A_938 : i32
      %mul3A_940 = arith.constant 256 : i32
      %mul3A_941 = arith.muli %squeeze3A_937, %mul3A_940 : i32
      %mul3A_942 = arith.constant 256 : i32
      %mul3A_943 = arith.muli %add3A_939, %mul3A_942 : i32
      %dma_start3A_944 = tpu.memref_slice %arg5[%mul3A_941] : memref<30464xf32, #tpu.memory_space<vmem>> -> memref<256xf32, #tpu.memory_space<vmem>>
      %dma_start3A_945 = tpu.memref_slice %arg4[%mul3A_943] : memref<25600000xf32, #tpu.memory_space<hbm>> -> memref<256xf32, #tpu.memory_space<hbm>>
      %dma_start3A_946 = tpu.memref_slice %arg4[%mul3A_943] : memref<25600000xf32, #tpu.memory_space<hbm>> -> memref<256xf32, #tpu.memory_space<hbm>>
      %dma_start3A_947 = tpu.memref_slice %arg5[%mul3A_941] : memref<30464xf32, #tpu.memory_space<vmem>> -> memref<256xf32, #tpu.memory_space<vmem>>
      tpu.enqueue_dma source(%dma_start3A_947 : memref<256xf32, #tpu.memory_space<vmem>>) target(%dma_start3A_946 : memref<256xf32, #tpu.memory_space<hbm>>) target_semaphore(%arg11 : memref<!tpu.dma_semaphore, #tpu.memory_space<semaphore_mem>>)
      %slice3A_948 = vector.extract_strided_slice %get3A_871 {offsets = [6], sizes = [1], strides = [1]} : vector<16xi32> to vector<1xi32>
      %squeeze3A_949 = vector.extract %slice3A_948[0] : i32 from vector<1xi32>
      %add3A_950 = arith.constant 6 : i32
      %add3A_951 = arith.addi %min3A_875, %add3A_950 : i32
      %mul3A_952 = arith.constant 256 : i32
      %mul3A_953 = arith.muli %squeeze3A_949, %mul3A_952 : i32
      %mul3A_954 = arith.constant 256 : i32
      %mul3A_955 = arith.muli %add3A_951, %mul3A_954 : i32
      %dma_start3A_956 = tpu.memref_slice %arg5[%mul3A_953] : memref<30464xf32, #tpu.memory_space<vmem>> -> memref<256xf32, #tpu.memory_space<vmem>>
      %dma_start3A_957 = tpu.memref_slice %arg4[%mul3A_955] : memref<25600000xf32, #tpu.memory_space<hbm>> -> memref<256xf32, #tpu.memory_space<hbm>>
      %dma_start3A_958 = tpu.memref_slice %arg4[%mul3A_955] : memref<25600000xf32, #tpu.memory_space<hbm>> -> memref<256xf32, #tpu.memory_space<hbm>>
      %dma_start3A_959 = tpu.memref_slice %arg5[%mul3A_953] : memref<30464xf32, #tpu.memory_space<vmem>> -> memref<256xf32, #tpu.memory_space<vmem>>
      tpu.enqueue_dma source(%dma_start3A_959 : memref<256xf32, #tpu.memory_space<vmem>>) target(%dma_start3A_958 : memref<256xf32, #tpu.memory_space<hbm>>) target_semaphore(%arg11 : memref<!tpu.dma_semaphore, #tpu.memory_space<semaphore_mem>>)
      %slice3A_960 = vector.extract_strided_slice %get3A_871 {offsets = [7], sizes = [1], strides = [1]} : vector<16xi32> to vector<1xi32>
      %squeeze3A_961 = vector.extract %slice3A_960[0] : i32 from vector<1xi32>
      %add3A_962 = arith.constant 7 : i32
      %add3A_963 = arith.addi %min3A_875, %add3A_962 : i32
      %mul3A_964 = arith.constant 256 : i32
      %mul3A_965 = arith.muli %squeeze3A_961, %mul3A_964 : i32
      %mul3A_966 = arith.constant 256 : i32
      %mul3A_967 = arith.muli %add3A_963, %mul3A_966 : i32
      %dma_start3A_968 = tpu.memref_slice %arg5[%mul3A_965] : memref<30464xf32, #tpu.memory_space<vmem>> -> memref<256xf32, #tpu.memory_space<vmem>>
      %dma_start3A_969 = tpu.memref_slice %arg4[%mul3A_967] : memref<25600000xf32, #tpu.memory_space<hbm>> -> memref<256xf32, #tpu.memory_space<hbm>>
      %dma_start3A_970 = tpu.memref_slice %arg4[%mul3A_967] : memref<25600000xf32, #tpu.memory_space<hbm>> -> memref<256xf32, #tpu.memory_space<hbm>>
      %dma_start3A_971 = tpu.memref_slice %arg5[%mul3A_965] : memref<30464xf32, #tpu.memory_space<vmem>> -> memref<256xf32, #tpu.memory_space<vmem>>
      tpu.enqueue_dma source(%dma_start3A_971 : memref<256xf32, #tpu.memory_space<vmem>>) target(%dma_start3A_970 : memref<256xf32, #tpu.memory_space<hbm>>) target_semaphore(%arg11 : memref<!tpu.dma_semaphore, #tpu.memory_space<semaphore_mem>>)
      %slice3A_972 = vector.extract_strided_slice %get3A_871 {offsets = [8], sizes = [1], strides = [1]} : vector<16xi32> to vector<1xi32>
      %squeeze3A_973 = vector.extract %slice3A_972[0] : i32 from vector<1xi32>
      %add3A_974 = arith.constant 8 : i32
      %add3A_975 = arith.addi %min3A_875, %add3A_974 : i32
      %mul3A_976 = arith.constant 256 : i32
      %mul3A_977 = arith.muli %squeeze3A_973, %mul3A_976 : i32
      %mul3A_978 = arith.constant 256 : i32
      %mul3A_979 = arith.muli %add3A_975, %mul3A_978 : i32
      %dma_start3A_980 = tpu.memref_slice %arg5[%mul3A_977] : memref<30464xf32, #tpu.memory_space<vmem>> -> memref<256xf32, #tpu.memory_space<vmem>>
      %dma_start3A_981 = tpu.memref_slice %arg4[%mul3A_979] : memref<25600000xf32, #tpu.memory_space<hbm>> -> memref<256xf32, #tpu.memory_space<hbm>>
      %dma_start3A_982 = tpu.memref_slice %arg4[%mul3A_979] : memref<25600000xf32, #tpu.memory_space<hbm>> -> memref<256xf32, #tpu.memory_space<hbm>>
      %dma_start3A_983 = tpu.memref_slice %arg5[%mul3A_977] : memref<30464xf32, #tpu.memory_space<vmem>> -> memref<256xf32, #tpu.memory_space<vmem>>
      tpu.enqueue_dma source(%dma_start3A_983 : memref<256xf32, #tpu.memory_space<vmem>>) target(%dma_start3A_982 : memref<256xf32, #tpu.memory_space<hbm>>) target_semaphore(%arg11 : memref<!tpu.dma_semaphore, #tpu.memory_space<semaphore_mem>>)
      %slice3A_984 = vector.extract_strided_slice %get3A_871 {offsets = [9], sizes = [1], strides = [1]} : vector<16xi32> to vector<1xi32>
      %squeeze3A_985 = vector.extract %slice3A_984[0] : i32 from vector<1xi32>
      %add3A_986 = arith.constant 9 : i32
      %add3A_987 = arith.addi %min3A_875, %add3A_986 : i32
      %mul3A_988 = arith.constant 256 : i32
      %mul3A_989 = arith.muli %squeeze3A_985, %mul3A_988 : i32
      %mul3A_990 = arith.constant 256 : i32
      %mul3A_991 = arith.muli %add3A_987, %mul3A_990 : i32
      %dma_start3A_992 = tpu.memref_slice %arg5[%mul3A_989] : memref<30464xf32, #tpu.memory_space<vmem>> -> memref<256xf32, #tpu.memory_space<vmem>>
      %dma_start3A_993 = tpu.memref_slice %arg4[%mul3A_991] : memref<25600000xf32, #tpu.memory_space<hbm>> -> memref<256xf32, #tpu.memory_space<hbm>>
      %dma_start3A_994 = tpu.memref_slice %arg4[%mul3A_991] : memref<25600000xf32, #tpu.memory_space<hbm>> -> memref<256xf32, #tpu.memory_space<hbm>>
      %dma_start3A_995 = tpu.memref_slice %arg5[%mul3A_989] : memref<30464xf32, #tpu.memory_space<vmem>> -> memref<256xf32, #tpu.memory_space<vmem>>
      tpu.enqueue_dma source(%dma_start3A_995 : memref<256xf32, #tpu.memory_space<vmem>>) target(%dma_start3A_994 : memref<256xf32, #tpu.memory_space<hbm>>) target_semaphore(%arg11 : memref<!tpu.dma_semaphore, #tpu.memory_space<semaphore_mem>>)
      %slice3A_996 = vector.extract_strided_slice %get3A_871 {offsets = [10], sizes = [1], strides = [1]} : vector<16xi32> to vector<1xi32>
      %squeeze3A_997 = vector.extract %slice3A_996[0] : i32 from vector<1xi32>
      %add3A_998 = arith.constant 10 : i32
      %add3A_999 = arith.addi %min3A_875, %add3A_998 : i32
      %mul3A_1000 = arith.constant 256 : i32
      %mul3A_1001 = arith.muli %squeeze3A_997, %mul3A_1000 : i32
      %mul3A_1002 = arith.constant 256 : i32
      %mul3A_1003 = arith.muli %add3A_999, %mul3A_1002 : i32
      %dma_start3A_1004 = tpu.memref_slice %arg5[%mul3A_1001] : memref<30464xf32, #tpu.memory_space<vmem>> -> memref<256xf32, #tpu.memory_space<vmem>>
      %dma_start3A_1005 = tpu.memref_slice %arg4[%mul3A_1003] : memref<25600000xf32, #tpu.memory_space<hbm>> -> memref<256xf32, #tpu.memory_space<hbm>>
      %dma_start3A_1006 = tpu.memref_slice %arg4[%mul3A_1003] : memref<25600000xf32, #tpu.memory_space<hbm>> -> memref<256xf32, #tpu.memory_space<hbm>>
      %dma_start3A_1007 = tpu.memref_slice %arg5[%mul3A_1001] : memref<30464xf32, #tpu.memory_space<vmem>> -> memref<256xf32, #tpu.memory_space<vmem>>
      tpu.enqueue_dma source(%dma_start3A_1007 : memref<256xf32, #tpu.memory_space<vmem>>) target(%dma_start3A_1006 : memref<256xf32, #tpu.memory_space<hbm>>) target_semaphore(%arg11 : memref<!tpu.dma_semaphore, #tpu.memory_space<semaphore_mem>>)
      %slice3A_1008 = vector.extract_strided_slice %get3A_871 {offsets = [11], sizes = [1], strides = [1]} : vector<16xi32> to vector<1xi32>
      %squeeze3A_1009 = vector.extract %slice3A_1008[0] : i32 from vector<1xi32>
      %add3A_1010 = arith.constant 11 : i32
      %add3A_1011 = arith.addi %min3A_875, %add3A_1010 : i32
      %mul3A_1012 = arith.constant 256 : i32
      %mul3A_1013 = arith.muli %squeeze3A_1009, %mul3A_1012 : i32
      %mul3A_1014 = arith.constant 256 : i32
      %mul3A_1015 = arith.muli %add3A_1011, %mul3A_1014 : i32
      %dma_start3A_1016 = tpu.memref_slice %arg5[%mul3A_1013] : memref<30464xf32, #tpu.memory_space<vmem>> -> memref<256xf32, #tpu.memory_space<vmem>>
      %dma_start3A_1017 = tpu.memref_slice %arg4[%mul3A_1015] : memref<25600000xf32, #tpu.memory_space<hbm>> -> memref<256xf32, #tpu.memory_space<hbm>>
      %dma_start3A_1018 = tpu.memref_slice %arg4[%mul3A_1015] : memref<25600000xf32, #tpu.memory_space<hbm>> -> memref<256xf32, #tpu.memory_space<hbm>>
      %dma_start3A_1019 = tpu.memref_slice %arg5[%mul3A_1013] : memref<30464xf32, #tpu.memory_space<vmem>> -> memref<256xf32, #tpu.memory_space<vmem>>
      tpu.enqueue_dma source(%dma_start3A_1019 : memref<256xf32, #tpu.memory_space<vmem>>) target(%dma_start3A_1018 : memref<256xf32, #tpu.memory_space<hbm>>) target_semaphore(%arg11 : memref<!tpu.dma_semaphore, #tpu.memory_space<semaphore_mem>>)
      %slice3A_1020 = vector.extract_strided_slice %get3A_871 {offsets = [12], sizes = [1], strides = [1]} : vector<16xi32> to vector<1xi32>
      %squeeze3A_1021 = vector.extract %slice3A_1020[0] : i32 from vector<1xi32>
      %add3A_1022 = arith.constant 12 : i32
      %add3A_1023 = arith.addi %min3A_875, %add3A_1022 : i32
      %mul3A_1024 = arith.constant 256 : i32
      %mul3A_1025 = arith.muli %squeeze3A_1021, %mul3A_1024 : i32
      %mul3A_1026 = arith.constant 256 : i32
      %mul3A_1027 = arith.muli %add3A_1023, %mul3A_1026 : i32
      %dma_start3A_1028 = tpu.memref_slice %arg5[%mul3A_1025] : memref<30464xf32, #tpu.memory_space<vmem>> -> memref<256xf32, #tpu.memory_space<vmem>>
      %dma_start3A_1029 = tpu.memref_slice %arg4[%mul3A_1027] : memref<25600000xf32, #tpu.memory_space<hbm>> -> memref<256xf32, #tpu.memory_space<hbm>>
      %dma_start3A_1030 = tpu.memref_slice %arg4[%mul3A_1027] : memref<25600000xf32, #tpu.memory_space<hbm>> -> memref<256xf32, #tpu.memory_space<hbm>>
      %dma_start3A_1031 = tpu.memref_slice %arg5[%mul3A_1025] : memref<30464xf32, #tpu.memory_space<vmem>> -> memref<256xf32, #tpu.memory_space<vmem>>
      tpu.enqueue_dma source(%dma_start3A_1031 : memref<256xf32, #tpu.memory_space<vmem>>) target(%dma_start3A_1030 : memref<256xf32, #tpu.memory_space<hbm>>) target_semaphore(%arg11 : memref<!tpu.dma_semaphore, #tpu.memory_space<semaphore_mem>>)
      %slice3A_1032 = vector.extract_strided_slice %get3A_871 {offsets = [13], sizes = [1], strides = [1]} : vector<16xi32> to vector<1xi32>
      %squeeze3A_1033 = vector.extract %slice3A_1032[0] : i32 from vector<1xi32>
      %add3A_1034 = arith.constant 13 : i32
      %add3A_1035 = arith.addi %min3A_875, %add3A_1034 : i32
      %mul3A_1036 = arith.constant 256 : i32
      %mul3A_1037 = arith.muli %squeeze3A_1033, %mul3A_1036 : i32
      %mul3A_1038 = arith.constant 256 : i32
      %mul3A_1039 = arith.muli %add3A_1035, %mul3A_1038 : i32
      %dma_start3A_1040 = tpu.memref_slice %arg5[%mul3A_1037] : memref<30464xf32, #tpu.memory_space<vmem>> -> memref<256xf32, #tpu.memory_space<vmem>>
      %dma_start3A_1041 = tpu.memref_slice %arg4[%mul3A_1039] : memref<25600000xf32, #tpu.memory_space<hbm>> -> memref<256xf32, #tpu.memory_space<hbm>>
      %dma_start3A_1042 = tpu.memref_slice %arg4[%mul3A_1039] : memref<25600000xf32, #tpu.memory_space<hbm>> -> memref<256xf32, #tpu.memory_space<hbm>>
      %dma_start3A_1043 = tpu.memref_slice %arg5[%mul3A_1037] : memref<30464xf32, #tpu.memory_space<vmem>> -> memref<256xf32, #tpu.memory_space<vmem>>
      tpu.enqueue_dma source(%dma_start3A_1043 : memref<256xf32, #tpu.memory_space<vmem>>) target(%dma_start3A_1042 : memref<256xf32, #tpu.memory_space<hbm>>) target_semaphore(%arg11 : memref<!tpu.dma_semaphore, #tpu.memory_space<semaphore_mem>>)
      %slice3A_1044 = vector.extract_strided_slice %get3A_871 {offsets = [14], sizes = [1], strides = [1]} : vector<16xi32> to vector<1xi32>
      %squeeze3A_1045 = vector.extract %slice3A_1044[0] : i32 from vector<1xi32>
      %add3A_1046 = arith.constant 14 : i32
      %add3A_1047 = arith.addi %min3A_875, %add3A_1046 : i32
      %mul3A_1048 = arith.constant 256 : i32
      %mul3A_1049 = arith.muli %squeeze3A_1045, %mul3A_1048 : i32
      %mul3A_1050 = arith.constant 256 : i32
      %mul3A_1051 = arith.muli %add3A_1047, %mul3A_1050 : i32
      %dma_start3A_1052 = tpu.memref_slice %arg5[%mul3A_1049] : memref<30464xf32, #tpu.memory_space<vmem>> -> memref<256xf32, #tpu.memory_space<vmem>>
      %dma_start3A_1053 = tpu.memref_slice %arg4[%mul3A_1051] : memref<25600000xf32, #tpu.memory_space<hbm>> -> memref<256xf32, #tpu.memory_space<hbm>>
      %dma_start3A_1054 = tpu.memref_slice %arg4[%mul3A_1051] : memref<25600000xf32, #tpu.memory_space<hbm>> -> memref<256xf32, #tpu.memory_space<hbm>>
      %dma_start3A_1055 = tpu.memref_slice %arg5[%mul3A_1049] : memref<30464xf32, #tpu.memory_space<vmem>> -> memref<256xf32, #tpu.memory_space<vmem>>
      tpu.enqueue_dma source(%dma_start3A_1055 : memref<256xf32, #tpu.memory_space<vmem>>) target(%dma_start3A_1054 : memref<256xf32, #tpu.memory_space<hbm>>) target_semaphore(%arg11 : memref<!tpu.dma_semaphore, #tpu.memory_space<semaphore_mem>>)
      %slice3A_1056 = vector.extract_strided_slice %get3A_871 {offsets = [15], sizes = [1], strides = [1]} : vector<16xi32> to vector<1xi32>
      %squeeze3A_1057 = vector.extract %slice3A_1056[0] : i32 from vector<1xi32>
      %add3A_1058 = arith.constant 15 : i32
      %add3A_1059 = arith.addi %min3A_875, %add3A_1058 : i32
      %mul3A_1060 = arith.constant 256 : i32
      %mul3A_1061 = arith.muli %squeeze3A_1057, %mul3A_1060 : i32
      %mul3A_1062 = arith.constant 256 : i32
      %mul3A_1063 = arith.muli %add3A_1059, %mul3A_1062 : i32
      %dma_start3A_1064 = tpu.memref_slice %arg5[%mul3A_1061] : memref<30464xf32, #tpu.memory_space<vmem>> -> memref<256xf32, #tpu.memory_space<vmem>>
      %dma_start3A_1065 = tpu.memref_slice %arg4[%mul3A_1063] : memref<25600000xf32, #tpu.memory_space<hbm>> -> memref<256xf32, #tpu.memory_space<hbm>>
      %dma_start3A_1066 = tpu.memref_slice %arg4[%mul3A_1063] : memref<25600000xf32, #tpu.memory_space<hbm>> -> memref<256xf32, #tpu.memory_space<hbm>>
      %dma_start3A_1067 = tpu.memref_slice %arg5[%mul3A_1061] : memref<30464xf32, #tpu.memory_space<vmem>> -> memref<256xf32, #tpu.memory_space<vmem>>
      tpu.enqueue_dma source(%dma_start3A_1067 : memref<256xf32, #tpu.memory_space<vmem>>) target(%dma_start3A_1066 : memref<256xf32, #tpu.memory_space<hbm>>) target_semaphore(%arg11 : memref<!tpu.dma_semaphore, #tpu.memory_space<semaphore_mem>>)
      %add3A_1068 = arith.constant 2 : i32
      %add3A_1069 = arith.addi %add3A_731, %add3A_1068 : i32
      %mul3A_1070 = arith.constant 16 : i32
      %mul3A_1071 = arith.muli %add3A_1069, %mul3A_1070 : i32
      %add3A_1072 = arith.addi %mul3A_2, %mul3A_1071 : i32
      %min3A_1073 = arith.minsi %add3A_1072, %sub3A_6 : i32
      %dma_start3A_1074 = arith.constant 8 : i32
      %dma_start3A_1075 = tpu.memref_slice %arg6[%dma_start3A_1074] : memref<24xi32, #tpu.memory_space<vmem>> -> memref<16xi32, #tpu.memory_space<vmem>>
      %dma_start3A_1076 = tpu.memref_slice %arg2[%min3A_1073] : memref<100000xi32, #tpu.memory_space<hbm>> -> memref<16xi32, #tpu.memory_space<hbm>>
      %dma_start3A_1077 = arith.constant 8 : i32
      %dma_start3A_1078 = tpu.memref_slice %arg6[%dma_start3A_1077] : memref<24xi32, #tpu.memory_space<vmem>> -> memref<16xi32, #tpu.memory_space<vmem>>
      %dma_start3A_1079 = tpu.memref_slice %arg2[%min3A_1073] : memref<100000xi32, #tpu.memory_space<hbm>> -> memref<16xi32, #tpu.memory_space<hbm>>
      tpu.enqueue_dma source(%dma_start3A_1079 : memref<16xi32, #tpu.memory_space<hbm>>) target(%dma_start3A_1078 : memref<16xi32, #tpu.memory_space<vmem>>) target_semaphore(%arg9 : memref<!tpu.dma_semaphore, #tpu.memory_space<semaphore_mem>>)
      %mul3A_1080 = arith.constant 2 : i32
      %mul3A_1081 = arith.muli %mul3A_1080, %scan3A_727 : i32
      %add3A_1082 = arith.constant 1 : i32
      %add3A_1083 = arith.addi %mul3A_1081, %add3A_1082 : i32
      %mul3A_1084 = arith.constant 16 : i32
      %mul3A_1085 = arith.muli %add3A_1083, %mul3A_1084 : i32
      %add3A_1086 = arith.addi %mul3A_2, %mul3A_1085 : i32
      %min3A_1087 = arith.minsi %add3A_1086, %sub3A_6 : i32
      %dma_wait3A_1088 = arith.constant 8 : i32
      %dma_wait3A_1089 = tpu.memref_slice %arg7[%dma_wait3A_1088] : memref<24xi32, #tpu.memory_space<vmem>> -> memref<16xi32, #tpu.memory_space<vmem>>
      %dma_wait3A_1090 = tpu.memref_slice %arg2[%min3A_1087] : memref<100000xi32, #tpu.memory_space<hbm>> -> memref<16xi32, #tpu.memory_space<hbm>>
      %dma_wait3A_1091 = arith.constant 8 : i32
      %dma_wait3A_1092 = tpu.memref_slice %arg7[%dma_wait3A_1091] : memref<24xi32, #tpu.memory_space<vmem>> -> memref<16xi32, #tpu.memory_space<vmem>>
      %dma_wait3A_1093 = tpu.memref_slice %arg2[%min3A_1087] : memref<100000xi32, #tpu.memory_space<hbm>> -> memref<16xi32, #tpu.memory_space<hbm>>
      tpu.wait_dma2 semaphore(%arg10 : memref<!tpu.dma_semaphore, #tpu.memory_space<semaphore_mem>>) src(%dma_wait3A_1093 : memref<16xi32, #tpu.memory_space<hbm>>) dst(%dma_wait3A_1092 : memref<16xi32, #tpu.memory_space<vmem>>)
      %dma_wait3A_1094 = arith.constant 0 : i32
      %dma_wait3A_1095 = tpu.memref_slice %arg5[%dma_wait3A_1094] : memref<30464xf32, #tpu.memory_space<vmem>> -> memref<256xf32, #tpu.memory_space<vmem>>
      %dma_wait3A_1096 = arith.constant 0 : i32
      %dma_wait3A_1097 = tpu.memref_slice %arg4[%dma_wait3A_1096] : memref<25600000xf32, #tpu.memory_space<hbm>> -> memref<256xf32, #tpu.memory_space<hbm>>
      %dma_wait3A_1098 = arith.constant 0 : i32
      %dma_wait3A_1099 = tpu.memref_slice %arg4[%dma_wait3A_1098] : memref<25600000xf32, #tpu.memory_space<hbm>> -> memref<256xf32, #tpu.memory_space<hbm>>
      %dma_wait3A_1100 = arith.constant 0 : i32
      %dma_wait3A_1101 = tpu.memref_slice %arg5[%dma_wait3A_1100] : memref<30464xf32, #tpu.memory_space<vmem>> -> memref<256xf32, #tpu.memory_space<vmem>>
      tpu.wait_dma2 semaphore(%arg12 : memref<!tpu.dma_semaphore, #tpu.memory_space<semaphore_mem>>) src(%dma_wait3A_1101 : memref<256xf32, #tpu.memory_space<vmem>>) dst(%dma_wait3A_1099 : memref<256xf32, #tpu.memory_space<hbm>>)
      %dma_wait3A_1102 = arith.constant 0 : i32
      %dma_wait3A_1103 = tpu.memref_slice %arg5[%dma_wait3A_1102] : memref<30464xf32, #tpu.memory_space<vmem>> -> memref<256xf32, #tpu.memory_space<vmem>>
      %dma_wait3A_1104 = arith.constant 0 : i32
      %dma_wait3A_1105 = tpu.memref_slice %arg4[%dma_wait3A_1104] : memref<25600000xf32, #tpu.memory_space<hbm>> -> memref<256xf32, #tpu.memory_space<hbm>>
      %dma_wait3A_1106 = arith.constant 0 : i32
      %dma_wait3A_1107 = tpu.memref_slice %arg4[%dma_wait3A_1106] : memref<25600000xf32, #tpu.memory_space<hbm>> -> memref<256xf32, #tpu.memory_space<hbm>>
      %dma_wait3A_1108 = arith.constant 0 : i32
      %dma_wait3A_1109 = tpu.memref_slice %arg5[%dma_wait3A_1108] : memref<30464xf32, #tpu.memory_space<vmem>> -> memref<256xf32, #tpu.memory_space<vmem>>
      tpu.wait_dma2 semaphore(%arg12 : memref<!tpu.dma_semaphore, #tpu.memory_space<semaphore_mem>>) src(%dma_wait3A_1109 : memref<256xf32, #tpu.memory_space<vmem>>) dst(%dma_wait3A_1107 : memref<256xf32, #tpu.memory_space<hbm>>)
      %dma_wait3A_1110 = arith.constant 0 : i32
      %dma_wait3A_1111 = tpu.memref_slice %arg5[%dma_wait3A_1110] : memref<30464xf32, #tpu.memory_space<vmem>> -> memref<256xf32, #tpu.memory_space<vmem>>
      %dma_wait3A_1112 = arith.constant 0 : i32
      %dma_wait3A_1113 = tpu.memref_slice %arg4[%dma_wait3A_1112] : memref<25600000xf32, #tpu.memory_space<hbm>> -> memref<256xf32, #tpu.memory_space<hbm>>
      %dma_wait3A_1114 = arith.constant 0 : i32
      %dma_wait3A_1115 = tpu.memref_slice %arg4[%dma_wait3A_1114] : memref<25600000xf32, #tpu.memory_space<hbm>> -> memref<256xf32, #tpu.memory_space<hbm>>
      %dma_wait3A_1116 = arith.constant 0 : i32
      %dma_wait3A_1117 = tpu.memref_slice %arg5[%dma_wait3A_1116] : memref<30464xf32, #tpu.memory_space<vmem>> -> memref<256xf32, #tpu.memory_space<vmem>>
      tpu.wait_dma2 semaphore(%arg12 : memref<!tpu.dma_semaphore, #tpu.memory_space<semaphore_mem>>) src(%dma_wait3A_1117 : memref<256xf32, #tpu.memory_space<vmem>>) dst(%dma_wait3A_1115 : memref<256xf32, #tpu.memory_space<hbm>>)
      %dma_wait3A_1118 = arith.constant 0 : i32
      %dma_wait3A_1119 = tpu.memref_slice %arg5[%dma_wait3A_1118] : memref<30464xf32, #tpu.memory_space<vmem>> -> memref<256xf32, #tpu.memory_space<vmem>>
      %dma_wait3A_1120 = arith.constant 0 : i32
      %dma_wait3A_1121 = tpu.memref_slice %arg4[%dma_wait3A_1120] : memref<25600000xf32, #tpu.memory_space<hbm>> -> memref<256xf32, #tpu.memory_space<hbm>>
      %dma_wait3A_1122 = arith.constant 0 : i32
      %dma_wait3A_1123 = tpu.memref_slice %arg4[%dma_wait3A_1122] : memref<25600000xf32, #tpu.memory_space<hbm>> -> memref<256xf32, #tpu.memory_space<hbm>>
      %dma_wait3A_1124 = arith.constant 0 : i32
      %dma_wait3A_1125 = tpu.memref_slice %arg5[%dma_wait3A_1124] : memref<30464xf32, #tpu.memory_space<vmem>> -> memref<256xf32, #tpu.memory_space<vmem>>
      tpu.wait_dma2 semaphore(%arg12 : memref<!tpu.dma_semaphore, #tpu.memory_space<semaphore_mem>>) src(%dma_wait3A_1125 : memref<256xf32, #tpu.memory_space<vmem>>) dst(%dma_wait3A_1123 : memref<256xf32, #tpu.memory_space<hbm>>)
      %dma_wait3A_1126 = arith.constant 0 : i32
      %dma_wait3A_1127 = tpu.memref_slice %arg5[%dma_wait3A_1126] : memref<30464xf32, #tpu.memory_space<vmem>> -> memref<256xf32, #tpu.memory_space<vmem>>
      %dma_wait3A_1128 = arith.constant 0 : i32
      %dma_wait3A_1129 = tpu.memref_slice %arg4[%dma_wait3A_1128] : memref<25600000xf32, #tpu.memory_space<hbm>> -> memref<256xf32, #tpu.memory_space<hbm>>
      %dma_wait3A_1130 = arith.constant 0 : i32
      %dma_wait3A_1131 = tpu.memref_slice %arg4[%dma_wait3A_1130] : memref<25600000xf32, #tpu.memory_space<hbm>> -> memref<256xf32, #tpu.memory_space<hbm>>
      %dma_wait3A_1132 = arith.constant 0 : i32
      %dma_wait3A_1133 = tpu.memref_slice %arg5[%dma_wait3A_1132] : memref<30464xf32, #tpu.memory_space<vmem>> -> memref<256xf32, #tpu.memory_space<vmem>>
      tpu.wait_dma2 semaphore(%arg12 : memref<!tpu.dma_semaphore, #tpu.memory_space<semaphore_mem>>) src(%dma_wait3A_1133 : memref<256xf32, #tpu.memory_space<vmem>>) dst(%dma_wait3A_1131 : memref<256xf32, #tpu.memory_space<hbm>>)
      %dma_wait3A_1134 = arith.constant 0 : i32
      %dma_wait3A_1135 = tpu.memref_slice %arg5[%dma_wait3A_1134] : memref<30464xf32, #tpu.memory_space<vmem>> -> memref<256xf32, #tpu.memory_space<vmem>>
      %dma_wait3A_1136 = arith.constant 0 : i32
      %dma_wait3A_1137 = tpu.memref_slice %arg4[%dma_wait3A_1136] : memref<25600000xf32, #tpu.memory_space<hbm>> -> memref<256xf32, #tpu.memory_space<hbm>>
      %dma_wait3A_1138 = arith.constant 0 : i32
      %dma_wait3A_1139 = tpu.memref_slice %arg4[%dma_wait3A_1138] : memref<25600000xf32, #tpu.memory_space<hbm>> -> memref<256xf32, #tpu.memory_space<hbm>>
      %dma_wait3A_1140 = arith.constant 0 : i32
      %dma_wait3A_1141 = tpu.memref_slice %arg5[%dma_wait3A_1140] : memref<30464xf32, #tpu.memory_space<vmem>> -> memref<256xf32, #tpu.memory_space<vmem>>
      tpu.wait_dma2 semaphore(%arg12 : memref<!tpu.dma_semaphore, #tpu.memory_space<semaphore_mem>>) src(%dma_wait3A_1141 : memref<256xf32, #tpu.memory_space<vmem>>) dst(%dma_wait3A_1139 : memref<256xf32, #tpu.memory_space<hbm>>)
      %dma_wait3A_1142 = arith.constant 0 : i32
      %dma_wait3A_1143 = tpu.memref_slice %arg5[%dma_wait3A_1142] : memref<30464xf32, #tpu.memory_space<vmem>> -> memref<256xf32, #tpu.memory_space<vmem>>
      %dma_wait3A_1144 = arith.constant 0 : i32
      %dma_wait3A_1145 = tpu.memref_slice %arg4[%dma_wait3A_1144] : memref<25600000xf32, #tpu.memory_space<hbm>> -> memref<256xf32, #tpu.memory_space<hbm>>
      %dma_wait3A_1146 = arith.constant 0 : i32
      %dma_wait3A_1147 = tpu.memref_slice %arg4[%dma_wait3A_1146] : memref<25600000xf32, #tpu.memory_space<hbm>> -> memref<256xf32, #tpu.memory_space<hbm>>
      %dma_wait3A_1148 = arith.constant 0 : i32
      %dma_wait3A_1149 = tpu.memref_slice %arg5[%dma_wait3A_1148] : memref<30464xf32, #tpu.memory_space<vmem>> -> memref<256xf32, #tpu.memory_space<vmem>>
      tpu.wait_dma2 semaphore(%arg12 : memref<!tpu.dma_semaphore, #tpu.memory_space<semaphore_mem>>) src(%dma_wait3A_1149 : memref<256xf32, #tpu.memory_space<vmem>>) dst(%dma_wait3A_1147 : memref<256xf32, #tpu.memory_space<hbm>>)
      %dma_wait3A_1150 = arith.constant 0 : i32
      %dma_wait3A_1151 = tpu.memref_slice %arg5[%dma_wait3A_1150] : memref<30464xf32, #tpu.memory_space<vmem>> -> memref<256xf32, #tpu.memory_space<vmem>>
      %dma_wait3A_1152 = arith.constant 0 : i32
      %dma_wait3A_1153 = tpu.memref_slice %arg4[%dma_wait3A_1152] : memref<25600000xf32, #tpu.memory_space<hbm>> -> memref<256xf32, #tpu.memory_space<hbm>>
      %dma_wait3A_1154 = arith.constant 0 : i32
      %dma_wait3A_1155 = tpu.memref_slice %arg4[%dma_wait3A_1154] : memref<25600000xf32, #tpu.memory_space<hbm>> -> memref<256xf32, #tpu.memory_space<hbm>>
      %dma_wait3A_1156 = arith.constant 0 : i32
      %dma_wait3A_1157 = tpu.memref_slice %arg5[%dma_wait3A_1156] : memref<30464xf32, #tpu.memory_space<vmem>> -> memref<256xf32, #tpu.memory_space<vmem>>
      tpu.wait_dma2 semaphore(%arg12 : memref<!tpu.dma_semaphore, #tpu.memory_space<semaphore_mem>>) src(%dma_wait3A_1157 : memref<256xf32, #tpu.memory_space<vmem>>) dst(%dma_wait3A_1155 : memref<256xf32, #tpu.memory_space<hbm>>)
      %dma_wait3A_1158 = arith.constant 0 : i32
      %dma_wait3A_1159 = tpu.memref_slice %arg5[%dma_wait3A_1158] : memref<30464xf32, #tpu.memory_space<vmem>> -> memref<256xf32, #tpu.memory_space<vmem>>
      %dma_wait3A_1160 = arith.constant 0 : i32
      %dma_wait3A_1161 = tpu.memref_slice %arg4[%dma_wait3A_1160] : memref<25600000xf32, #tpu.memory_space<hbm>> -> memref<256xf32, #tpu.memory_space<hbm>>
      %dma_wait3A_1162 = arith.constant 0 : i32
      %dma_wait3A_1163 = tpu.memref_slice %arg4[%dma_wait3A_1162] : memref<25600000xf32, #tpu.memory_space<hbm>> -> memref<256xf32, #tpu.memory_space<hbm>>
      %dma_wait3A_1164 = arith.constant 0 : i32
      %dma_wait3A_1165 = tpu.memref_slice %arg5[%dma_wait3A_1164] : memref<30464xf32, #tpu.memory_space<vmem>> -> memref<256xf32, #tpu.memory_space<vmem>>
      tpu.wait_dma2 semaphore(%arg12 : memref<!tpu.dma_semaphore, #tpu.memory_space<semaphore_mem>>) src(%dma_wait3A_1165 : memref<256xf32, #tpu.memory_space<vmem>>) dst(%dma_wait3A_1163 : memref<256xf32, #tpu.memory_space<hbm>>)
      %dma_wait3A_1166 = arith.constant 0 : i32
      %dma_wait3A_1167 = tpu.memref_slice %arg5[%dma_wait3A_1166] : memref<30464xf32, #tpu.memory_space<vmem>> -> memref<256xf32, #tpu.memory_space<vmem>>
      %dma_wait3A_1168 = arith.constant 0 : i32
      %dma_wait3A_1169 = tpu.memref_slice %arg4[%dma_wait3A_1168] : memref<25600000xf32, #tpu.memory_space<hbm>> -> memref<256xf32, #tpu.memory_space<hbm>>
      %dma_wait3A_1170 = arith.constant 0 : i32
      %dma_wait3A_1171 = tpu.memref_slice %arg4[%dma_wait3A_1170] : memref<25600000xf32, #tpu.memory_space<hbm>> -> memref<256xf32, #tpu.memory_space<hbm>>
      %dma_wait3A_1172 = arith.constant 0 : i32
      %dma_wait3A_1173 = tpu.memref_slice %arg5[%dma_wait3A_1172] : memref<30464xf32, #tpu.memory_space<vmem>> -> memref<256xf32, #tpu.memory_space<vmem>>
      tpu.wait_dma2 semaphore(%arg12 : memref<!tpu.dma_semaphore, #tpu.memory_space<semaphore_mem>>) src(%dma_wait3A_1173 : memref<256xf32, #tpu.memory_space<vmem>>) dst(%dma_wait3A_1171 : memref<256xf32, #tpu.memory_space<hbm>>)
      %dma_wait3A_1174 = arith.constant 0 : i32
      %dma_wait3A_1175 = tpu.memref_slice %arg5[%dma_wait3A_1174] : memref<30464xf32, #tpu.memory_space<vmem>> -> memref<256xf32, #tpu.memory_space<vmem>>
      %dma_wait3A_1176 = arith.constant 0 : i32
      %dma_wait3A_1177 = tpu.memref_slice %arg4[%dma_wait3A_1176] : memref<25600000xf32, #tpu.memory_space<hbm>> -> memref<256xf32, #tpu.memory_space<hbm>>
      %dma_wait3A_1178 = arith.constant 0 : i32
      %dma_wait3A_1179 = tpu.memref_slice %arg4[%dma_wait3A_1178] : memref<25600000xf32, #tpu.memory_space<hbm>> -> memref<256xf32, #tpu.memory_space<hbm>>
      %dma_wait3A_1180 = arith.constant 0 : i32
      %dma_wait3A_1181 = tpu.memref_slice %arg5[%dma_wait3A_1180] : memref<30464xf32, #tpu.memory_space<vmem>> -> memref<256xf32, #tpu.memory_space<vmem>>
      tpu.wait_dma2 semaphore(%arg12 : memref<!tpu.dma_semaphore, #tpu.memory_space<semaphore_mem>>) src(%dma_wait3A_1181 : memref<256xf32, #tpu.memory_space<vmem>>) dst(%dma_wait3A_1179 : memref<256xf32, #tpu.memory_space<hbm>>)
      %dma_wait3A_1182 = arith.constant 0 : i32
      %dma_wait3A_1183 = tpu.memref_slice %arg5[%dma_wait3A_1182] : memref<30464xf32, #tpu.memory_space<vmem>> -> memref<256xf32, #tpu.memory_space<vmem>>
      %dma_wait3A_1184 = arith.constant 0 : i32
      %dma_wait3A_1185 = tpu.memref_slice %arg4[%dma_wait3A_1184] : memref<25600000xf32, #tpu.memory_space<hbm>> -> memref<256xf32, #tpu.memory_space<hbm>>
      %dma_wait3A_1186 = arith.constant 0 : i32
      %dma_wait3A_1187 = tpu.memref_slice %arg4[%dma_wait3A_1186] : memref<25600000xf32, #tpu.memory_space<hbm>> -> memref<256xf32, #tpu.memory_space<hbm>>
      %dma_wait3A_1188 = arith.constant 0 : i32
      %dma_wait3A_1189 = tpu.memref_slice %arg5[%dma_wait3A_1188] : memref<30464xf32, #tpu.memory_space<vmem>> -> memref<256xf32, #tpu.memory_space<vmem>>
      tpu.wait_dma2 semaphore(%arg12 : memref<!tpu.dma_semaphore, #tpu.memory_space<semaphore_mem>>) src(%dma_wait3A_1189 : memref<256xf32, #tpu.memory_space<vmem>>) dst(%dma_wait3A_1187 : memref<256xf32, #tpu.memory_space<hbm>>)
      %dma_wait3A_1190 = arith.constant 0 : i32
      %dma_wait3A_1191 = tpu.memref_slice %arg5[%dma_wait3A_1190] : memref<30464xf32, #tpu.memory_space<vmem>> -> memref<256xf32, #tpu.memory_space<vmem>>
      %dma_wait3A_1192 = arith.constant 0 : i32
      %dma_wait3A_1193 = tpu.memref_slice %arg4[%dma_wait3A_1192] : memref<25600000xf32, #tpu.memory_space<hbm>> -> memref<256xf32, #tpu.memory_space<hbm>>
      %dma_wait3A_1194 = arith.constant 0 : i32
      %dma_wait3A_1195 = tpu.memref_slice %arg4[%dma_wait3A_1194] : memref<25600000xf32, #tpu.memory_space<hbm>> -> memref<256xf32, #tpu.memory_space<hbm>>
      %dma_wait3A_1196 = arith.constant 0 : i32
      %dma_wait3A_1197 = tpu.memref_slice %arg5[%dma_wait3A_1196] : memref<30464xf32, #tpu.memory_space<vmem>> -> memref<256xf32, #tpu.memory_space<vmem>>
      tpu.wait_dma2 semaphore(%arg12 : memref<!tpu.dma_semaphore, #tpu.memory_space<semaphore_mem>>) src(%dma_wait3A_1197 : memref<256xf32, #tpu.memory_space<vmem>>) dst(%dma_wait3A_1195 : memref<256xf32, #tpu.memory_space<hbm>>)
      %dma_wait3A_1198 = arith.constant 0 : i32
      %dma_wait3A_1199 = tpu.memref_slice %arg5[%dma_wait3A_1198] : memref<30464xf32, #tpu.memory_space<vmem>> -> memref<256xf32, #tpu.memory_space<vmem>>
      %dma_wait3A_1200 = arith.constant 0 : i32
      %dma_wait3A_1201 = tpu.memref_slice %arg4[%dma_wait3A_1200] : memref<25600000xf32, #tpu.memory_space<hbm>> -> memref<256xf32, #tpu.memory_space<hbm>>
      %dma_wait3A_1202 = arith.constant 0 : i32
      %dma_wait3A_1203 = tpu.memref_slice %arg4[%dma_wait3A_1202] : memref<25600000xf32, #tpu.memory_space<hbm>> -> memref<256xf32, #tpu.memory_space<hbm>>
      %dma_wait3A_1204 = arith.constant 0 : i32
      %dma_wait3A_1205 = tpu.memref_slice %arg5[%dma_wait3A_1204] : memref<30464xf32, #tpu.memory_space<vmem>> -> memref<256xf32, #tpu.memory_space<vmem>>
      tpu.wait_dma2 semaphore(%arg12 : memref<!tpu.dma_semaphore, #tpu.memory_space<semaphore_mem>>) src(%dma_wait3A_1205 : memref<256xf32, #tpu.memory_space<vmem>>) dst(%dma_wait3A_1203 : memref<256xf32, #tpu.memory_space<hbm>>)
      %dma_wait3A_1206 = arith.constant 0 : i32
      %dma_wait3A_1207 = tpu.memref_slice %arg5[%dma_wait3A_1206] : memref<30464xf32, #tpu.memory_space<vmem>> -> memref<256xf32, #tpu.memory_space<vmem>>
      %dma_wait3A_1208 = arith.constant 0 : i32
      %dma_wait3A_1209 = tpu.memref_slice %arg4[%dma_wait3A_1208] : memref<25600000xf32, #tpu.memory_space<hbm>> -> memref<256xf32, #tpu.memory_space<hbm>>
      %dma_wait3A_1210 = arith.constant 0 : i32
      %dma_wait3A_1211 = tpu.memref_slice %arg4[%dma_wait3A_1210] : memref<25600000xf32, #tpu.memory_space<hbm>> -> memref<256xf32, #tpu.memory_space<hbm>>
      %dma_wait3A_1212 = arith.constant 0 : i32
      %dma_wait3A_1213 = tpu.memref_slice %arg5[%dma_wait3A_1212] : memref<30464xf32, #tpu.memory_space<vmem>> -> memref<256xf32, #tpu.memory_space<vmem>>
      tpu.wait_dma2 semaphore(%arg12 : memref<!tpu.dma_semaphore, #tpu.memory_space<semaphore_mem>>) src(%dma_wait3A_1213 : memref<256xf32, #tpu.memory_space<vmem>>) dst(%dma_wait3A_1211 : memref<256xf32, #tpu.memory_space<hbm>>)
      %dma_wait3A_1214 = arith.constant 0 : i32
      %dma_wait3A_1215 = tpu.memref_slice %arg5[%dma_wait3A_1214] : memref<30464xf32, #tpu.memory_space<vmem>> -> memref<256xf32, #tpu.memory_space<vmem>>
      %dma_wait3A_1216 = arith.constant 0 : i32
      %dma_wait3A_1217 = tpu.memref_slice %arg4[%dma_wait3A_1216] : memref<25600000xf32, #tpu.memory_space<hbm>> -> memref<256xf32, #tpu.memory_space<hbm>>
      %dma_wait3A_1218 = arith.constant 0 : i32
      %dma_wait3A_1219 = tpu.memref_slice %arg4[%dma_wait3A_1218] : memref<25600000xf32, #tpu.memory_space<hbm>> -> memref<256xf32, #tpu.memory_space<hbm>>
      %dma_wait3A_1220 = arith.constant 0 : i32
      %dma_wait3A_1221 = tpu.memref_slice %arg5[%dma_wait3A_1220] : memref<30464xf32, #tpu.memory_space<vmem>> -> memref<256xf32, #tpu.memory_space<vmem>>
      tpu.wait_dma2 semaphore(%arg12 : memref<!tpu.dma_semaphore, #tpu.memory_space<semaphore_mem>>) src(%dma_wait3A_1221 : memref<256xf32, #tpu.memory_space<vmem>>) dst(%dma_wait3A_1219 : memref<256xf32, #tpu.memory_space<hbm>>)
      %get3A_1222 = arith.constant 8 : index
      %get3A_1223 = tpu.vector_load %arg7[%get3A_1222] {strides = array<i32>} : memref<24xi32, #tpu.memory_space<vmem>>, vector<16xi32>,
      %mul3A_1224 = arith.constant 16 : i32
      %mul3A_1225 = arith.muli %add3A_1083, %mul3A_1224 : i32
      %add3A_1226 = arith.addi %mul3A_2, %mul3A_1225 : i32
      %min3A_1227 = arith.minsi %add3A_1226, %sub3A_6 : i32
      %slice3A_1228 = vector.extract_strided_slice %get3A_1223 {offsets = [0], sizes = [1], strides = [1]} : vector<16xi32> to vector<1xi32>
      %squeeze3A_1229 = vector.extract %slice3A_1228[0] : i32 from vector<1xi32>
      %add3A_1230 = arith.constant 0 : i32
      %add3A_1231 = arith.addi %min3A_1227, %add3A_1230 : i32
      %mul3A_1232 = arith.constant 256 : i32
      %mul3A_1233 = arith.muli %squeeze3A_1229, %mul3A_1232 : i32
      %mul3A_1234 = arith.constant 256 : i32
      %mul3A_1235 = arith.muli %add3A_1231, %mul3A_1234 : i32
      %dma_start3A_1236 = tpu.memref_slice %arg5[%mul3A_1233] : memref<30464xf32, #tpu.memory_space<vmem>> -> memref<256xf32, #tpu.memory_space<vmem>>
      %dma_start3A_1237 = tpu.memref_slice %arg4[%mul3A_1235] : memref<25600000xf32, #tpu.memory_space<hbm>> -> memref<256xf32, #tpu.memory_space<hbm>>
      %dma_start3A_1238 = tpu.memref_slice %arg4[%mul3A_1235] : memref<25600000xf32, #tpu.memory_space<hbm>> -> memref<256xf32, #tpu.memory_space<hbm>>
      %dma_start3A_1239 = tpu.memref_slice %arg5[%mul3A_1233] : memref<30464xf32, #tpu.memory_space<vmem>> -> memref<256xf32, #tpu.memory_space<vmem>>
      tpu.enqueue_dma source(%dma_start3A_1239 : memref<256xf32, #tpu.memory_space<vmem>>) target(%dma_start3A_1238 : memref<256xf32, #tpu.memory_space<hbm>>) target_semaphore(%arg12 : memref<!tpu.dma_semaphore, #tpu.memory_space<semaphore_mem>>)
      %slice3A_1240 = vector.extract_strided_slice %get3A_1223 {offsets = [1], sizes = [1], strides = [1]} : vector<16xi32> to vector<1xi32>
      %squeeze3A_1241 = vector.extract %slice3A_1240[0] : i32 from vector<1xi32>
      %add3A_1242 = arith.constant 1 : i32
      %add3A_1243 = arith.addi %min3A_1227, %add3A_1242 : i32
      %mul3A_1244 = arith.constant 256 : i32
      %mul3A_1245 = arith.muli %squeeze3A_1241, %mul3A_1244 : i32
      %mul3A_1246 = arith.constant 256 : i32
      %mul3A_1247 = arith.muli %add3A_1243, %mul3A_1246 : i32
      %dma_start3A_1248 = tpu.memref_slice %arg5[%mul3A_1245] : memref<30464xf32, #tpu.memory_space<vmem>> -> memref<256xf32, #tpu.memory_space<vmem>>
      %dma_start3A_1249 = tpu.memref_slice %arg4[%mul3A_1247] : memref<25600000xf32, #tpu.memory_space<hbm>> -> memref<256xf32, #tpu.memory_space<hbm>>
      %dma_start3A_1250 = tpu.memref_slice %arg4[%mul3A_1247] : memref<25600000xf32, #tpu.memory_space<hbm>> -> memref<256xf32, #tpu.memory_space<hbm>>
      %dma_start3A_1251 = tpu.memref_slice %arg5[%mul3A_1245] : memref<30464xf32, #tpu.memory_space<vmem>> -> memref<256xf32, #tpu.memory_space<vmem>>
      tpu.enqueue_dma source(%dma_start3A_1251 : memref<256xf32, #tpu.memory_space<vmem>>) target(%dma_start3A_1250 : memref<256xf32, #tpu.memory_space<hbm>>) target_semaphore(%arg12 : memref<!tpu.dma_semaphore, #tpu.memory_space<semaphore_mem>>)
      %slice3A_1252 = vector.extract_strided_slice %get3A_1223 {offsets = [2], sizes = [1], strides = [1]} : vector<16xi32> to vector<1xi32>
      %squeeze3A_1253 = vector.extract %slice3A_1252[0] : i32 from vector<1xi32>
      %add3A_1254 = arith.constant 2 : i32
      %add3A_1255 = arith.addi %min3A_1227, %add3A_1254 : i32
      %mul3A_1256 = arith.constant 256 : i32
      %mul3A_1257 = arith.muli %squeeze3A_1253, %mul3A_1256 : i32
      %mul3A_1258 = arith.constant 256 : i32
      %mul3A_1259 = arith.muli %add3A_1255, %mul3A_1258 : i32
      %dma_start3A_1260 = tpu.memref_slice %arg5[%mul3A_1257] : memref<30464xf32, #tpu.memory_space<vmem>> -> memref<256xf32, #tpu.memory_space<vmem>>
      %dma_start3A_1261 = tpu.memref_slice %arg4[%mul3A_1259] : memref<25600000xf32, #tpu.memory_space<hbm>> -> memref<256xf32, #tpu.memory_space<hbm>>
      %dma_start3A_1262 = tpu.memref_slice %arg4[%mul3A_1259] : memref<25600000xf32, #tpu.memory_space<hbm>> -> memref<256xf32, #tpu.memory_space<hbm>>
      %dma_start3A_1263 = tpu.memref_slice %arg5[%mul3A_1257] : memref<30464xf32, #tpu.memory_space<vmem>> -> memref<256xf32, #tpu.memory_space<vmem>>
      tpu.enqueue_dma source(%dma_start3A_1263 : memref<256xf32, #tpu.memory_space<vmem>>) target(%dma_start3A_1262 : memref<256xf32, #tpu.memory_space<hbm>>) target_semaphore(%arg12 : memref<!tpu.dma_semaphore, #tpu.memory_space<semaphore_mem>>)
      %slice3A_1264 = vector.extract_strided_slice %get3A_1223 {offsets = [3], sizes = [1], strides = [1]} : vector<16xi32> to vector<1xi32>
      %squeeze3A_1265 = vector.extract %slice3A_1264[0] : i32 from vector<1xi32>
      %add3A_1266 = arith.constant 3 : i32
      %add3A_1267 = arith.addi %min3A_1227, %add3A_1266 : i32
      %mul3A_1268 = arith.constant 256 : i32
      %mul3A_1269 = arith.muli %squeeze3A_1265, %mul3A_1268 : i32
      %mul3A_1270 = arith.constant 256 : i32
      %mul3A_1271 = arith.muli %add3A_1267, %mul3A_1270 : i32
      %dma_start3A_1272 = tpu.memref_slice %arg5[%mul3A_1269] : memref<30464xf32, #tpu.memory_space<vmem>> -> memref<256xf32, #tpu.memory_space<vmem>>
      %dma_start3A_1273 = tpu.memref_slice %arg4[%mul3A_1271] : memref<25600000xf32, #tpu.memory_space<hbm>> -> memref<256xf32, #tpu.memory_space<hbm>>
      %dma_start3A_1274 = tpu.memref_slice %arg4[%mul3A_1271] : memref<25600000xf32, #tpu.memory_space<hbm>> -> memref<256xf32, #tpu.memory_space<hbm>>
      %dma_start3A_1275 = tpu.memref_slice %arg5[%mul3A_1269] : memref<30464xf32, #tpu.memory_space<vmem>> -> memref<256xf32, #tpu.memory_space<vmem>>
      tpu.enqueue_dma source(%dma_start3A_1275 : memref<256xf32, #tpu.memory_space<vmem>>) target(%dma_start3A_1274 : memref<256xf32, #tpu.memory_space<hbm>>) target_semaphore(%arg12 : memref<!tpu.dma_semaphore, #tpu.memory_space<semaphore_mem>>)
      %slice3A_1276 = vector.extract_strided_slice %get3A_1223 {offsets = [4], sizes = [1], strides = [1]} : vector<16xi32> to vector<1xi32>
      %squeeze3A_1277 = vector.extract %slice3A_1276[0] : i32 from vector<1xi32>
      %add3A_1278 = arith.constant 4 : i32
      %add3A_1279 = arith.addi %min3A_1227, %add3A_1278 : i32
      %mul3A_1280 = arith.constant 256 : i32
      %mul3A_1281 = arith.muli %squeeze3A_1277, %mul3A_1280 : i32
      %mul3A_1282 = arith.constant 256 : i32
      %mul3A_1283 = arith.muli %add3A_1279, %mul3A_1282 : i32
      %dma_start3A_1284 = tpu.memref_slice %arg5[%mul3A_1281] : memref<30464xf32, #tpu.memory_space<vmem>> -> memref<256xf32, #tpu.memory_space<vmem>>
      %dma_start3A_1285 = tpu.memref_slice %arg4[%mul3A_1283] : memref<25600000xf32, #tpu.memory_space<hbm>> -> memref<256xf32, #tpu.memory_space<hbm>>
      %dma_start3A_1286 = tpu.memref_slice %arg4[%mul3A_1283] : memref<25600000xf32, #tpu.memory_space<hbm>> -> memref<256xf32, #tpu.memory_space<hbm>>
      %dma_start3A_1287 = tpu.memref_slice %arg5[%mul3A_1281] : memref<30464xf32, #tpu.memory_space<vmem>> -> memref<256xf32, #tpu.memory_space<vmem>>
      tpu.enqueue_dma source(%dma_start3A_1287 : memref<256xf32, #tpu.memory_space<vmem>>) target(%dma_start3A_1286 : memref<256xf32, #tpu.memory_space<hbm>>) target_semaphore(%arg12 : memref<!tpu.dma_semaphore, #tpu.memory_space<semaphore_mem>>)
      %slice3A_1288 = vector.extract_strided_slice %get3A_1223 {offsets = [5], sizes = [1], strides = [1]} : vector<16xi32> to vector<1xi32>
      %squeeze3A_1289 = vector.extract %slice3A_1288[0] : i32 from vector<1xi32>
      %add3A_1290 = arith.constant 5 : i32
      %add3A_1291 = arith.addi %min3A_1227, %add3A_1290 : i32
      %mul3A_1292 = arith.constant 256 : i32
      %mul3A_1293 = arith.muli %squeeze3A_1289, %mul3A_1292 : i32
      %mul3A_1294 = arith.constant 256 : i32
      %mul3A_1295 = arith.muli %add3A_1291, %mul3A_1294 : i32
      %dma_start3A_1296 = tpu.memref_slice %arg5[%mul3A_1293] : memref<30464xf32, #tpu.memory_space<vmem>> -> memref<256xf32, #tpu.memory_space<vmem>>
      %dma_start3A_1297 = tpu.memref_slice %arg4[%mul3A_1295] : memref<25600000xf32, #tpu.memory_space<hbm>> -> memref<256xf32, #tpu.memory_space<hbm>>
      %dma_start3A_1298 = tpu.memref_slice %arg4[%mul3A_1295] : memref<25600000xf32, #tpu.memory_space<hbm>> -> memref<256xf32, #tpu.memory_space<hbm>>
      %dma_start3A_1299 = tpu.memref_slice %arg5[%mul3A_1293] : memref<30464xf32, #tpu.memory_space<vmem>> -> memref<256xf32, #tpu.memory_space<vmem>>
      tpu.enqueue_dma source(%dma_start3A_1299 : memref<256xf32, #tpu.memory_space<vmem>>) target(%dma_start3A_1298 : memref<256xf32, #tpu.memory_space<hbm>>) target_semaphore(%arg12 : memref<!tpu.dma_semaphore, #tpu.memory_space<semaphore_mem>>)
      %slice3A_1300 = vector.extract_strided_slice %get3A_1223 {offsets = [6], sizes = [1], strides = [1]} : vector<16xi32> to vector<1xi32>
      %squeeze3A_1301 = vector.extract %slice3A_1300[0] : i32 from vector<1xi32>
      %add3A_1302 = arith.constant 6 : i32
      %add3A_1303 = arith.addi %min3A_1227, %add3A_1302 : i32
      %mul3A_1304 = arith.constant 256 : i32
      %mul3A_1305 = arith.muli %squeeze3A_1301, %mul3A_1304 : i32
      %mul3A_1306 = arith.constant 256 : i32
      %mul3A_1307 = arith.muli %add3A_1303, %mul3A_1306 : i32
      %dma_start3A_1308 = tpu.memref_slice %arg5[%mul3A_1305] : memref<30464xf32, #tpu.memory_space<vmem>> -> memref<256xf32, #tpu.memory_space<vmem>>
      %dma_start3A_1309 = tpu.memref_slice %arg4[%mul3A_1307] : memref<25600000xf32, #tpu.memory_space<hbm>> -> memref<256xf32, #tpu.memory_space<hbm>>
      %dma_start3A_1310 = tpu.memref_slice %arg4[%mul3A_1307] : memref<25600000xf32, #tpu.memory_space<hbm>> -> memref<256xf32, #tpu.memory_space<hbm>>
      %dma_start3A_1311 = tpu.memref_slice %arg5[%mul3A_1305] : memref<30464xf32, #tpu.memory_space<vmem>> -> memref<256xf32, #tpu.memory_space<vmem>>
      tpu.enqueue_dma source(%dma_start3A_1311 : memref<256xf32, #tpu.memory_space<vmem>>) target(%dma_start3A_1310 : memref<256xf32, #tpu.memory_space<hbm>>) target_semaphore(%arg12 : memref<!tpu.dma_semaphore, #tpu.memory_space<semaphore_mem>>)
      %slice3A_1312 = vector.extract_strided_slice %get3A_1223 {offsets = [7], sizes = [1], strides = [1]} : vector<16xi32> to vector<1xi32>
      %squeeze3A_1313 = vector.extract %slice3A_1312[0] : i32 from vector<1xi32>
      %add3A_1314 = arith.constant 7 : i32
      %add3A_1315 = arith.addi %min3A_1227, %add3A_1314 : i32
      %mul3A_1316 = arith.constant 256 : i32
      %mul3A_1317 = arith.muli %squeeze3A_1313, %mul3A_1316 : i32
      %mul3A_1318 = arith.constant 256 : i32
      %mul3A_1319 = arith.muli %add3A_1315, %mul3A_1318 : i32
      %dma_start3A_1320 = tpu.memref_slice %arg5[%mul3A_1317] : memref<30464xf32, #tpu.memory_space<vmem>> -> memref<256xf32, #tpu.memory_space<vmem>>
      %dma_start3A_1321 = tpu.memref_slice %arg4[%mul3A_1319] : memref<25600000xf32, #tpu.memory_space<hbm>> -> memref<256xf32, #tpu.memory_space<hbm>>
      %dma_start3A_1322 = tpu.memref_slice %arg4[%mul3A_1319] : memref<25600000xf32, #tpu.memory_space<hbm>> -> memref<256xf32, #tpu.memory_space<hbm>>
      %dma_start3A_1323 = tpu.memref_slice %arg5[%mul3A_1317] : memref<30464xf32, #tpu.memory_space<vmem>> -> memref<256xf32, #tpu.memory_space<vmem>>
      tpu.enqueue_dma source(%dma_start3A_1323 : memref<256xf32, #tpu.memory_space<vmem>>) target(%dma_start3A_1322 : memref<256xf32, #tpu.memory_space<hbm>>) target_semaphore(%arg12 : memref<!tpu.dma_semaphore, #tpu.memory_space<semaphore_mem>>)
      %slice3A_1324 = vector.extract_strided_slice %get3A_1223 {offsets = [8], sizes = [1], strides = [1]} : vector<16xi32> to vector<1xi32>
      %squeeze3A_1325 = vector.extract %slice3A_1324[0] : i32 from vector<1xi32>
      %add3A_1326 = arith.constant 8 : i32
      %add3A_1327 = arith.addi %min3A_1227, %add3A_1326 : i32
      %mul3A_1328 = arith.constant 256 : i32
      %mul3A_1329 = arith.muli %squeeze3A_1325, %mul3A_1328 : i32
      %mul3A_1330 = arith.constant 256 : i32
      %mul3A_1331 = arith.muli %add3A_1327, %mul3A_1330 : i32
      %dma_start3A_1332 = tpu.memref_slice %arg5[%mul3A_1329] : memref<30464xf32, #tpu.memory_space<vmem>> -> memref<256xf32, #tpu.memory_space<vmem>>
      %dma_start3A_1333 = tpu.memref_slice %arg4[%mul3A_1331] : memref<25600000xf32, #tpu.memory_space<hbm>> -> memref<256xf32, #tpu.memory_space<hbm>>
      %dma_start3A_1334 = tpu.memref_slice %arg4[%mul3A_1331] : memref<25600000xf32, #tpu.memory_space<hbm>> -> memref<256xf32, #tpu.memory_space<hbm>>
      %dma_start3A_1335 = tpu.memref_slice %arg5[%mul3A_1329] : memref<30464xf32, #tpu.memory_space<vmem>> -> memref<256xf32, #tpu.memory_space<vmem>>
      tpu.enqueue_dma source(%dma_start3A_1335 : memref<256xf32, #tpu.memory_space<vmem>>) target(%dma_start3A_1334 : memref<256xf32, #tpu.memory_space<hbm>>) target_semaphore(%arg12 : memref<!tpu.dma_semaphore, #tpu.memory_space<semaphore_mem>>)
      %slice3A_1336 = vector.extract_strided_slice %get3A_1223 {offsets = [9], sizes = [1], strides = [1]} : vector<16xi32> to vector<1xi32>
      %squeeze3A_1337 = vector.extract %slice3A_1336[0] : i32 from vector<1xi32>
      %add3A_1338 = arith.constant 9 : i32
      %add3A_1339 = arith.addi %min3A_1227, %add3A_1338 : i32
      %mul3A_1340 = arith.constant 256 : i32
      %mul3A_1341 = arith.muli %squeeze3A_1337, %mul3A_1340 : i32
      %mul3A_1342 = arith.constant 256 : i32
      %mul3A_1343 = arith.muli %add3A_1339, %mul3A_1342 : i32
      %dma_start3A_1344 = tpu.memref_slice %arg5[%mul3A_1341] : memref<30464xf32, #tpu.memory_space<vmem>> -> memref<256xf32, #tpu.memory_space<vmem>>
      %dma_start3A_1345 = tpu.memref_slice %arg4[%mul3A_1343] : memref<25600000xf32, #tpu.memory_space<hbm>> -> memref<256xf32, #tpu.memory_space<hbm>>
      %dma_start3A_1346 = tpu.memref_slice %arg4[%mul3A_1343] : memref<25600000xf32, #tpu.memory_space<hbm>> -> memref<256xf32, #tpu.memory_space<hbm>>
      %dma_start3A_1347 = tpu.memref_slice %arg5[%mul3A_1341] : memref<30464xf32, #tpu.memory_space<vmem>> -> memref<256xf32, #tpu.memory_space<vmem>>
      tpu.enqueue_dma source(%dma_start3A_1347 : memref<256xf32, #tpu.memory_space<vmem>>) target(%dma_start3A_1346 : memref<256xf32, #tpu.memory_space<hbm>>) target_semaphore(%arg12 : memref<!tpu.dma_semaphore, #tpu.memory_space<semaphore_mem>>)
      %slice3A_1348 = vector.extract_strided_slice %get3A_1223 {offsets = [10], sizes = [1], strides = [1]} : vector<16xi32> to vector<1xi32>
      %squeeze3A_1349 = vector.extract %slice3A_1348[0] : i32 from vector<1xi32>
      %add3A_1350 = arith.constant 10 : i32
      %add3A_1351 = arith.addi %min3A_1227, %add3A_1350 : i32
      %mul3A_1352 = arith.constant 256 : i32
      %mul3A_1353 = arith.muli %squeeze3A_1349, %mul3A_1352 : i32
      %mul3A_1354 = arith.constant 256 : i32
      %mul3A_1355 = arith.muli %add3A_1351, %mul3A_1354 : i32
      %dma_start3A_1356 = tpu.memref_slice %arg5[%mul3A_1353] : memref<30464xf32, #tpu.memory_space<vmem>> -> memref<256xf32, #tpu.memory_space<vmem>>
      %dma_start3A_1357 = tpu.memref_slice %arg4[%mul3A_1355] : memref<25600000xf32, #tpu.memory_space<hbm>> -> memref<256xf32, #tpu.memory_space<hbm>>
      %dma_start3A_1358 = tpu.memref_slice %arg4[%mul3A_1355] : memref<25600000xf32, #tpu.memory_space<hbm>> -> memref<256xf32, #tpu.memory_space<hbm>>
      %dma_start3A_1359 = tpu.memref_slice %arg5[%mul3A_1353] : memref<30464xf32, #tpu.memory_space<vmem>> -> memref<256xf32, #tpu.memory_space<vmem>>
      tpu.enqueue_dma source(%dma_start3A_1359 : memref<256xf32, #tpu.memory_space<vmem>>) target(%dma_start3A_1358 : memref<256xf32, #tpu.memory_space<hbm>>) target_semaphore(%arg12 : memref<!tpu.dma_semaphore, #tpu.memory_space<semaphore_mem>>)
      %slice3A_1360 = vector.extract_strided_slice %get3A_1223 {offsets = [11], sizes = [1], strides = [1]} : vector<16xi32> to vector<1xi32>
      %squeeze3A_1361 = vector.extract %slice3A_1360[0] : i32 from vector<1xi32>
      %add3A_1362 = arith.constant 11 : i32
      %add3A_1363 = arith.addi %min3A_1227, %add3A_1362 : i32
      %mul3A_1364 = arith.constant 256 : i32
      %mul3A_1365 = arith.muli %squeeze3A_1361, %mul3A_1364 : i32
      %mul3A_1366 = arith.constant 256 : i32
      %mul3A_1367 = arith.muli %add3A_1363, %mul3A_1366 : i32
      %dma_start3A_1368 = tpu.memref_slice %arg5[%mul3A_1365] : memref<30464xf32, #tpu.memory_space<vmem>> -> memref<256xf32, #tpu.memory_space<vmem>>
      %dma_start3A_1369 = tpu.memref_slice %arg4[%mul3A_1367] : memref<25600000xf32, #tpu.memory_space<hbm>> -> memref<256xf32, #tpu.memory_space<hbm>>
      %dma_start3A_1370 = tpu.memref_slice %arg4[%mul3A_1367] : memref<25600000xf32, #tpu.memory_space<hbm>> -> memref<256xf32, #tpu.memory_space<hbm>>
      %dma_start3A_1371 = tpu.memref_slice %arg5[%mul3A_1365] : memref<30464xf32, #tpu.memory_space<vmem>> -> memref<256xf32, #tpu.memory_space<vmem>>
      tpu.enqueue_dma source(%dma_start3A_1371 : memref<256xf32, #tpu.memory_space<vmem>>) target(%dma_start3A_1370 : memref<256xf32, #tpu.memory_space<hbm>>) target_semaphore(%arg12 : memref<!tpu.dma_semaphore, #tpu.memory_space<semaphore_mem>>)
      %slice3A_1372 = vector.extract_strided_slice %get3A_1223 {offsets = [12], sizes = [1], strides = [1]} : vector<16xi32> to vector<1xi32>
      %squeeze3A_1373 = vector.extract %slice3A_1372[0] : i32 from vector<1xi32>
      %add3A_1374 = arith.constant 12 : i32
      %add3A_1375 = arith.addi %min3A_1227, %add3A_1374 : i32
      %mul3A_1376 = arith.constant 256 : i32
      %mul3A_1377 = arith.muli %squeeze3A_1373, %mul3A_1376 : i32
      %mul3A_1378 = arith.constant 256 : i32
      %mul3A_1379 = arith.muli %add3A_1375, %mul3A_1378 : i32
      %dma_start3A_1380 = tpu.memref_slice %arg5[%mul3A_1377] : memref<30464xf32, #tpu.memory_space<vmem>> -> memref<256xf32, #tpu.memory_space<vmem>>
      %dma_start3A_1381 = tpu.memref_slice %arg4[%mul3A_1379] : memref<25600000xf32, #tpu.memory_space<hbm>> -> memref<256xf32, #tpu.memory_space<hbm>>
      %dma_start3A_1382 = tpu.memref_slice %arg4[%mul3A_1379] : memref<25600000xf32, #tpu.memory_space<hbm>> -> memref<256xf32, #tpu.memory_space<hbm>>
      %dma_start3A_1383 = tpu.memref_slice %arg5[%mul3A_1377] : memref<30464xf32, #tpu.memory_space<vmem>> -> memref<256xf32, #tpu.memory_space<vmem>>
      tpu.enqueue_dma source(%dma_start3A_1383 : memref<256xf32, #tpu.memory_space<vmem>>) target(%dma_start3A_1382 : memref<256xf32, #tpu.memory_space<hbm>>) target_semaphore(%arg12 : memref<!tpu.dma_semaphore, #tpu.memory_space<semaphore_mem>>)
      %slice3A_1384 = vector.extract_strided_slice %get3A_1223 {offsets = [13], sizes = [1], strides = [1]} : vector<16xi32> to vector<1xi32>
      %squeeze3A_1385 = vector.extract %slice3A_1384[0] : i32 from vector<1xi32>
      %add3A_1386 = arith.constant 13 : i32
      %add3A_1387 = arith.addi %min3A_1227, %add3A_1386 : i32
      %mul3A_1388 = arith.constant 256 : i32
      %mul3A_1389 = arith.muli %squeeze3A_1385, %mul3A_1388 : i32
      %mul3A_1390 = arith.constant 256 : i32
      %mul3A_1391 = arith.muli %add3A_1387, %mul3A_1390 : i32
      %dma_start3A_1392 = tpu.memref_slice %arg5[%mul3A_1389] : memref<30464xf32, #tpu.memory_space<vmem>> -> memref<256xf32, #tpu.memory_space<vmem>>
      %dma_start3A_1393 = tpu.memref_slice %arg4[%mul3A_1391] : memref<25600000xf32, #tpu.memory_space<hbm>> -> memref<256xf32, #tpu.memory_space<hbm>>
      %dma_start3A_1394 = tpu.memref_slice %arg4[%mul3A_1391] : memref<25600000xf32, #tpu.memory_space<hbm>> -> memref<256xf32, #tpu.memory_space<hbm>>
      %dma_start3A_1395 = tpu.memref_slice %arg5[%mul3A_1389] : memref<30464xf32, #tpu.memory_space<vmem>> -> memref<256xf32, #tpu.memory_space<vmem>>
      tpu.enqueue_dma source(%dma_start3A_1395 : memref<256xf32, #tpu.memory_space<vmem>>) target(%dma_start3A_1394 : memref<256xf32, #tpu.memory_space<hbm>>) target_semaphore(%arg12 : memref<!tpu.dma_semaphore, #tpu.memory_space<semaphore_mem>>)
      %slice3A_1396 = vector.extract_strided_slice %get3A_1223 {offsets = [14], sizes = [1], strides = [1]} : vector<16xi32> to vector<1xi32>
      %squeeze3A_1397 = vector.extract %slice3A_1396[0] : i32 from vector<1xi32>
      %add3A_1398 = arith.constant 14 : i32
      %add3A_1399 = arith.addi %min3A_1227, %add3A_1398 : i32
      %mul3A_1400 = arith.constant 256 : i32
      %mul3A_1401 = arith.muli %squeeze3A_1397, %mul3A_1400 : i32
      %mul3A_1402 = arith.constant 256 : i32
      %mul3A_1403 = arith.muli %add3A_1399, %mul3A_1402 : i32
      %dma_start3A_1404 = tpu.memref_slice %arg5[%mul3A_1401] : memref<30464xf32, #tpu.memory_space<vmem>> -> memref<256xf32, #tpu.memory_space<vmem>>
      %dma_start3A_1405 = tpu.memref_slice %arg4[%mul3A_1403] : memref<25600000xf32, #tpu.memory_space<hbm>> -> memref<256xf32, #tpu.memory_space<hbm>>
      %dma_start3A_1406 = tpu.memref_slice %arg4[%mul3A_1403] : memref<25600000xf32, #tpu.memory_space<hbm>> -> memref<256xf32, #tpu.memory_space<hbm>>
      %dma_start3A_1407 = tpu.memref_slice %arg5[%mul3A_1401] : memref<30464xf32, #tpu.memory_space<vmem>> -> memref<256xf32, #tpu.memory_space<vmem>>
      tpu.enqueue_dma source(%dma_start3A_1407 : memref<256xf32, #tpu.memory_space<vmem>>) target(%dma_start3A_1406 : memref<256xf32, #tpu.memory_space<hbm>>) target_semaphore(%arg12 : memref<!tpu.dma_semaphore, #tpu.memory_space<semaphore_mem>>)
      %slice3A_1408 = vector.extract_strided_slice %get3A_1223 {offsets = [15], sizes = [1], strides = [1]} : vector<16xi32> to vector<1xi32>
      %squeeze3A_1409 = vector.extract %slice3A_1408[0] : i32 from vector<1xi32>
      %add3A_1410 = arith.constant 15 : i32
      %add3A_1411 = arith.addi %min3A_1227, %add3A_1410 : i32
      %mul3A_1412 = arith.constant 256 : i32
      %mul3A_1413 = arith.muli %squeeze3A_1409, %mul3A_1412 : i32
      %mul3A_1414 = arith.constant 256 : i32
      %mul3A_1415 = arith.muli %add3A_1411, %mul3A_1414 : i32
      %dma_start3A_1416 = tpu.memref_slice %arg5[%mul3A_1413] : memref<30464xf32, #tpu.memory_space<vmem>> -> memref<256xf32, #tpu.memory_space<vmem>>
      %dma_start3A_1417 = tpu.memref_slice %arg4[%mul3A_1415] : memref<25600000xf32, #tpu.memory_space<hbm>> -> memref<256xf32, #tpu.memory_space<hbm>>
      %dma_start3A_1418 = tpu.memref_slice %arg4[%mul3A_1415] : memref<25600000xf32, #tpu.memory_space<hbm>> -> memref<256xf32, #tpu.memory_space<hbm>>
      %dma_start3A_1419 = tpu.memref_slice %arg5[%mul3A_1413] : memref<30464xf32, #tpu.memory_space<vmem>> -> memref<256xf32, #tpu.memory_space<vmem>>
      tpu.enqueue_dma source(%dma_start3A_1419 : memref<256xf32, #tpu.memory_space<vmem>>) target(%dma_start3A_1418 : memref<256xf32, #tpu.memory_space<hbm>>) target_semaphore(%arg12 : memref<!tpu.dma_semaphore, #tpu.memory_space<semaphore_mem>>)
      %add3A_1420 = arith.constant 2 : i32
      %add3A_1421 = arith.addi %add3A_1083, %add3A_1420 : i32
      %mul3A_1422 = arith.constant 16 : i32
      %mul3A_1423 = arith.muli %add3A_1421, %mul3A_1422 : i32
      %add3A_1424 = arith.addi %mul3A_2, %mul3A_1423 : i32
      %min3A_1425 = arith.minsi %add3A_1424, %sub3A_6 : i32
      %dma_start3A_1426 = arith.constant 8 : i32
      %dma_start3A_1427 = tpu.memref_slice %arg7[%dma_start3A_1426] : memref<24xi32, #tpu.memory_space<vmem>> -> memref<16xi32, #tpu.memory_space<vmem>>
      %dma_start3A_1428 = tpu.memref_slice %arg2[%min3A_1425] : memref<100000xi32, #tpu.memory_space<hbm>> -> memref<16xi32, #tpu.memory_space<hbm>>
      %dma_start3A_1429 = arith.constant 8 : i32
      %dma_start3A_1430 = tpu.memref_slice %arg7[%dma_start3A_1429] : memref<24xi32, #tpu.memory_space<vmem>> -> memref<16xi32, #tpu.memory_space<vmem>>
      %dma_start3A_1431 = tpu.memref_slice %arg2[%min3A_1425] : memref<100000xi32, #tpu.memory_space<hbm>> -> memref<16xi32, #tpu.memory_space<hbm>>
      tpu.enqueue_dma source(%dma_start3A_1431 : memref<16xi32, #tpu.memory_space<hbm>>) target(%dma_start3A_1430 : memref<16xi32, #tpu.memory_space<vmem>>) target_semaphore(%arg10 : memref<!tpu.dma_semaphore, #tpu.memory_space<semaphore_mem>>)
    }
    %scan3A_452 = arith.constant 97 : i32
    %add3A_453 = arith.constant 3136 : i32
    %add3A_454 = arith.addi %mul3A_2, %add3A_453 : i32
    %min3A_455 = arith.minsi %add3A_454, %sub3A_6 : i32
    %dma_wait3A_456 = arith.constant 8 : i32
    %dma_wait3A_457 = tpu.memref_slice %arg6[%dma_wait3A_456] : memref<24xi32, #tpu.memory_space<vmem>> -> memref<16xi32, #tpu.memory_space<vmem>>
    %dma_wait3A_458 = tpu.memref_slice %arg2[%min3A_455] : memref<100000xi32, #tpu.memory_space<hbm>> -> memref<16xi32, #tpu.memory_space<hbm>>
    %dma_wait3A_459 = arith.constant 8 : i32
    %dma_wait3A_460 = tpu.memref_slice %arg6[%dma_wait3A_459] : memref<24xi32, #tpu.memory_space<vmem>> -> memref<16xi32, #tpu.memory_space<vmem>>
    %dma_wait3A_461 = tpu.memref_slice %arg2[%min3A_455] : memref<100000xi32, #tpu.memory_space<hbm>> -> memref<16xi32, #tpu.memory_space<hbm>>
    tpu.wait_dma2 semaphore(%arg9 : memref<!tpu.dma_semaphore, #tpu.memory_space<semaphore_mem>>) src(%dma_wait3A_461 : memref<16xi32, #tpu.memory_space<hbm>>) dst(%dma_wait3A_460 : memref<16xi32, #tpu.memory_space<vmem>>)
    %dma_wait3A_462 = arith.constant 0 : i32
    %dma_wait3A_463 = tpu.memref_slice %arg5[%dma_wait3A_462] : memref<30464xf32, #tpu.memory_space<vmem>> -> memref<256xf32, #tpu.memory_space<vmem>>
    %dma_wait3A_464 = arith.constant 0 : i32
    %dma_wait3A_465 = tpu.memref_slice %arg4[%dma_wait3A_464] : memref<25600000xf32, #tpu.memory_space<hbm>> -> memref<256xf32, #tpu.memory_space<hbm>>
    %dma_wait3A_466 = arith.constant 0 : i32
    %dma_wait3A_467 = tpu.memref_slice %arg4[%dma_wait3A_466] : memref<25600000xf32, #tpu.memory_space<hbm>> -> memref<256xf32, #tpu.memory_space<hbm>>
    %dma_wait3A_468 = arith.constant 0 : i32
    %dma_wait3A_469 = tpu.memref_slice %arg5[%dma_wait3A_468] : memref<30464xf32, #tpu.memory_space<vmem>> -> memref<256xf32, #tpu.memory_space<vmem>>
    tpu.wait_dma2 semaphore(%arg11 : memref<!tpu.dma_semaphore, #tpu.memory_space<semaphore_mem>>) src(%dma_wait3A_469 : memref<256xf32, #tpu.memory_space<vmem>>) dst(%dma_wait3A_467 : memref<256xf32, #tpu.memory_space<hbm>>)
    %dma_wait3A_470 = arith.constant 0 : i32
    %dma_wait3A_471 = tpu.memref_slice %arg5[%dma_wait3A_470] : memref<30464xf32, #tpu.memory_space<vmem>> -> memref<256xf32, #tpu.memory_space<vmem>>
    %dma_wait3A_472 = arith.constant 0 : i32
    %dma_wait3A_473 = tpu.memref_slice %arg4[%dma_wait3A_472] : memref<25600000xf32, #tpu.memory_space<hbm>> -> memref<256xf32, #tpu.memory_space<hbm>>
    %dma_wait3A_474 = arith.constant 0 : i32
    %dma_wait3A_475 = tpu.memref_slice %arg4[%dma_wait3A_474] : memref<25600000xf32, #tpu.memory_space<hbm>> -> memref<256xf32, #tpu.memory_space<hbm>>
    %dma_wait3A_476 = arith.constant 0 : i32
    %dma_wait3A_477 = tpu.memref_slice %arg5[%dma_wait3A_476] : memref<30464xf32, #tpu.memory_space<vmem>> -> memref<256xf32, #tpu.memory_space<vmem>>
    tpu.wait_dma2 semaphore(%arg11 : memref<!tpu.dma_semaphore, #tpu.memory_space<semaphore_mem>>) src(%dma_wait3A_477 : memref<256xf32, #tpu.memory_space<vmem>>) dst(%dma_wait3A_475 : memref<256xf32, #tpu.memory_space<hbm>>)
    %dma_wait3A_478 = arith.constant 0 : i32
    %dma_wait3A_479 = tpu.memref_slice %arg5[%dma_wait3A_478] : memref<30464xf32, #tpu.memory_space<vmem>> -> memref<256xf32, #tpu.memory_space<vmem>>
    %dma_wait3A_480 = arith.constant 0 : i32
    %dma_wait3A_481 = tpu.memref_slice %arg4[%dma_wait3A_480] : memref<25600000xf32, #tpu.memory_space<hbm>> -> memref<256xf32, #tpu.memory_space<hbm>>
    %dma_wait3A_482 = arith.constant 0 : i32
    %dma_wait3A_483 = tpu.memref_slice %arg4[%dma_wait3A_482] : memref<25600000xf32, #tpu.memory_space<hbm>> -> memref<256xf32, #tpu.memory_space<hbm>>
    %dma_wait3A_484 = arith.constant 0 : i32
    %dma_wait3A_485 = tpu.memref_slice %arg5[%dma_wait3A_484] : memref<30464xf32, #tpu.memory_space<vmem>> -> memref<256xf32, #tpu.memory_space<vmem>>
    tpu.wait_dma2 semaphore(%arg11 : memref<!tpu.dma_semaphore, #tpu.memory_space<semaphore_mem>>) src(%dma_wait3A_485 : memref<256xf32, #tpu.memory_space<vmem>>) dst(%dma_wait3A_483 : memref<256xf32, #tpu.memory_space<hbm>>)
    %dma_wait3A_486 = arith.constant 0 : i32
    %dma_wait3A_487 = tpu.memref_slice %arg5[%dma_wait3A_486] : memref<30464xf32, #tpu.memory_space<vmem>> -> memref<256xf32, #tpu.memory_space<vmem>>
    %dma_wait3A_488 = arith.constant 0 : i32
    %dma_wait3A_489 = tpu.memref_slice %arg4[%dma_wait3A_488] : memref<25600000xf32, #tpu.memory_space<hbm>> -> memref<256xf32, #tpu.memory_space<hbm>>
    %dma_wait3A_490 = arith.constant 0 : i32
    %dma_wait3A_491 = tpu.memref_slice %arg4[%dma_wait3A_490] : memref<25600000xf32, #tpu.memory_space<hbm>> -> memref<256xf32, #tpu.memory_space<hbm>>
    %dma_wait3A_492 = arith.constant 0 : i32
    %dma_wait3A_493 = tpu.memref_slice %arg5[%dma_wait3A_492] : memref<30464xf32, #tpu.memory_space<vmem>> -> memref<256xf32, #tpu.memory_space<vmem>>
    tpu.wait_dma2 semaphore(%arg11 : memref<!tpu.dma_semaphore, #tpu.memory_space<semaphore_mem>>) src(%dma_wait3A_493 : memref<256xf32, #tpu.memory_space<vmem>>) dst(%dma_wait3A_491 : memref<256xf32, #tpu.memory_space<hbm>>)
    %dma_wait3A_494 = arith.constant 0 : i32
    %dma_wait3A_495 = tpu.memref_slice %arg5[%dma_wait3A_494] : memref<30464xf32, #tpu.memory_space<vmem>> -> memref<256xf32, #tpu.memory_space<vmem>>
    %dma_wait3A_496 = arith.constant 0 : i32
    %dma_wait3A_497 = tpu.memref_slice %arg4[%dma_wait3A_496] : memref<25600000xf32, #tpu.memory_space<hbm>> -> memref<256xf32, #tpu.memory_space<hbm>>
    %dma_wait3A_498 = arith.constant 0 : i32
    %dma_wait3A_499 = tpu.memref_slice %arg4[%dma_wait3A_498] : memref<25600000xf32, #tpu.memory_space<hbm>> -> memref<256xf32, #tpu.memory_space<hbm>>
    %dma_wait3A_500 = arith.constant 0 : i32
    %dma_wait3A_501 = tpu.memref_slice %arg5[%dma_wait3A_500] : memref<30464xf32, #tpu.memory_space<vmem>> -> memref<256xf32, #tpu.memory_space<vmem>>
    tpu.wait_dma2 semaphore(%arg11 : memref<!tpu.dma_semaphore, #tpu.memory_space<semaphore_mem>>) src(%dma_wait3A_501 : memref<256xf32, #tpu.memory_space<vmem>>) dst(%dma_wait3A_499 : memref<256xf32, #tpu.memory_space<hbm>>)
    %dma_wait3A_502 = arith.constant 0 : i32
    %dma_wait3A_503 = tpu.memref_slice %arg5[%dma_wait3A_502] : memref<30464xf32, #tpu.memory_space<vmem>> -> memref<256xf32, #tpu.memory_space<vmem>>
    %dma_wait3A_504 = arith.constant 0 : i32
    %dma_wait3A_505 = tpu.memref_slice %arg4[%dma_wait3A_504] : memref<25600000xf32, #tpu.memory_space<hbm>> -> memref<256xf32, #tpu.memory_space<hbm>>
    %dma_wait3A_506 = arith.constant 0 : i32
    %dma_wait3A_507 = tpu.memref_slice %arg4[%dma_wait3A_506] : memref<25600000xf32, #tpu.memory_space<hbm>> -> memref<256xf32, #tpu.memory_space<hbm>>
    %dma_wait3A_508 = arith.constant 0 : i32
    %dma_wait3A_509 = tpu.memref_slice %arg5[%dma_wait3A_508] : memref<30464xf32, #tpu.memory_space<vmem>> -> memref<256xf32, #tpu.memory_space<vmem>>
    tpu.wait_dma2 semaphore(%arg11 : memref<!tpu.dma_semaphore, #tpu.memory_space<semaphore_mem>>) src(%dma_wait3A_509 : memref<256xf32, #tpu.memory_space<vmem>>) dst(%dma_wait3A_507 : memref<256xf32, #tpu.memory_space<hbm>>)
    %dma_wait3A_510 = arith.constant 0 : i32
    %dma_wait3A_511 = tpu.memref_slice %arg5[%dma_wait3A_510] : memref<30464xf32, #tpu.memory_space<vmem>> -> memref<256xf32, #tpu.memory_space<vmem>>
    %dma_wait3A_512 = arith.constant 0 : i32
    %dma_wait3A_513 = tpu.memref_slice %arg4[%dma_wait3A_512] : memref<25600000xf32, #tpu.memory_space<hbm>> -> memref<256xf32, #tpu.memory_space<hbm>>
    %dma_wait3A_514 = arith.constant 0 : i32
    %dma_wait3A_515 = tpu.memref_slice %arg4[%dma_wait3A_514] : memref<25600000xf32, #tpu.memory_space<hbm>> -> memref<256xf32, #tpu.memory_space<hbm>>
    %dma_wait3A_516 = arith.constant 0 : i32
    %dma_wait3A_517 = tpu.memref_slice %arg5[%dma_wait3A_516] : memref<30464xf32, #tpu.memory_space<vmem>> -> memref<256xf32, #tpu.memory_space<vmem>>
    tpu.wait_dma2 semaphore(%arg11 : memref<!tpu.dma_semaphore, #tpu.memory_space<semaphore_mem>>) src(%dma_wait3A_517 : memref<256xf32, #tpu.memory_space<vmem>>) dst(%dma_wait3A_515 : memref<256xf32, #tpu.memory_space<hbm>>)
    %dma_wait3A_518 = arith.constant 0 : i32
    %dma_wait3A_519 = tpu.memref_slice %arg5[%dma_wait3A_518] : memref<30464xf32, #tpu.memory_space<vmem>> -> memref<256xf32, #tpu.memory_space<vmem>>
    %dma_wait3A_520 = arith.constant 0 : i32
    %dma_wait3A_521 = tpu.memref_slice %arg4[%dma_wait3A_520] : memref<25600000xf32, #tpu.memory_space<hbm>> -> memref<256xf32, #tpu.memory_space<hbm>>
    %dma_wait3A_522 = arith.constant 0 : i32
    %dma_wait3A_523 = tpu.memref_slice %arg4[%dma_wait3A_522] : memref<25600000xf32, #tpu.memory_space<hbm>> -> memref<256xf32, #tpu.memory_space<hbm>>
    %dma_wait3A_524 = arith.constant 0 : i32
    %dma_wait3A_525 = tpu.memref_slice %arg5[%dma_wait3A_524] : memref<30464xf32, #tpu.memory_space<vmem>> -> memref<256xf32, #tpu.memory_space<vmem>>
    tpu.wait_dma2 semaphore(%arg11 : memref<!tpu.dma_semaphore, #tpu.memory_space<semaphore_mem>>) src(%dma_wait3A_525 : memref<256xf32, #tpu.memory_space<vmem>>) dst(%dma_wait3A_523 : memref<256xf32, #tpu.memory_space<hbm>>)
    %dma_wait3A_526 = arith.constant 0 : i32
    %dma_wait3A_527 = tpu.memref_slice %arg5[%dma_wait3A_526] : memref<30464xf32, #tpu.memory_space<vmem>> -> memref<256xf32, #tpu.memory_space<vmem>>
    %dma_wait3A_528 = arith.constant 0 : i32
    %dma_wait3A_529 = tpu.memref_slice %arg4[%dma_wait3A_528] : memref<25600000xf32, #tpu.memory_space<hbm>> -> memref<256xf32, #tpu.memory_space<hbm>>
    %dma_wait3A_530 = arith.constant 0 : i32
    %dma_wait3A_531 = tpu.memref_slice %arg4[%dma_wait3A_530] : memref<25600000xf32, #tpu.memory_space<hbm>> -> memref<256xf32, #tpu.memory_space<hbm>>
    %dma_wait3A_532 = arith.constant 0 : i32
    %dma_wait3A_533 = tpu.memref_slice %arg5[%dma_wait3A_532] : memref<30464xf32, #tpu.memory_space<vmem>> -> memref<256xf32, #tpu.memory_space<vmem>>
    tpu.wait_dma2 semaphore(%arg11 : memref<!tpu.dma_semaphore, #tpu.memory_space<semaphore_mem>>) src(%dma_wait3A_533 : memref<256xf32, #tpu.memory_space<vmem>>) dst(%dma_wait3A_531 : memref<256xf32, #tpu.memory_space<hbm>>)
    %dma_wait3A_534 = arith.constant 0 : i32
    %dma_wait3A_535 = tpu.memref_slice %arg5[%dma_wait3A_534] : memref<30464xf32, #tpu.memory_space<vmem>> -> memref<256xf32, #tpu.memory_space<vmem>>
    %dma_wait3A_536 = arith.constant 0 : i32
    %dma_wait3A_537 = tpu.memref_slice %arg4[%dma_wait3A_536] : memref<25600000xf32, #tpu.memory_space<hbm>> -> memref<256xf32, #tpu.memory_space<hbm>>
    %dma_wait3A_538 = arith.constant 0 : i32
    %dma_wait3A_539 = tpu.memref_slice %arg4[%dma_wait3A_538] : memref<25600000xf32, #tpu.memory_space<hbm>> -> memref<256xf32, #tpu.memory_space<hbm>>
    %dma_wait3A_540 = arith.constant 0 : i32
    %dma_wait3A_541 = tpu.memref_slice %arg5[%dma_wait3A_540] : memref<30464xf32, #tpu.memory_space<vmem>> -> memref<256xf32, #tpu.memory_space<vmem>>
    tpu.wait_dma2 semaphore(%arg11 : memref<!tpu.dma_semaphore, #tpu.memory_space<semaphore_mem>>) src(%dma_wait3A_541 : memref<256xf32, #tpu.memory_space<vmem>>) dst(%dma_wait3A_539 : memref<256xf32, #tpu.memory_space<hbm>>)
    %dma_wait3A_542 = arith.constant 0 : i32
    %dma_wait3A_543 = tpu.memref_slice %arg5[%dma_wait3A_542] : memref<30464xf32, #tpu.memory_space<vmem>> -> memref<256xf32, #tpu.memory_space<vmem>>
    %dma_wait3A_544 = arith.constant 0 : i32
    %dma_wait3A_545 = tpu.memref_slice %arg4[%dma_wait3A_544] : memref<25600000xf32, #tpu.memory_space<hbm>> -> memref<256xf32, #tpu.memory_space<hbm>>
    %dma_wait3A_546 = arith.constant 0 : i32
    %dma_wait3A_547 = tpu.memref_slice %arg4[%dma_wait3A_546] : memref<25600000xf32, #tpu.memory_space<hbm>> -> memref<256xf32, #tpu.memory_space<hbm>>
    %dma_wait3A_548 = arith.constant 0 : i32
    %dma_wait3A_549 = tpu.memref_slice %arg5[%dma_wait3A_548] : memref<30464xf32, #tpu.memory_space<vmem>> -> memref<256xf32, #tpu.memory_space<vmem>>
    tpu.wait_dma2 semaphore(%arg11 : memref<!tpu.dma_semaphore, #tpu.memory_space<semaphore_mem>>) src(%dma_wait3A_549 : memref<256xf32, #tpu.memory_space<vmem>>) dst(%dma_wait3A_547 : memref<256xf32, #tpu.memory_space<hbm>>)
    %dma_wait3A_550 = arith.constant 0 : i32
    %dma_wait3A_551 = tpu.memref_slice %arg5[%dma_wait3A_550] : memref<30464xf32, #tpu.memory_space<vmem>> -> memref<256xf32, #tpu.memory_space<vmem>>
    %dma_wait3A_552 = arith.constant 0 : i32
    %dma_wait3A_553 = tpu.memref_slice %arg4[%dma_wait3A_552] : memref<25600000xf32, #tpu.memory_space<hbm>> -> memref<256xf32, #tpu.memory_space<hbm>>
    %dma_wait3A_554 = arith.constant 0 : i32
    %dma_wait3A_555 = tpu.memref_slice %arg4[%dma_wait3A_554] : memref<25600000xf32, #tpu.memory_space<hbm>> -> memref<256xf32, #tpu.memory_space<hbm>>
    %dma_wait3A_556 = arith.constant 0 : i32
    %dma_wait3A_557 = tpu.memref_slice %arg5[%dma_wait3A_556] : memref<30464xf32, #tpu.memory_space<vmem>> -> memref<256xf32, #tpu.memory_space<vmem>>
    tpu.wait_dma2 semaphore(%arg11 : memref<!tpu.dma_semaphore, #tpu.memory_space<semaphore_mem>>) src(%dma_wait3A_557 : memref<256xf32, #tpu.memory_space<vmem>>) dst(%dma_wait3A_555 : memref<256xf32, #tpu.memory_space<hbm>>)
    %dma_wait3A_558 = arith.constant 0 : i32
    %dma_wait3A_559 = tpu.memref_slice %arg5[%dma_wait3A_558] : memref<30464xf32, #tpu.memory_space<vmem>> -> memref<256xf32, #tpu.memory_space<vmem>>
    %dma_wait3A_560 = arith.constant 0 : i32
    %dma_wait3A_561 = tpu.memref_slice %arg4[%dma_wait3A_560] : memref<25600000xf32, #tpu.memory_space<hbm>> -> memref<256xf32, #tpu.memory_space<hbm>>
    %dma_wait3A_562 = arith.constant 0 : i32
    %dma_wait3A_563 = tpu.memref_slice %arg4[%dma_wait3A_562] : memref<25600000xf32, #tpu.memory_space<hbm>> -> memref<256xf32, #tpu.memory_space<hbm>>
    %dma_wait3A_564 = arith.constant 0 : i32
    %dma_wait3A_565 = tpu.memref_slice %arg5[%dma_wait3A_564] : memref<30464xf32, #tpu.memory_space<vmem>> -> memref<256xf32, #tpu.memory_space<vmem>>
    tpu.wait_dma2 semaphore(%arg11 : memref<!tpu.dma_semaphore, #tpu.memory_space<semaphore_mem>>) src(%dma_wait3A_565 : memref<256xf32, #tpu.memory_space<vmem>>) dst(%dma_wait3A_563 : memref<256xf32, #tpu.memory_space<hbm>>)
    %dma_wait3A_566 = arith.constant 0 : i32
    %dma_wait3A_567 = tpu.memref_slice %arg5[%dma_wait3A_566] : memref<30464xf32, #tpu.memory_space<vmem>> -> memref<256xf32, #tpu.memory_space<vmem>>
    %dma_wait3A_568 = arith.constant 0 : i32
    %dma_wait3A_569 = tpu.memref_slice %arg4[%dma_wait3A_568] : memref<25600000xf32, #tpu.memory_space<hbm>> -> memref<256xf32, #tpu.memory_space<hbm>>
    %dma_wait3A_570 = arith.constant 0 : i32
    %dma_wait3A_571 = tpu.memref_slice %arg4[%dma_wait3A_570] : memref<25600000xf32, #tpu.memory_space<hbm>> -> memref<256xf32, #tpu.memory_space<hbm>>
    %dma_wait3A_572 = arith.constant 0 : i32
    %dma_wait3A_573 = tpu.memref_slice %arg5[%dma_wait3A_572] : memref<30464xf32, #tpu.memory_space<vmem>> -> memref<256xf32, #tpu.memory_space<vmem>>
    tpu.wait_dma2 semaphore(%arg11 : memref<!tpu.dma_semaphore, #tpu.memory_space<semaphore_mem>>) src(%dma_wait3A_573 : memref<256xf32, #tpu.memory_space<vmem>>) dst(%dma_wait3A_571 : memref<256xf32, #tpu.memory_space<hbm>>)
    %dma_wait3A_574 = arith.constant 0 : i32
    %dma_wait3A_575 = tpu.memref_slice %arg5[%dma_wait3A_574] : memref<30464xf32, #tpu.memory_space<vmem>> -> memref<256xf32, #tpu.memory_space<vmem>>
    %dma_wait3A_576 = arith.constant 0 : i32
    %dma_wait3A_577 = tpu.memref_slice %arg4[%dma_wait3A_576] : memref<25600000xf32, #tpu.memory_space<hbm>> -> memref<256xf32, #tpu.memory_space<hbm>>
    %dma_wait3A_578 = arith.constant 0 : i32
    %dma_wait3A_579 = tpu.memref_slice %arg4[%dma_wait3A_578] : memref<25600000xf32, #tpu.memory_space<hbm>> -> memref<256xf32, #tpu.memory_space<hbm>>
    %dma_wait3A_580 = arith.constant 0 : i32
    %dma_wait3A_581 = tpu.memref_slice %arg5[%dma_wait3A_580] : memref<30464xf32, #tpu.memory_space<vmem>> -> memref<256xf32, #tpu.memory_space<vmem>>
    tpu.wait_dma2 semaphore(%arg11 : memref<!tpu.dma_semaphore, #tpu.memory_space<semaphore_mem>>) src(%dma_wait3A_581 : memref<256xf32, #tpu.memory_space<vmem>>) dst(%dma_wait3A_579 : memref<256xf32, #tpu.memory_space<hbm>>)
    %dma_wait3A_582 = arith.constant 0 : i32
    %dma_wait3A_583 = tpu.memref_slice %arg5[%dma_wait3A_582] : memref<30464xf32, #tpu.memory_space<vmem>> -> memref<256xf32, #tpu.memory_space<vmem>>
    %dma_wait3A_584 = arith.constant 0 : i32
    %dma_wait3A_585 = tpu.memref_slice %arg4[%dma_wait3A_584] : memref<25600000xf32, #tpu.memory_space<hbm>> -> memref<256xf32, #tpu.memory_space<hbm>>
    %dma_wait3A_586 = arith.constant 0 : i32
    %dma_wait3A_587 = tpu.memref_slice %arg4[%dma_wait3A_586] : memref<25600000xf32, #tpu.memory_space<hbm>> -> memref<256xf32, #tpu.memory_space<hbm>>
    %dma_wait3A_588 = arith.constant 0 : i32
    %dma_wait3A_589 = tpu.memref_slice %arg5[%dma_wait3A_588] : memref<30464xf32, #tpu.memory_space<vmem>> -> memref<256xf32, #tpu.memory_space<vmem>>
    tpu.wait_dma2 semaphore(%arg11 : memref<!tpu.dma_semaphore, #tpu.memory_space<semaphore_mem>>) src(%dma_wait3A_589 : memref<256xf32, #tpu.memory_space<vmem>>) dst(%dma_wait3A_587 : memref<256xf32, #tpu.memory_space<hbm>>)
    %add3A_590 = arith.constant 3152 : i32
    %add3A_591 = arith.addi %mul3A_2, %add3A_590 : i32
    %min3A_592 = arith.minsi %add3A_591, %sub3A_6 : i32
    %dma_wait3A_593 = arith.constant 8 : i32
    %dma_wait3A_594 = tpu.memref_slice %arg7[%dma_wait3A_593] : memref<24xi32, #tpu.memory_space<vmem>> -> memref<16xi32, #tpu.memory_space<vmem>>
    %dma_wait3A_595 = tpu.memref_slice %arg2[%min3A_592] : memref<100000xi32, #tpu.memory_space<hbm>> -> memref<16xi32, #tpu.memory_space<hbm>>
    %dma_wait3A_596 = arith.constant 8 : i32
    %dma_wait3A_597 = tpu.memref_slice %arg7[%dma_wait3A_596] : memref<24xi32, #tpu.memory_space<vmem>> -> memref<16xi32, #tpu.memory_space<vmem>>
    %dma_wait3A_598 = tpu.memref_slice %arg2[%min3A_592] : memref<100000xi32, #tpu.memory_space<hbm>> -> memref<16xi32, #tpu.memory_space<hbm>>
    tpu.wait_dma2 semaphore(%arg10 : memref<!tpu.dma_semaphore, #tpu.memory_space<semaphore_mem>>) src(%dma_wait3A_598 : memref<16xi32, #tpu.memory_space<hbm>>) dst(%dma_wait3A_597 : memref<16xi32, #tpu.memory_space<vmem>>)
    %dma_wait3A_599 = arith.constant 0 : i32
    %dma_wait3A_600 = tpu.memref_slice %arg5[%dma_wait3A_599] : memref<30464xf32, #tpu.memory_space<vmem>> -> memref<256xf32, #tpu.memory_space<vmem>>
    %dma_wait3A_601 = arith.constant 0 : i32
    %dma_wait3A_602 = tpu.memref_slice %arg4[%dma_wait3A_601] : memref<25600000xf32, #tpu.memory_space<hbm>> -> memref<256xf32, #tpu.memory_space<hbm>>
    %dma_wait3A_603 = arith.constant 0 : i32
    %dma_wait3A_604 = tpu.memref_slice %arg4[%dma_wait3A_603] : memref<25600000xf32, #tpu.memory_space<hbm>> -> memref<256xf32, #tpu.memory_space<hbm>>
    %dma_wait3A_605 = arith.constant 0 : i32
    %dma_wait3A_606 = tpu.memref_slice %arg5[%dma_wait3A_605] : memref<30464xf32, #tpu.memory_space<vmem>> -> memref<256xf32, #tpu.memory_space<vmem>>
    tpu.wait_dma2 semaphore(%arg12 : memref<!tpu.dma_semaphore, #tpu.memory_space<semaphore_mem>>) src(%dma_wait3A_606 : memref<256xf32, #tpu.memory_space<vmem>>) dst(%dma_wait3A_604 : memref<256xf32, #tpu.memory_space<hbm>>)
    %dma_wait3A_607 = arith.constant 0 : i32
    %dma_wait3A_608 = tpu.memref_slice %arg5[%dma_wait3A_607] : memref<30464xf32, #tpu.memory_space<vmem>> -> memref<256xf32, #tpu.memory_space<vmem>>
    %dma_wait3A_609 = arith.constant 0 : i32
    %dma_wait3A_610 = tpu.memref_slice %arg4[%dma_wait3A_609] : memref<25600000xf32, #tpu.memory_space<hbm>> -> memref<256xf32, #tpu.memory_space<hbm>>
    %dma_wait3A_611 = arith.constant 0 : i32
    %dma_wait3A_612 = tpu.memref_slice %arg4[%dma_wait3A_611] : memref<25600000xf32, #tpu.memory_space<hbm>> -> memref<256xf32, #tpu.memory_space<hbm>>
    %dma_wait3A_613 = arith.constant 0 : i32
    %dma_wait3A_614 = tpu.memref_slice %arg5[%dma_wait3A_613] : memref<30464xf32, #tpu.memory_space<vmem>> -> memref<256xf32, #tpu.memory_space<vmem>>
    tpu.wait_dma2 semaphore(%arg12 : memref<!tpu.dma_semaphore, #tpu.memory_space<semaphore_mem>>) src(%dma_wait3A_614 : memref<256xf32, #tpu.memory_space<vmem>>) dst(%dma_wait3A_612 : memref<256xf32, #tpu.memory_space<hbm>>)
    %dma_wait3A_615 = arith.constant 0 : i32
    %dma_wait3A_616 = tpu.memref_slice %arg5[%dma_wait3A_615] : memref<30464xf32, #tpu.memory_space<vmem>> -> memref<256xf32, #tpu.memory_space<vmem>>
    %dma_wait3A_617 = arith.constant 0 : i32
    %dma_wait3A_618 = tpu.memref_slice %arg4[%dma_wait3A_617] : memref<25600000xf32, #tpu.memory_space<hbm>> -> memref<256xf32, #tpu.memory_space<hbm>>
    %dma_wait3A_619 = arith.constant 0 : i32
    %dma_wait3A_620 = tpu.memref_slice %arg4[%dma_wait3A_619] : memref<25600000xf32, #tpu.memory_space<hbm>> -> memref<256xf32, #tpu.memory_space<hbm>>
    %dma_wait3A_621 = arith.constant 0 : i32
    %dma_wait3A_622 = tpu.memref_slice %arg5[%dma_wait3A_621] : memref<30464xf32, #tpu.memory_space<vmem>> -> memref<256xf32, #tpu.memory_space<vmem>>
    tpu.wait_dma2 semaphore(%arg12 : memref<!tpu.dma_semaphore, #tpu.memory_space<semaphore_mem>>) src(%dma_wait3A_622 : memref<256xf32, #tpu.memory_space<vmem>>) dst(%dma_wait3A_620 : memref<256xf32, #tpu.memory_space<hbm>>)
    %dma_wait3A_623 = arith.constant 0 : i32
    %dma_wait3A_624 = tpu.memref_slice %arg5[%dma_wait3A_623] : memref<30464xf32, #tpu.memory_space<vmem>> -> memref<256xf32, #tpu.memory_space<vmem>>
    %dma_wait3A_625 = arith.constant 0 : i32
    %dma_wait3A_626 = tpu.memref_slice %arg4[%dma_wait3A_625] : memref<25600000xf32, #tpu.memory_space<hbm>> -> memref<256xf32, #tpu.memory_space<hbm>>
    %dma_wait3A_627 = arith.constant 0 : i32
    %dma_wait3A_628 = tpu.memref_slice %arg4[%dma_wait3A_627] : memref<25600000xf32, #tpu.memory_space<hbm>> -> memref<256xf32, #tpu.memory_space<hbm>>
    %dma_wait3A_629 = arith.constant 0 : i32
    %dma_wait3A_630 = tpu.memref_slice %arg5[%dma_wait3A_629] : memref<30464xf32, #tpu.memory_space<vmem>> -> memref<256xf32, #tpu.memory_space<vmem>>
    tpu.wait_dma2 semaphore(%arg12 : memref<!tpu.dma_semaphore, #tpu.memory_space<semaphore_mem>>) src(%dma_wait3A_630 : memref<256xf32, #tpu.memory_space<vmem>>) dst(%dma_wait3A_628 : memref<256xf32, #tpu.memory_space<hbm>>)
    %dma_wait3A_631 = arith.constant 0 : i32
    %dma_wait3A_632 = tpu.memref_slice %arg5[%dma_wait3A_631] : memref<30464xf32, #tpu.memory_space<vmem>> -> memref<256xf32, #tpu.memory_space<vmem>>
    %dma_wait3A_633 = arith.constant 0 : i32
    %dma_wait3A_634 = tpu.memref_slice %arg4[%dma_wait3A_633] : memref<25600000xf32, #tpu.memory_space<hbm>> -> memref<256xf32, #tpu.memory_space<hbm>>
    %dma_wait3A_635 = arith.constant 0 : i32
    %dma_wait3A_636 = tpu.memref_slice %arg4[%dma_wait3A_635] : memref<25600000xf32, #tpu.memory_space<hbm>> -> memref<256xf32, #tpu.memory_space<hbm>>
    %dma_wait3A_637 = arith.constant 0 : i32
    %dma_wait3A_638 = tpu.memref_slice %arg5[%dma_wait3A_637] : memref<30464xf32, #tpu.memory_space<vmem>> -> memref<256xf32, #tpu.memory_space<vmem>>
    tpu.wait_dma2 semaphore(%arg12 : memref<!tpu.dma_semaphore, #tpu.memory_space<semaphore_mem>>) src(%dma_wait3A_638 : memref<256xf32, #tpu.memory_space<vmem>>) dst(%dma_wait3A_636 : memref<256xf32, #tpu.memory_space<hbm>>)
    %dma_wait3A_639 = arith.constant 0 : i32
    %dma_wait3A_640 = tpu.memref_slice %arg5[%dma_wait3A_639] : memref<30464xf32, #tpu.memory_space<vmem>> -> memref<256xf32, #tpu.memory_space<vmem>>
    %dma_wait3A_641 = arith.constant 0 : i32
    %dma_wait3A_642 = tpu.memref_slice %arg4[%dma_wait3A_641] : memref<25600000xf32, #tpu.memory_space<hbm>> -> memref<256xf32, #tpu.memory_space<hbm>>
    %dma_wait3A_643 = arith.constant 0 : i32
    %dma_wait3A_644 = tpu.memref_slice %arg4[%dma_wait3A_643] : memref<25600000xf32, #tpu.memory_space<hbm>> -> memref<256xf32, #tpu.memory_space<hbm>>
    %dma_wait3A_645 = arith.constant 0 : i32
    %dma_wait3A_646 = tpu.memref_slice %arg5[%dma_wait3A_645] : memref<30464xf32, #tpu.memory_space<vmem>> -> memref<256xf32, #tpu.memory_space<vmem>>
    tpu.wait_dma2 semaphore(%arg12 : memref<!tpu.dma_semaphore, #tpu.memory_space<semaphore_mem>>) src(%dma_wait3A_646 : memref<256xf32, #tpu.memory_space<vmem>>) dst(%dma_wait3A_644 : memref<256xf32, #tpu.memory_space<hbm>>)
    %dma_wait3A_647 = arith.constant 0 : i32
    %dma_wait3A_648 = tpu.memref_slice %arg5[%dma_wait3A_647] : memref<30464xf32, #tpu.memory_space<vmem>> -> memref<256xf32, #tpu.memory_space<vmem>>
    %dma_wait3A_649 = arith.constant 0 : i32
    %dma_wait3A_650 = tpu.memref_slice %arg4[%dma_wait3A_649] : memref<25600000xf32, #tpu.memory_space<hbm>> -> memref<256xf32, #tpu.memory_space<hbm>>
    %dma_wait3A_651 = arith.constant 0 : i32
    %dma_wait3A_652 = tpu.memref_slice %arg4[%dma_wait3A_651] : memref<25600000xf32, #tpu.memory_space<hbm>> -> memref<256xf32, #tpu.memory_space<hbm>>
    %dma_wait3A_653 = arith.constant 0 : i32
    %dma_wait3A_654 = tpu.memref_slice %arg5[%dma_wait3A_653] : memref<30464xf32, #tpu.memory_space<vmem>> -> memref<256xf32, #tpu.memory_space<vmem>>
    tpu.wait_dma2 semaphore(%arg12 : memref<!tpu.dma_semaphore, #tpu.memory_space<semaphore_mem>>) src(%dma_wait3A_654 : memref<256xf32, #tpu.memory_space<vmem>>) dst(%dma_wait3A_652 : memref<256xf32, #tpu.memory_space<hbm>>)
    %dma_wait3A_655 = arith.constant 0 : i32
    %dma_wait3A_656 = tpu.memref_slice %arg5[%dma_wait3A_655] : memref<30464xf32, #tpu.memory_space<vmem>> -> memref<256xf32, #tpu.memory_space<vmem>>
    %dma_wait3A_657 = arith.constant 0 : i32
    %dma_wait3A_658 = tpu.memref_slice %arg4[%dma_wait3A_657] : memref<25600000xf32, #tpu.memory_space<hbm>> -> memref<256xf32, #tpu.memory_space<hbm>>
    %dma_wait3A_659 = arith.constant 0 : i32
    %dma_wait3A_660 = tpu.memref_slice %arg4[%dma_wait3A_659] : memref<25600000xf32, #tpu.memory_space<hbm>> -> memref<256xf32, #tpu.memory_space<hbm>>
    %dma_wait3A_661 = arith.constant 0 : i32
    %dma_wait3A_662 = tpu.memref_slice %arg5[%dma_wait3A_661] : memref<30464xf32, #tpu.memory_space<vmem>> -> memref<256xf32, #tpu.memory_space<vmem>>
    tpu.wait_dma2 semaphore(%arg12 : memref<!tpu.dma_semaphore, #tpu.memory_space<semaphore_mem>>) src(%dma_wait3A_662 : memref<256xf32, #tpu.memory_space<vmem>>) dst(%dma_wait3A_660 : memref<256xf32, #tpu.memory_space<hbm>>)
    %dma_wait3A_663 = arith.constant 0 : i32
    %dma_wait3A_664 = tpu.memref_slice %arg5[%dma_wait3A_663] : memref<30464xf32, #tpu.memory_space<vmem>> -> memref<256xf32, #tpu.memory_space<vmem>>
    %dma_wait3A_665 = arith.constant 0 : i32
    %dma_wait3A_666 = tpu.memref_slice %arg4[%dma_wait3A_665] : memref<25600000xf32, #tpu.memory_space<hbm>> -> memref<256xf32, #tpu.memory_space<hbm>>
    %dma_wait3A_667 = arith.constant 0 : i32
    %dma_wait3A_668 = tpu.memref_slice %arg4[%dma_wait3A_667] : memref<25600000xf32, #tpu.memory_space<hbm>> -> memref<256xf32, #tpu.memory_space<hbm>>
    %dma_wait3A_669 = arith.constant 0 : i32
    %dma_wait3A_670 = tpu.memref_slice %arg5[%dma_wait3A_669] : memref<30464xf32, #tpu.memory_space<vmem>> -> memref<256xf32, #tpu.memory_space<vmem>>
    tpu.wait_dma2 semaphore(%arg12 : memref<!tpu.dma_semaphore, #tpu.memory_space<semaphore_mem>>) src(%dma_wait3A_670 : memref<256xf32, #tpu.memory_space<vmem>>) dst(%dma_wait3A_668 : memref<256xf32, #tpu.memory_space<hbm>>)
    %dma_wait3A_671 = arith.constant 0 : i32
    %dma_wait3A_672 = tpu.memref_slice %arg5[%dma_wait3A_671] : memref<30464xf32, #tpu.memory_space<vmem>> -> memref<256xf32, #tpu.memory_space<vmem>>
    %dma_wait3A_673 = arith.constant 0 : i32
    %dma_wait3A_674 = tpu.memref_slice %arg4[%dma_wait3A_673] : memref<25600000xf32, #tpu.memory_space<hbm>> -> memref<256xf32, #tpu.memory_space<hbm>>
    %dma_wait3A_675 = arith.constant 0 : i32
    %dma_wait3A_676 = tpu.memref_slice %arg4[%dma_wait3A_675] : memref<25600000xf32, #tpu.memory_space<hbm>> -> memref<256xf32, #tpu.memory_space<hbm>>
    %dma_wait3A_677 = arith.constant 0 : i32
    %dma_wait3A_678 = tpu.memref_slice %arg5[%dma_wait3A_677] : memref<30464xf32, #tpu.memory_space<vmem>> -> memref<256xf32, #tpu.memory_space<vmem>>
    tpu.wait_dma2 semaphore(%arg12 : memref<!tpu.dma_semaphore, #tpu.memory_space<semaphore_mem>>) src(%dma_wait3A_678 : memref<256xf32, #tpu.memory_space<vmem>>) dst(%dma_wait3A_676 : memref<256xf32, #tpu.memory_space<hbm>>)
    %dma_wait3A_679 = arith.constant 0 : i32
    %dma_wait3A_680 = tpu.memref_slice %arg5[%dma_wait3A_679] : memref<30464xf32, #tpu.memory_space<vmem>> -> memref<256xf32, #tpu.memory_space<vmem>>
    %dma_wait3A_681 = arith.constant 0 : i32
    %dma_wait3A_682 = tpu.memref_slice %arg4[%dma_wait3A_681] : memref<25600000xf32, #tpu.memory_space<hbm>> -> memref<256xf32, #tpu.memory_space<hbm>>
    %dma_wait3A_683 = arith.constant 0 : i32
    %dma_wait3A_684 = tpu.memref_slice %arg4[%dma_wait3A_683] : memref<25600000xf32, #tpu.memory_space<hbm>> -> memref<256xf32, #tpu.memory_space<hbm>>
    %dma_wait3A_685 = arith.constant 0 : i32
    %dma_wait3A_686 = tpu.memref_slice %arg5[%dma_wait3A_685] : memref<30464xf32, #tpu.memory_space<vmem>> -> memref<256xf32, #tpu.memory_space<vmem>>
    tpu.wait_dma2 semaphore(%arg12 : memref<!tpu.dma_semaphore, #tpu.memory_space<semaphore_mem>>) src(%dma_wait3A_686 : memref<256xf32, #tpu.memory_space<vmem>>) dst(%dma_wait3A_684 : memref<256xf32, #tpu.memory_space<hbm>>)
    %dma_wait3A_687 = arith.constant 0 : i32
    %dma_wait3A_688 = tpu.memref_slice %arg5[%dma_wait3A_687] : memref<30464xf32, #tpu.memory_space<vmem>> -> memref<256xf32, #tpu.memory_space<vmem>>
    %dma_wait3A_689 = arith.constant 0 : i32
    %dma_wait3A_690 = tpu.memref_slice %arg4[%dma_wait3A_689] : memref<25600000xf32, #tpu.memory_space<hbm>> -> memref<256xf32, #tpu.memory_space<hbm>>
    %dma_wait3A_691 = arith.constant 0 : i32
    %dma_wait3A_692 = tpu.memref_slice %arg4[%dma_wait3A_691] : memref<25600000xf32, #tpu.memory_space<hbm>> -> memref<256xf32, #tpu.memory_space<hbm>>
    %dma_wait3A_693 = arith.constant 0 : i32
    %dma_wait3A_694 = tpu.memref_slice %arg5[%dma_wait3A_693] : memref<30464xf32, #tpu.memory_space<vmem>> -> memref<256xf32, #tpu.memory_space<vmem>>
    tpu.wait_dma2 semaphore(%arg12 : memref<!tpu.dma_semaphore, #tpu.memory_space<semaphore_mem>>) src(%dma_wait3A_694 : memref<256xf32, #tpu.memory_space<vmem>>) dst(%dma_wait3A_692 : memref<256xf32, #tpu.memory_space<hbm>>)
    %dma_wait3A_695 = arith.constant 0 : i32
    %dma_wait3A_696 = tpu.memref_slice %arg5[%dma_wait3A_695] : memref<30464xf32, #tpu.memory_space<vmem>> -> memref<256xf32, #tpu.memory_space<vmem>>
    %dma_wait3A_697 = arith.constant 0 : i32
    %dma_wait3A_698 = tpu.memref_slice %arg4[%dma_wait3A_697] : memref<25600000xf32, #tpu.memory_space<hbm>> -> memref<256xf32, #tpu.memory_space<hbm>>
    %dma_wait3A_699 = arith.constant 0 : i32
    %dma_wait3A_700 = tpu.memref_slice %arg4[%dma_wait3A_699] : memref<25600000xf32, #tpu.memory_space<hbm>> -> memref<256xf32, #tpu.memory_space<hbm>>
    %dma_wait3A_701 = arith.constant 0 : i32
    %dma_wait3A_702 = tpu.memref_slice %arg5[%dma_wait3A_701] : memref<30464xf32, #tpu.memory_space<vmem>> -> memref<256xf32, #tpu.memory_space<vmem>>
    tpu.wait_dma2 semaphore(%arg12 : memref<!tpu.dma_semaphore, #tpu.memory_space<semaphore_mem>>) src(%dma_wait3A_702 : memref<256xf32, #tpu.memory_space<vmem>>) dst(%dma_wait3A_700 : memref<256xf32, #tpu.memory_space<hbm>>)
    %dma_wait3A_703 = arith.constant 0 : i32
    %dma_wait3A_704 = tpu.memref_slice %arg5[%dma_wait3A_703] : memref<30464xf32, #tpu.memory_space<vmem>> -> memref<256xf32, #tpu.memory_space<vmem>>
    %dma_wait3A_705 = arith.constant 0 : i32
    %dma_wait3A_706 = tpu.memref_slice %arg4[%dma_wait3A_705] : memref<25600000xf32, #tpu.memory_space<hbm>> -> memref<256xf32, #tpu.memory_space<hbm>>
    %dma_wait3A_707 = arith.constant 0 : i32
    %dma_wait3A_708 = tpu.memref_slice %arg4[%dma_wait3A_707] : memref<25600000xf32, #tpu.memory_space<hbm>> -> memref<256xf32, #tpu.memory_space<hbm>>
    %dma_wait3A_709 = arith.constant 0 : i32
    %dma_wait3A_710 = tpu.memref_slice %arg5[%dma_wait3A_709] : memref<30464xf32, #tpu.memory_space<vmem>> -> memref<256xf32, #tpu.memory_space<vmem>>
    tpu.wait_dma2 semaphore(%arg12 : memref<!tpu.dma_semaphore, #tpu.memory_space<semaphore_mem>>) src(%dma_wait3A_710 : memref<256xf32, #tpu.memory_space<vmem>>) dst(%dma_wait3A_708 : memref<256xf32, #tpu.memory_space<hbm>>)
    %dma_wait3A_711 = arith.constant 0 : i32
    %dma_wait3A_712 = tpu.memref_slice %arg5[%dma_wait3A_711] : memref<30464xf32, #tpu.memory_space<vmem>> -> memref<256xf32, #tpu.memory_space<vmem>>
    %dma_wait3A_713 = arith.constant 0 : i32
    %dma_wait3A_714 = tpu.memref_slice %arg4[%dma_wait3A_713] : memref<25600000xf32, #tpu.memory_space<hbm>> -> memref<256xf32, #tpu.memory_space<hbm>>
    %dma_wait3A_715 = arith.constant 0 : i32
    %dma_wait3A_716 = tpu.memref_slice %arg4[%dma_wait3A_715] : memref<25600000xf32, #tpu.memory_space<hbm>> -> memref<256xf32, #tpu.memory_space<hbm>>
    %dma_wait3A_717 = arith.constant 0 : i32
    %dma_wait3A_718 = tpu.memref_slice %arg5[%dma_wait3A_717] : memref<30464xf32, #tpu.memory_space<vmem>> -> memref<256xf32, #tpu.memory_space<vmem>>
    tpu.wait_dma2 semaphore(%arg12 : memref<!tpu.dma_semaphore, #tpu.memory_space<semaphore_mem>>) src(%dma_wait3A_718 : memref<256xf32, #tpu.memory_space<vmem>>) dst(%dma_wait3A_716 : memref<256xf32, #tpu.memory_space<hbm>>)
    %dma_wait3A_719 = arith.constant 0 : i32
    %dma_wait3A_720 = tpu.memref_slice %arg5[%dma_wait3A_719] : memref<30464xf32, #tpu.memory_space<vmem>> -> memref<256xf32, #tpu.memory_space<vmem>>
    %dma_wait3A_721 = arith.constant 0 : i32
    %dma_wait3A_722 = tpu.memref_slice %arg4[%dma_wait3A_721] : memref<25600000xf32, #tpu.memory_space<hbm>> -> memref<256xf32, #tpu.memory_space<hbm>>
    %dma_wait3A_723 = arith.constant 0 : i32
    %dma_wait3A_724 = tpu.memref_slice %arg4[%dma_wait3A_723] : memref<25600000xf32, #tpu.memory_space<hbm>> -> memref<256xf32, #tpu.memory_space<hbm>>
    %dma_wait3A_725 = arith.constant 0 : i32
    %dma_wait3A_726 = tpu.memref_slice %arg5[%dma_wait3A_725] : memref<30464xf32, #tpu.memory_space<vmem>> -> memref<256xf32, #tpu.memory_space<vmem>>
    tpu.wait_dma2 semaphore(%arg12 : memref<!tpu.dma_semaphore, #tpu.memory_space<semaphore_mem>>) src(%dma_wait3A_726 : memref<256xf32, #tpu.memory_space<vmem>>) dst(%dma_wait3A_724 : memref<256xf32, #tpu.memory_space<hbm>>)
    return
  }
}

</mosaic_0001>

<sc_bundles>
// kernel: embedding_gather_sc.3.cloned.1.call-start
scs
__scs_entry_jumppad:
0x0: {  	(pc) =	sbr.rel $0x88, $3  }
0x1: {  	(tag) =	ssettag $0x0;
	lr =	simm.s32 $0x1  }
0x2: {  	[smem:$0x3F9F] =	sst lr;
	_ =	strace $0xD0000000  }
0x3: {  	_ = 	snop  }
0x4: {  	_ = 	snop  }
0x5: {  	_ = 	snop  }
0x6: {  	_ = 	snop  }
0x7: {  	_ = 	snop  }
__scs_overlays_trampoline_lowered:
0x8: {  	[smem:$0x3FAE] =	sst s0  }
0x9: {  	[smem:$0x3FAF] =	sst s1  }
0xa: {  	[smem:$0x3FB0] =	sst s2  }
0xb: {  	[smem:$0x3FB1] =	sst s3  }
0xc: {  	[smem:$0x3FB2] =	sst s4  }
0xd: {  	[smem:$0x3FB3] =	sst s5  }
0xe: {  	[smem:$0x3FB4] =	sst s6  }
0xf: {  	[smem:$0x3FB5] =	sst s7  }
0x10: {  	[smem:$0x3FB6] =	sst s8  }
0x11: {  	[smem:$0x3FB7] =	sst s9;
	s0 =	simm.s32 @!p0 $0x0  }
0x12: {  	s1 =	sld [smem:$0x3F9D];
	s0 =	simm.s32 @p0 $0x1  }
0x13: {  	[smem:$0x3FB8] =	sst s0;
	s0 =	simm.s32 @!p1 $0x0  }
0x14: {  	s2 =	sld [smem:$0x3F9C];
	s0 =	simm.s32 @p1 $0x1  }
0x15: {  	[smem:$0x3FB9] =	sst s0;
	s0 =	simm.s32 @!p2 $0x0  }
0x16: {  	s3 =	sld [smem:$0x3FDB];
	s0 =	simm.s32 @p2 $0x1  }
0x17: {  	s4 =	simm.s32 $0x1BF5;
	[smem:$0x3FBB] =	sst s0  }
0x18: {  	s0 =	sld [smem:$0x3F9E];
	_ =	swait.ge [sflag:s4], $0x0  }
0x19: {  	s7 =	sld [smem:$0x3F9F]  }
0x1a: {  	s8 =	sadd.s32 $0xFFFFE003, lr  }
0x1b: {  	s9 =	sadd.s32 $0xFFFFFEF7, lr;
	s5 =	simm.s32 $0xFFFFFFFF;
	p2 =	slt.u32 s8, $0xFFFFF086  }
0x1c: {  	p1 =	slt.u32 s9, $0xF7A;
	s5 =	simm.s32 @!p2 $0x0  }
0x1d: {  	s5 =	simm.s32 @p1 $0x1;
	p0 =	seq.s32 s7, s2  }
0x1e: {  	s7 =	smul.u32 @!p0 $0xF7A, s2;
	p2 =	seq.s32 @!p0 s5, $0x0  }
0x1f: {  	s9 =	smul.u32 $0xF7A, s1;
	s8 =	simm.s32 @!p0 $0x1BF5;
	p2 =	por !p2, p0  }
0x20: {  	[sflag:s8] =	ssyncset.s32 @!p0 $0xFFFFF086;
	s6 =	sadd.s32 @!p0 s3, s7;
	s7 =	simm.s32 @!p0 $0x108  }
0x21: {  	s3 =	sadd.s32 s3, s9;
	s6 =	sadd.s32 @!p0 $0x88, s6;
	s7 =	simm.s32 @p2 $0x1082  }
0x22: {  	[simem:s7], [sflag:s8] =	dma.local @!p0 [hbm:s6], $0xF7A  }
0x23: {  	s9 =	sor.u32 $0xD0000000, s2;
	s6 =	simm.s32 $0x108;
	_ =	swait.ge @!p0 [sflag:s8], $0x0  }
0x24: {  	s3 =	sadd.s32 $0x88, s3;
	s6 =	simm.s32 @!p1 $0x1082;
	[sflag:s4] =	ssyncset.s32 $0xFFFFF086  }
0x25: {  	[simem:s6], [sflag:s4] =	dma.local [hbm:s3], $0xF7A  }
0x26: {  	[smem:$0x3F9F] =	sst s1;
	(tag) =	ssettag s2;
	_ =	strace s9  }
0x27: {  	s1 =	sld [smem:$0x3FAF]  }
0x28: {  	s2 =	sld [smem:$0x3FB0]  }
0x29: {  	s4 =	sld [smem:$0x3FB2]  }
0x2a: {  	p0 =	seq.s32 s5, $0x0;
	s5 =	sld [smem:$0x3FB3]  }
0x2b: {  	s6 =	sld [smem:$0x3FB4]  }
0x2c: {  	s7 =	sld [smem:$0x3FB5]  }
0x2d: {  	s3 =	simm.s32 $0x108;
	s8 =	sld [smem:$0x3FB6]  }
0x2e: {  	s3 =	simm.s32 @!p0 $0x1082;
	s9 =	sld [smem:$0x3FB7]  }
0x2f: {  	lr =	sadd.s32 s0, s3;
	s0 =	sld [smem:$0x3FAE]  }
0x30: {  	s3 =	sld [smem:$0x3FB1]  }
0x31: {  	[smem:$0x3FBA] =	sst s10  }
0x32: {  	s10 =	sld [smem:$0x3FB8];
	_ =	sdelay $0x3  }
0x33: {  	p0 =	seq.s32 s10, $0x1;
	s10 =	sld [smem:$0x3FBA];
	_ =	sdelay $0x3  }
0x34: {  	[smem:$0x3FBA] =	sst s10  }
0x35: {  	s10 =	sld [smem:$0x3FB9];
	_ =	sdelay $0x3  }
0x36: {  	p1 =	seq.s32 s10, $0x1;
	s10 =	sld [smem:$0x3FBA];
	_ =	sdelay $0x3  }
0x37: {  	[smem:$0x3FBA] =	sst s10  }
0x38: {  	s10 =	sld [smem:$0x3FBB]  }
0x39: {  	_ = 	snop;
	(pc) =	sbr.ind lr, $3  }
0x3a: {  	_ = 	snop  }
0x3b: {  	_ = 	snop  }
0x3c: {  	p2 =	seq.s32 s10, $0x1;
	s10 =	sld [smem:$0x3FBA]  }
0x3d: {  	_ =	shalt  }
0x3e: {  	_ =	shalt  }
0x3f: {  	_ =	shalt  }
0x40: {  	_ =	shalt  }
0x41: {  	_ =	shalt  }
0x42: {  	_ =	shalt  }
0x43: {  	_ =	shalt  }
0x44: {  	_ =	shalt  }
0x45: {  	_ =	shalt  }
0x46: {  	_ =	shalt  }
0x47: {  	_ =	shalt  }
0x48: {  	_ =	shalt  }
0x49: {  	_ =	shalt  }
0x4a: {  	_ =	shalt  }
0x4b: {  	_ =	shalt  }
0x4c: {  	_ =	shalt  }
0x4d: {  	_ =	shalt  }
0x4e: {  	_ =	shalt  }
0x4f: {  	_ =	shalt  }
0x50: {  	_ =	shalt  }
0x51: {  	_ =	shalt  }
0x52: {  	_ =	shalt  }
0x53: {  	_ =	shalt  }
0x54: {  	_ =	shalt  }
0x55: {  	_ =	shalt  }
0x56: {  	_ =	shalt  }
0x57: {  	_ =	shalt  }
0x58: {  	_ =	shalt  }
0x59: {  	_ =	shalt  }
0x5a: {  	_ =	shalt  }
0x5b: {  	_ =	shalt  }
0x5c: {  	_ =	shalt  }
0x5d: {  	_ =	shalt  }
0x5e: {  	_ =	shalt  }
0x5f: {  	_ =	shalt  }
0x60: {  	_ =	shalt  }
0x61: {  	_ =	shalt  }
0x62: {  	_ =	shalt  }
0x63: {  	_ =	shalt  }
0x64: {  	_ =	shalt  }
0x65: {  	_ =	shalt  }
0x66: {  	_ =	shalt  }
0x67: {  	_ =	shalt  }
0x68: {  	_ =	shalt  }
0x69: {  	_ =	shalt  }
0x6a: {  	_ =	shalt  }
0x6b: {  	_ =	shalt  }
0x6c: {  	_ =	shalt  }
0x6d: {  	_ =	shalt  }
0x6e: {  	_ =	shalt  }
0x6f: {  	_ =	shalt  }
0x70: {  	_ =	shalt  }
0x71: {  	_ =	shalt  }
0x72: {  	_ =	shalt  }
0x73: {  	_ =	shalt  }
0x74: {  	_ =	shalt  }
0x75: {  	_ =	shalt  }
0x76: {  	_ =	shalt  }
0x77: {  	_ =	shalt  }
0x78: {  	_ =	shalt  }
0x79: {  	_ =	shalt  }
0x7a: {  	_ =	shalt  }
0x7b: {  	_ =	shalt  }
0x7c: {  	_ =	shalt  }
0x7d: {  	_ =	shalt  }
0x7e: {  	_ =	shalt  }
0x7f: {  	_ =	shalt  }
0x80: {  	_ =	shalt  }
0x81: {  	_ =	shalt  }
0x82: {  	_ =	shalt  }
0x83: {  	_ =	shalt  }
0x84: {  	_ =	shalt  }
0x85: {  	_ =	shalt  }
0x86: {  	_ =	shalt  }
0x87: {  	_ =	shalt  }
.Lfunc_end0:
.L_simem_size_0:
called_computation_lowered:
.L_overlay_start_0:
0x88: {  	s2 =	sld [smem:$0x3FD9]  }
0x89: {  	s3 =	sld [smem:$0x3FFE];
	_ =	sdelay $0x1  }
0x8a: {  	s1 =	srdreg.scid  }
0x8b: {  	s0 =	sand.u32 $0x1, s1  }
0x8c: {  	s17 =	sshll.u32 s0, $0xA;
	s2 =	sadd.s32 s3, s2  }
0x8d: {  	s2 =	sadd.s32 s2, s17  }
0x8e: {  	[smem:$0x3FC6] =	sst s2  }
0x8f: {  	_ = 	snop  }
0x90: {  	s2 =	sld [smem:$0x3FC9]  }
0x91: {  	s18 =	sld [smem:$0x3FC8];
	(tm) =	ssettm $0x1  }
0x92: {  	s4 =	sld [smem:$0x3FFB];
	_ =	sdelay $0x3  }
0x93: {  	_ =	strace s4  }
0x94: {  	s4 =	sld [smem:$0x3FFC];
	_ =	sdelay $0x3  }
0x95: {  	_ =	strace s4  }
0x96: {  	s4 =	sld [smem:$0x3FFD];
	_ =	sdelay $0x3  }
0x97: {  	_ =	strace s4  }
0x98: {  	_ =	strace $0x8FFFFFFF  }
0x99: {  	s19 =	sld [smem:$0x3FDB];
	_ =	sdelay $0x1  }
0x9a: {  	s5 =	simm.s32 $_scs_section_size  }
0x9b: {  	s6 =	simm.s32 $_size__tile_overlayer_lowered;
	s7 =	simm.s32 $_tile_overlayer_lowered  }
0x9c: {  	s22 =	simm.s32 $0x1BFF;
	s21 =	sshll.u32 s7, $0x1;
	s4 =	sadd.s32 s5, s19  }
0x9d: {  	s8 =	simm.s32 $0x0;
	s20 =	sshll.u32 s6, $0x1;
	s6 =	sadd.s32 s21, s4  }
0x9e: {  	[timem:s8], [sflag:s22] =	dma.local [hbm:s6], s20  }
0x9f: {  	_ =	swait.ge [sflag:s22], s20  }
0xa0: {  	s5 =	ssub.s32 $0x0, s20;
	[sflag:s22] =	ssyncset.done $0x0  }
0xa1: {  	[sflag:s22] =	ssyncadd.s32 s5;
	_ =	sdelay $0x1  }
0xa2: {  	s23 =	simm.s32 $0x1B8B  }
0xa3: {  	_ =	swait.ge [sflag:s23], $0x1  }
0xa4: {  	[sflag:s23] =	ssyncset.done $0x0  }
0xa5: {  	s25 =	simm.s32 $0x1B8E;
	s24 =	sld [smem:$0x3FFE];
	[sflag:s23] =	ssyncadd.s32 $0xFFFFFFFF  }
0xa6: {  	s26 =	simm.s32 $execute0_lowered;
	[smem:$0x3FD2] =	sst s25  }
0xa7: {  	s6 =	sshll.u32 s26, $0x1;
	_ =	strace $0x80000046;
	[dreg:$0x1] =	wrdreg $0xFFFFFFFF  }
0xa8: {  	s28 =	simm.s32 $_size_execute0_lowered;
	s4 =	sadd.s32 s4, s6;
	[dreg:$0x0] =	wrdreg $0x0  }
0xa9: {  	s6 =	sshll.u32 s28, $0x1;
	[dreg:$0x2] =	wrdreg s4  }
0xaa: {  	[dreg:$0x3] =	wrdreg s6  }
0xab: {  	[dreg:$0x4] =	wrdreg $0xC0  }
0xac: {  	_ =	task [dreg:s8], $0x5FFFF  }
0xad: {  	[dreg:$0x1] =	wrdreg $0xFFFFFFFF  }
0xae: {  	[dreg:$0x0] =	wrdreg $0x60  }
0xaf: {  	[dreg:$0x2] =	wrdreg s2  }
0xb0: {  	[dreg:$0x3] =	wrdreg s18  }
0xb1: {  	[dreg:$0x4] =	wrdreg s24  }
0xb2: {  	[dreg:$0x5] =	wrdreg $0x9  }
0xb3: {  	_ =	task.clear_ibuf [dreg:s8], $0x6FFFF;
	_ =	strace $0x90000046  }
0xb4: {  	s29 =	simm.s32 $0x9;
	_ =	strace $0x80000048  }
0xb5: {  	_ =	swait.ge [sflag:s29], $0x1  }
0xb6: {  	[sflag:s29] =	ssyncadd.s32 $0xFFFFFFFF  }
0xb7: {  	_ =	strace $0x90000048  }
0xb8: {  	_ =	sfence  }
0xb9: {  	s30 =	sld [smem:$0x0];
	_ =	sdelay $0x2  }
0xba: {  	s31 =	sshll.u32 s1, $0xD;
	s1 =	sshrl.u32 s1, $0x2  }
0xbb: {  	s3 =	sand.u32 $0x4000, s31;
	s1 =	sadd.s32 s1, s30  }
0xbc: {  	s0 =	sor.u32 s3, s0;
	s1 =	sshll.u32 s1, $0x11  }
0xbd: {  	s0 =	sor.u32 s1, s0  }
0xbe: {  	s0 =	sadd.s32 $0x8F2B, s0  }
0xbf: {  	[sflag:s0] =	ssyncadd.remote.s32 $0x1  }
0xc0: {  	_ =	sfence.sel $0xFFFF  }
0xc1: {  	[dreg:$0x0] =	wrdreg $0xFFFFFFFF;
	(pc) =	sbr.abs _section_cstart, $3  }
0xc2: {  	[dreg:$0x1] =	wrdreg $0xFFFFFFFF  }
0xc3: {  	_ =	task.clear_ibuf [dreg:s8], $0x2FFFF;
	_ =	strace $0x9FFFFFFF  }
0xc4: {  	(tm) =	ssettm $0x7FFFFFFF  }
0xc5: {  	_ =	shalt  }
tec
execute0_lowered:
.L_overlay_start_1:
0x0: {  	(tag) =	ssettag $0x1  }
0x1: {  	s25 =	rddreg [dreg:$0x0]  }
0x2: {  	s0 =	srdreg.scid;
	s1 =	stileid.u32  }
0x3: {  	s3 =	rddreg [dreg:$0x2];
	s4 =	simm.s32 $0x0;
	s2 =	sand.u32 $0x1, s0  }
0x4: {  	s22 =	sshll.u32 s1, $0x1;
	[smem:$0x7FF] =	sst s4;
	s5 =	sadd.s32 $0x400, s3  }
0x5: {  	s19 =	smul.u32 $0x1880, s1;
	s12 =	sadd.s32 $0x480, s3;
	s13 =	sadd.s32 $0x4A0, s3  }
0x6: {  	s14 =	sadd.s32 $0x4C0, s3;
	s15 =	sadd.s32 $0x4E0, s3;
	s16 =	sadd.s32 $0x500, s3  }
0x7: {  	s17 =	sadd.s32 $0x520, s3;
	s18 =	sadd.s32 $0x540, s3;
	s20 =	sadd.s32 $0x580, s3  }
0x8: {  	s21 =	sadd.s32 $0x5A0, s3;
	s0 =	sor.u32 s2, s22;
	_ =	strace $0x80000047  }
0x9: {  	s23 =	ssub.s32 $0x2, s2;
	s2 =	smul.u32 $0xC40, s2;
	s22 =	sadd.s32 $0x5C0, s3  }
0xa: {  	s7 =	smul.u32 $0xC40, s0;
	p0 =	seq.s32 s0, $0x1F;
	s0 =	simm.s32 $0xAE0  }
0xb: {  	s10 =	sshrl.u32 s23, $0x1;
	s0 =	simm.s32 @!p0 $0xC40;
	s2 =	sadd.s32 s2, s19  }
0xc: {  	s19 =	sadd.s32 $0x560, s3;
	s0 =	sadd.s32 s0, s7;
	s9 =	sor.u32 $0x10, s7  }
0xd: {  	[dreg:$0x4] =	wrdreg s2;
	s6 =	sadd.s32 $0xFFFFFFF0, s0;
	s0 =	ssub.s32 s23, s10  }
0xe: {  	s10 =	sadd.s32 $0x440, s3;
	s23 =	sadd.s32 $0x5E0, s3;
	s8 =	smin.u32 s7, s6  }
0xf: {  	s24 =	smin.u32 s9, s6;
	s0 =	smax.u32 s0, $0x1;
	s11 =	sshrl.u32 s8, $0x3  }
0x10: {  	s31 =	sshrl.u32 s24, $0x3;
	[smem:$0x7FD] =	sst s0;
	s26 =	sadd.s32 s25, s11  }
0x11: {  	s8 =	sshll.u32 s8, $0x5;
	s9 =	sadd.s32 s25, s31;
	[dreg:$0x5] =	wrdreg s26  }
0x12: {  	s11 =	sadd.s32 $0x460, s3;
	s31 =	sadd.s32 s8, s10;
	[dreg:$0x6] =	wrdreg s9  }
0x13: {  	s9 =	sadd.s32 $0x420, s3;
	s3 =	sadd.s32 s5, s8;
	[dreg:$0x9] =	wrdreg s31  }
0x14: {  	s2 =	sadd.s32 s8, s11;
	[dreg:$0x7] =	wrdreg s3  }
0x15: {  	s31 =	sadd.s32 s8, s14;
	[dreg:$0xa] =	wrdreg s2  }
0x16: {  	s26 =	sadd.s32 s8, s9;
	[dreg:$0xd] =	wrdreg s31  }
0x17: {  	s3 =	sadd.s32 s8, s12;
	[dreg:$0x8] =	wrdreg s26  }
0x18: {  	s2 =	sadd.s32 s8, s15;
	[dreg:$0xb] =	wrdreg s3  }
0x19: {  	s31 =	sadd.s32 s8, s18;
	[dreg:$0xe] =	wrdreg s2  }
0x1a: {  	s26 =	sadd.s32 s8, s13;
	[dreg:$0x11] =	wrdreg s31  }
0x1b: {  	s3 =	sadd.s32 s8, s16;
	[dreg:$0xc] =	wrdreg s26  }
0x1c: {  	s2 =	sadd.s32 s8, s19;
	[dreg:$0xf] =	wrdreg s3  }
0x1d: {  	s26 =	sadd.s32 s8, s17;
	[dreg:$0x12] =	wrdreg s2  }
0x1e: {  	s31 =	sor.u32 $0x20, s7;
	s3 =	sadd.s32 s8, s20;
	[dreg:$0x10] =	wrdreg s26  }
0x1f: {  	s2 =	smin.u32 s31, s6;
	[dreg:$0x13] =	wrdreg s3;
	s26 =	sadd.s32 s8, s21  }
0x20: {  	s31 =	sshll.u32 s24, $0x5;
	s3 =	sadd.s32 s8, s22;
	[dreg:$0x14] =	wrdreg s26  }
0x21: {  	s2 =	sshrl.u32 s2, $0x3;
	[dreg:$0x15] =	wrdreg s3;
	s26 =	sadd.s32 s8, s23  }
0x22: {  	s8 =	sadd.s32 s25, s2;
	s2 =	sand.u32 $0x1FFFFE00, s31;
	[dreg:$0x16] =	wrdreg s26  }
0x23: {  	[dreg:$0x17] =	wrdreg s8;
	s26 =	sadd.s32 s5, s2  }
0x24: {  	s7 =	sor.u32 $0x30, s7;
	s31 =	sadd.s32 s2, s9;
	[dreg:$0x18] =	wrdreg s26  }
0x25: {  	s24 =	smin.u32 s7, s6;
	s7 =	sadd.s32 s2, s10;
	[dreg:$0x19] =	wrdreg s31  }
0x26: {  	s8 =	sadd.s32 s2, s11;
	[dreg:$0x1a] =	wrdreg s7  }
0x27: {  	s3 =	sshrl.u32 s24, $0x3;
	s24 =	sadd.s32 s2, s12;
	[dreg:$0x1b] =	wrdreg s8  }
0x28: {  	[dreg:$0x1c] =	wrdreg s24;
	s26 =	sadd.s32 s2, s13  }
0x29: {  	s31 =	sadd.s32 s2, s14;
	[dreg:$0x1d] =	wrdreg s26  }
0x2a: {  	s7 =	sadd.s32 s2, s15;
	[dreg:$0x1e] =	wrdreg s31  }
0x2b: {  	s8 =	sadd.s32 s2, s16;
	[dreg:$0x1f] =	wrdreg s7  }
0x2c: {  	s24 =	sadd.s32 s2, s17;
	[smem:$0x7F4] =	sst s8  }
0x2d: {  	[smem:$0x7F5] =	sst s24;
	s26 =	sadd.s32 s2, s18  }
0x2e: {  	s31 =	sadd.s32 s2, s19;
	[smem:$0x7F6] =	sst s26  }
0x2f: {  	s7 =	sadd.s32 s2, s20;
	[smem:$0x7F7] =	sst s31  }
0x30: {  	s8 =	sadd.s32 s2, s21;
	[smem:$0x7F8] =	sst s7  }
0x31: {  	s24 =	sadd.s32 s2, s22;
	[smem:$0x7F9] =	sst s8  }
0x32: {  	s28 =	simm.s32 $0x3;
	[smem:$0x7FA] =	sst s24;
	s26 =	sadd.s32 s2, s23  }
0x33: {  	s29 =	simm.s32 $0x4;
	s31 =	sadd.s32 s25, s3;
	[smem:$0x7FB] =	sst s26  }
0x34: {  	s30 =	simm.s32 $0x5;
	s1 =	simm.s32 $0x0;
	[smem:$0x7FC] =	sst s31  }
.LBB2_1:
0x35: {  	[smem:$0x7F3] =	sst s1  }
0x36: {  	s0 =	rddreg [dreg:$0x1]  }
0x37: {  	[tilespmem:s4], [sflag:$0x1] =	stream.linear.gather [hbm4b:s0+s4], $0x7700, $0x38;
	[tilespmem:$0x7800] =	vst v63  }
0x38: {  	s3 =	rddreg [dreg:$0x5];
	s24 =	simm.s32 $0x7708  }
0x39: {  	[tilespmem:s24], [sflag:$0x2] =	stream.linear.gather [hbm4b:s3+s4], $0x10, $0x38;
	[tilespmem:$0x7800] =	vst v63  }
0x3a: {  	s7 =	rddreg [dreg:$0x6];
	s2 =	simm.s32 $0x7788;
	s8 =	simm.s32 $0x1  }
0x3b: {  	[tilespmem:s2], [sflag:$0x3] =	stream.linear.gather [hbm4b:s7+s4], $0x10, $0x38;
	[tilespmem:$0x7800] =	vst v63  }
0x3c: {  	_ =	swait.ge [sflag:s8], $0x7700  }
0x3d: {  	[sflag:s8] =	ssyncset.done $0x0  }
0x3e: {  	s3 =	simm.s32 $0x2;
	[sflag:s8] =	ssyncadd.s32 $0xFFFF8900  }
0x3f: {  	_ =	swait.ge [sflag:s3], $0x10  }
0x40: {  	[sflag:s3] =	ssyncset.done $0x0  }
0x41: {  	[sflag:s3] =	ssyncadd.s32 $0xFFFFFFF0  }
0x42: {  	v0 =	vld [tilespmem:$0x7708];
	_ =	sdelay $0x4  }
0x43: {  	v0 =	vshll.u32 v0, $0xA  }
0x44: {  	v0 =	vshra.s32 v0, $0x2  }
0x45: {  	(v2sf) =	vpush v0, $0x0;
	_ =	sdelay $0x1  }
0x46: {  	(v2sf) =	vpush v0, $0x1;
	_ =	sdelay $0x1  }
0x47: {  	(v2sf) =	vpush v0, $0x2;
	_ =	sdelay $0x1  }
0x48: {  	(v2sf) =	vpush v0, $0x3;
	_ =	sdelay $0x1  }
0x49: {  	(v2sf) =	vpush v0, $0x4;
	_ =	sdelay $0x1  }
0x4a: {  	(v2sf) =	vpush v0, $0x5;
	_ =	sdelay $0x1  }
0x4b: {  	(v2sf) =	vpush v0, $0x6;
	_ =	sdelay $0x1  }
0x4c: {  	(v2sf) =	vpush v0, $0x7  }
0x4d: {  	s26 =	rddreg [dreg:$0x7];
	s25 =	spop (v2sf)  }
0x4e: {  	(v2sf) =	vpush v0, $0x8;
	[hbm4b:s26+s4] =	stream.linear.scatter [tilespmem:s25], [sflag:$0x4], $0x100, $0x38;
	[tilespmem:$0x7800] =	vst v63  }
0x4f: {  	s8 =	rddreg [dreg:$0x8];
	s7 =	spop (v2sf)  }
0x50: {  	(v2sf) =	vpush v0, $0x9;
	[hbm4b:s8+s4] =	stream.linear.scatter [tilespmem:s7], [sflag:$0x4], $0x100, $0x38;
	[tilespmem:$0x7800] =	vst v63  }
0x51: {  	s26 =	rddreg [dreg:$0x9];
	s25 =	spop (v2sf)  }
0x52: {  	(v2sf) =	vpush v0, $0xA;
	[hbm4b:s26+s4] =	stream.linear.scatter [tilespmem:s25], [sflag:$0x4], $0x100, $0x38;
	[tilespmem:$0x7800] =	vst v63  }
0x53: {  	s7 =	spop (v2sf);
	s8 =	rddreg [dreg:$0xa]  }
0x54: {  	(v2sf) =	vpush v0, $0xB;
	[hbm4b:s8+s4] =	stream.linear.scatter [tilespmem:s7], [sflag:$0x4], $0x100, $0x38;
	[tilespmem:$0x7800] =	vst v63  }
0x55: {  	s25 =	spop (v2sf);
	s26 =	rddreg [dreg:$0xb]  }
0x56: {  	(v2sf) =	vpush v0, $0xC;
	[hbm4b:s26+s4] =	stream.linear.scatter [tilespmem:s25], [sflag:$0x4], $0x100, $0x38;
	[tilespmem:$0x7800] =	vst v63  }
0x57: {  	s7 =	spop (v2sf);
	s8 =	rddreg [dreg:$0xc]  }
0x58: {  	(v2sf) =	vpush v0, $0xD;
	[hbm4b:s8+s4] =	stream.linear.scatter [tilespmem:s7], [sflag:$0x4], $0x100, $0x38;
	[tilespmem:$0x7800] =	vst v63  }
0x59: {  	s25 =	spop (v2sf);
	s26 =	rddreg [dreg:$0xd]  }
0x5a: {  	(v2sf) =	vpush v0, $0xE;
	[hbm4b:s26+s4] =	stream.linear.scatter [tilespmem:s25], [sflag:$0x4], $0x100, $0x38;
	[tilespmem:$0x7800] =	vst v63  }
0x5b: {  	s7 =	spop (v2sf);
	s8 =	rddreg [dreg:$0xe]  }
0x5c: {  	(v2sf) =	vpush v0, $0xF;
	[hbm4b:s8+s4] =	stream.linear.scatter [tilespmem:s7], [sflag:$0x4], $0x100, $0x38;
	[tilespmem:$0x7800] =	vst v63  }
0x5d: {  	s26 =	rddreg [dreg:$0xf];
	s25 =	spop (v2sf)  }
0x5e: {  	[hbm4b:s26+s4] =	stream.linear.scatter [tilespmem:s25], [sflag:$0x4], $0x100, $0x38;
	[tilespmem:$0x7800] =	vst v63  }
0x5f: {  	s8 =	rddreg [dreg:$0x10];
	s7 =	spop (v2sf)  }
0x60: {  	[hbm4b:s8+s4] =	stream.linear.scatter [tilespmem:s7], [sflag:$0x4], $0x100, $0x38;
	[tilespmem:$0x7800] =	vst v63  }
0x61: {  	s25 =	spop (v2sf);
	s26 =	rddreg [dreg:$0x11]  }
0x62: {  	[hbm4b:s26+s4] =	stream.linear.scatter [tilespmem:s25], [sflag:$0x4], $0x100, $0x38;
	[tilespmem:$0x7800] =	vst v63  }
0x63: {  	s7 =	spop (v2sf);
	s8 =	rddreg [dreg:$0x12]  }
0x64: {  	[hbm4b:s8+s4] =	stream.linear.scatter [tilespmem:s7], [sflag:$0x4], $0x100, $0x38;
	[tilespmem:$0x7800] =	vst v63  }
0x65: {  	s25 =	spop (v2sf);
	s26 =	rddreg [dreg:$0x13]  }
0x66: {  	[hbm4b:s26+s4] =	stream.linear.scatter [tilespmem:s25], [sflag:$0x4], $0x100, $0x38;
	[tilespmem:$0x7800] =	vst v63  }
0x67: {  	s7 =	spop (v2sf);
	s8 =	rddreg [dreg:$0x14]  }
0x68: {  	[hbm4b:s8+s4] =	stream.linear.scatter [tilespmem:s7], [sflag:$0x4], $0x100, $0x38;
	[tilespmem:$0x7800] =	vst v63  }
0x69: {  	s25 =	spop (v2sf);
	s26 =	rddreg [dreg:$0x15]  }
0x6a: {  	[hbm4b:s26+s4] =	stream.linear.scatter [tilespmem:s25], [sflag:$0x4], $0x100, $0x38;
	[tilespmem:$0x7800] =	vst v63  }
0x6b: {  	s1 =	spop (v2sf);
	s7 =	rddreg [dreg:$0x16]  }
0x6c: {  	[hbm4b:s7+s4] =	stream.linear.scatter [tilespmem:s1], [sflag:$0x4], $0x100, $0x38;
	[tilespmem:$0x7800] =	vst v63  }
0x6d: {  	s8 =	rddreg [dreg:$0x17]  }
0x6e: {  	[tilespmem:s24], [sflag:$0x2] =	stream.linear.gather [hbm4b:s8+s4], $0x10, $0x38;
	[tilespmem:$0x7800] =	vst v63  }
0x6f: {  	_ =	swait.ge [sflag:s28], $0x10  }
0x70: {  	[sflag:s28] =	ssyncset.done $0x0  }
0x71: {  	[sflag:s28] =	ssyncadd.s32 $0xFFFFFFF0  }
0x72: {  	v61 =	vld [tilespmem:$0x7788];
	_ =	sdelay $0x4  }
0x73: {  	v0 =	vshll.u32 v61, $0xA  }
0x74: {  	v0 =	vshra.s32 v0, $0x2  }
0x75: {  	(v2sf) =	vpush v0, $0x0;
	_ =	sdelay $0x1  }
0x76: {  	(v2sf) =	vpush v0, $0x1;
	_ =	sdelay $0x1  }
0x77: {  	(v2sf) =	vpush v0, $0x2;
	_ =	sdelay $0x1  }
0x78: {  	(v2sf) =	vpush v0, $0x3;
	_ =	sdelay $0x1  }
0x79: {  	(v2sf) =	vpush v0, $0x4;
	_ =	sdelay $0x1  }
0x7a: {  	(v2sf) =	vpush v0, $0x5;
	_ =	sdelay $0x1  }
0x7b: {  	(v2sf) =	vpush v0, $0x6;
	_ =	sdelay $0x1  }
0x7c: {  	s26 =	rddreg [dreg:$0x18];
	(v2sf) =	vpush v0, $0x7  }
0x7d: {  	s8 =	rddreg [dreg:$0x19];
	s25 =	spop (v2sf)  }
0x7e: {  	(v2sf) =	vpush v0, $0x8;
	[hbm4b:s26+s4] =	stream.linear.scatter [tilespmem:s25], [sflag:$0x5], $0x100, $0x38;
	[tilespmem:$0x7800] =	vst v63  }
0x7f: {  	s7 =	spop (v2sf);
	s26 =	rddreg [dreg:$0x1a]  }
0x80: {  	(v2sf) =	vpush v0, $0x9;
	[hbm4b:s8+s4] =	stream.linear.scatter [tilespmem:s7], [sflag:$0x5], $0x100, $0x38;
	[tilespmem:$0x7800] =	vst v63  }
0x81: {  	s25 =	spop (v2sf);
	s8 =	rddreg [dreg:$0x1b]  }
0x82: {  	(v2sf) =	vpush v0, $0xA;
	[hbm4b:s26+s4] =	stream.linear.scatter [tilespmem:s25], [sflag:$0x5], $0x100, $0x38;
	[tilespmem:$0x7800] =	vst v63  }
0x83: {  	s7 =	spop (v2sf);
	s26 =	rddreg [dreg:$0x1c]  }
0x84: {  	(v2sf) =	vpush v0, $0xB;
	[hbm4b:s8+s4] =	stream.linear.scatter [tilespmem:s7], [sflag:$0x5], $0x100, $0x38;
	[tilespmem:$0x7800] =	vst v63  }
0x85: {  	s25 =	spop (v2sf);
	s8 =	rddreg [dreg:$0x1d]  }
0x86: {  	(v2sf) =	vpush v0, $0xC;
	[hbm4b:s26+s4] =	stream.linear.scatter [tilespmem:s25], [sflag:$0x5], $0x100, $0x38;
	[tilespmem:$0x7800] =	vst v63  }
0x87: {  	s7 =	spop (v2sf);
	s26 =	rddreg [dreg:$0x1e]  }
0x88: {  	(v2sf) =	vpush v0, $0xD;
	[hbm4b:s8+s4] =	stream.linear.scatter [tilespmem:s7], [sflag:$0x5], $0x100, $0x38;
	[tilespmem:$0x7800] =	vst v63  }
0x89: {  	s25 =	spop (v2sf);
	s8 =	rddreg [dreg:$0x1f]  }
0x8a: {  	(v2sf) =	vpush v0, $0xE;
	[hbm4b:s26+s4] =	stream.linear.scatter [tilespmem:s25], [sflag:$0x5], $0x100, $0x38;
	[tilespmem:$0x7800] =	vst v63  }
0x8b: {  	s7 =	spop (v2sf);
	s26 =	sld [smem:$0x7F4]  }
0x8c: {  	(v2sf) =	vpush v0, $0xF;
	[hbm4b:s8+s4] =	stream.linear.scatter [tilespmem:s7], [sflag:$0x5], $0x100, $0x38;
	[tilespmem:$0x7800] =	vst v63  }
0x8d: {  	s25 =	spop (v2sf);
	s8 =	sld [smem:$0x7F5]  }
0x8e: {  	[hbm4b:s26+s4] =	stream.linear.scatter [tilespmem:s25], [sflag:$0x5], $0x100, $0x38;
	[tilespmem:$0x7800] =	vst v63  }
0x8f: {  	s7 =	spop (v2sf);
	s26 =	sld [smem:$0x7F6]  }
0x90: {  	[hbm4b:s8+s4] =	stream.linear.scatter [tilespmem:s7], [sflag:$0x5], $0x100, $0x38;
	[tilespmem:$0x7800] =	vst v63  }
0x91: {  	s25 =	spop (v2sf);
	s8 =	sld [smem:$0x7F7]  }
0x92: {  	[hbm4b:s26+s4] =	stream.linear.scatter [tilespmem:s25], [sflag:$0x5], $0x100, $0x38;
	[tilespmem:$0x7800] =	vst v63  }
0x93: {  	s7 =	spop (v2sf);
	s26 =	sld [smem:$0x7F8]  }
0x94: {  	[hbm4b:s8+s4] =	stream.linear.scatter [tilespmem:s7], [sflag:$0x5], $0x100, $0x38;
	[tilespmem:$0x7800] =	vst v63  }
0x95: {  	s25 =	spop (v2sf);
	s8 =	sld [smem:$0x7F9]  }
0x96: {  	[hbm4b:s26+s4] =	stream.linear.scatter [tilespmem:s25], [sflag:$0x5], $0x100, $0x38;
	[tilespmem:$0x7800] =	vst v63  }
0x97: {  	s7 =	spop (v2sf);
	s26 =	sld [smem:$0x7FA]  }
0x98: {  	[hbm4b:s8+s4] =	stream.linear.scatter [tilespmem:s7], [sflag:$0x5], $0x100, $0x38;
	[tilespmem:$0x7800] =	vst v63  }
0x99: {  	s25 =	spop (v2sf);
	s8 =	sld [smem:$0x7FB]  }
0x9a: {  	[hbm4b:s26+s4] =	stream.linear.scatter [tilespmem:s25], [sflag:$0x5], $0x100, $0x38;
	[tilespmem:$0x7800] =	vst v63  }
0x9b: {  	s7 =	spop (v2sf);
	s25 =	sld [smem:$0x7FC]  }
0x9c: {  	[hbm4b:s8+s4] =	stream.linear.scatter [tilespmem:s7], [sflag:$0x5], $0x100, $0x38;
	[tilespmem:$0x7800] =	vst v63  }
0x9d: {  	_ = 	snop  }
0x9e: {  	[tilespmem:s2], [sflag:$0x3] =	stream.linear.gather [hbm4b:s25+s4], $0x10, $0x38;
	[tilespmem:$0x7800] =	vst v63  }
0x9f: {  	s26 =	rddreg [dreg:$0x4];
	_ =	swait.ge [sflag:s3], $0x10  }
0xa0: {  	[sflag:s3] =	ssyncset.done $0x0  }
0xa1: {  	[sflag:s3] =	ssyncadd.s32 $0xFFFFFFF0  }
0xa2: {  	_ =	swait.ge [sflag:s29], $0x100  }
0xa3: {  	[sflag:s29] =	ssyncset.done $0x0  }
0xa4: {  	[sflag:s29] =	ssyncadd.s32 $0xFFFFFF00  }
0xa5: {  	_ =	swait.ge [sflag:s29], $0x100  }
0xa6: {  	[sflag:s29] =	ssyncset.done $0x0  }
0xa7: {  	[sflag:s29] =	ssyncadd.s32 $0xFFFFFF00  }
0xa8: {  	_ =	swait.ge [sflag:s29], $0x100  }
0xa9: {  	[sflag:s29] =	ssyncset.done $0x0  }
0xaa: {  	[sflag:s29] =	ssyncadd.s32 $0xFFFFFF00  }
0xab: {  	_ =	swait.ge [sflag:s29], $0x100  }
0xac: {  	[sflag:s29] =	ssyncset.done $0x0  }
0xad: {  	[sflag:s29] =	ssyncadd.s32 $0xFFFFFF00  }
0xae: {  	_ =	swait.ge [sflag:s29], $0x100  }
0xaf: {  	[sflag:s29] =	ssyncset.done $0x0  }
0xb0: {  	[sflag:s29] =	ssyncadd.s32 $0xFFFFFF00  }
0xb1: {  	_ =	swait.ge [sflag:s29], $0x100  }
0xb2: {  	[sflag:s29] =	ssyncset.done $0x0  }
0xb3: {  	[sflag:s29] =	ssyncadd.s32 $0xFFFFFF00  }
0xb4: {  	_ =	swait.ge [sflag:s29], $0x100  }
0xb5: {  	[sflag:s29] =	ssyncset.done $0x0  }
0xb6: {  	[sflag:s29] =	ssyncadd.s32 $0xFFFFFF00  }
0xb7: {  	_ =	swait.ge [sflag:s29], $0x100  }
0xb8: {  	[sflag:s29] =	ssyncset.done $0x0  }
0xb9: {  	[sflag:s29] =	ssyncadd.s32 $0xFFFFFF00  }
0xba: {  	_ =	swait.ge [sflag:s29], $0x100  }
0xbb: {  	[sflag:s29] =	ssyncset.done $0x0  }
0xbc: {  	[sflag:s29] =	ssyncadd.s32 $0xFFFFFF00  }
0xbd: {  	_ =	swait.ge [sflag:s29], $0x100  }
0xbe: {  	[sflag:s29] =	ssyncset.done $0x0  }
0xbf: {  	[sflag:s29] =	ssyncadd.s32 $0xFFFFFF00  }
0xc0: {  	_ =	swait.ge [sflag:s29], $0x100  }
0xc1: {  	[sflag:s29] =	ssyncset.done $0x0  }
0xc2: {  	[sflag:s29] =	ssyncadd.s32 $0xFFFFFF00  }
0xc3: {  	_ =	swait.ge [sflag:s29], $0x100  }
0xc4: {  	[sflag:s29] =	ssyncset.done $0x0  }
0xc5: {  	[sflag:s29] =	ssyncadd.s32 $0xFFFFFF00  }
0xc6: {  	_ =	swait.ge [sflag:s29], $0x100  }
0xc7: {  	[sflag:s29] =	ssyncset.done $0x0  }
0xc8: {  	[sflag:s29] =	ssyncadd.s32 $0xFFFFFF00  }
0xc9: {  	_ =	swait.ge [sflag:s29], $0x100  }
0xca: {  	[sflag:s29] =	ssyncset.done $0x0  }
0xcb: {  	[sflag:s29] =	ssyncadd.s32 $0xFFFFFF00  }
0xcc: {  	_ =	swait.ge [sflag:s29], $0x100  }
0xcd: {  	[sflag:s29] =	ssyncset.done $0x0  }
0xce: {  	[sflag:s29] =	ssyncadd.s32 $0xFFFFFF00  }
0xcf: {  	_ =	swait.ge [sflag:s29], $0x100  }
0xd0: {  	[sflag:s29] =	ssyncset.done $0x0  }
0xd1: {  	[sflag:s29] =	ssyncadd.s32 $0xFFFFFF00  }
0xd2: {  	v62 =	vld [tilespmem:$0x7708];
	_ =	sdelay $0x4  }
0xd3: {  	v0 =	vshll.u32 v62, $0xA  }
0xd4: {  	v0 =	vshra.s32 v0, $0x2  }
0xd5: {  	(v2sf) =	vpush v0, $0x0;
	_ =	sdelay $0x1  }
0xd6: {  	(v2sf) =	vpush v0, $0x1;
	_ =	sdelay $0x1  }
0xd7: {  	(v2sf) =	vpush v0, $0x2;
	_ =	sdelay $0x1  }
0xd8: {  	(v2sf) =	vpush v0, $0x3;
	_ =	sdelay $0x1  }
0xd9: {  	(v2sf) =	vpush v0, $0x4  }
0xda: {  	s0 =	sadd.s32 $0xFFFFF3E0, s26  }
0xdb: {  	s2 =	sadd.s32 $0xC40, s0;
	(v2sf) =	vpush v0, $0x5  }
0xdc: {  	p0 =	slt.s32 s2, s6;
	s3 =	smov.u32 s6  }
0xdd: {  	s3 =	smov.u32 @p0 s2;
	(v2sf) =	vpush v0, $0x6  }
0xde: {  	s2 =	sshll.u32 s3, $0x5  }
0xdf: {  	s2 =	sand.u32 $0x1FFFFE00, s2;
	(v2sf) =	vpush v0, $0x7  }
0xe0: {  	s1 =	sadd.s32 s5, s2;
	s7 =	spop (v2sf)  }
0xe1: {  	(v2sf) =	vpush v0, $0x8;
	[hbm4b:s1+s4] =	stream.linear.scatter [tilespmem:s7], [sflag:$0x4], $0x100, $0x38;
	[tilespmem:$0x7800] =	vst v63  }
0xe2: {  	s8 =	sadd.s32 s2, s9;
	s25 =	spop (v2sf)  }
0xe3: {  	(v2sf) =	vpush v0, $0x9;
	[hbm4b:s8+s4] =	stream.linear.scatter [tilespmem:s25], [sflag:$0x4], $0x100, $0x38;
	[tilespmem:$0x7800] =	vst v63  }
0xe4: {  	s26 =	sadd.s32 s2, s10;
	s1 =	spop (v2sf)  }
0xe5: {  	(v2sf) =	vpush v0, $0xA;
	[hbm4b:s26+s4] =	stream.linear.scatter [tilespmem:s1], [sflag:$0x4], $0x100, $0x38;
	[tilespmem:$0x7800] =	vst v63  }
0xe6: {  	s8 =	sadd.s32 s2, s11;
	s25 =	spop (v2sf)  }
0xe7: {  	(v2sf) =	vpush v0, $0xB;
	[hbm4b:s8+s4] =	stream.linear.scatter [tilespmem:s25], [sflag:$0x4], $0x100, $0x38;
	[tilespmem:$0x7800] =	vst v63  }
0xe8: {  	s26 =	sadd.s32 s2, s12;
	s1 =	spop (v2sf)  }
0xe9: {  	(v2sf) =	vpush v0, $0xC;
	[hbm4b:s26+s4] =	stream.linear.scatter [tilespmem:s1], [sflag:$0x4], $0x100, $0x38;
	[tilespmem:$0x7800] =	vst v63  }
0xea: {  	s8 =	sadd.s32 s2, s13;
	s25 =	spop (v2sf)  }
0xeb: {  	(v2sf) =	vpush v0, $0xD;
	[hbm4b:s8+s4] =	stream.linear.scatter [tilespmem:s25], [sflag:$0x4], $0x100, $0x38;
	[tilespmem:$0x7800] =	vst v63  }
0xec: {  	s26 =	sadd.s32 s2, s14;
	s1 =	spop (v2sf)  }
0xed: {  	(v2sf) =	vpush v0, $0xE;
	[hbm4b:s26+s4] =	stream.linear.scatter [tilespmem:s1], [sflag:$0x4], $0x100, $0x38;
	[tilespmem:$0x7800] =	vst v63  }
0xee: {  	s8 =	sadd.s32 s2, s15;
	s25 =	spop (v2sf)  }
0xef: {  	(v2sf) =	vpush v0, $0xF;
	[hbm4b:s8+s4] =	stream.linear.scatter [tilespmem:s25], [sflag:$0x4], $0x100, $0x38;
	[tilespmem:$0x7800] =	vst v63  }
0xf0: {  	s26 =	sadd.s32 s2, s16;
	s1 =	spop (v2sf)  }
0xf1: {  	[hbm4b:s26+s4] =	stream.linear.scatter [tilespmem:s1], [sflag:$0x4], $0x100, $0x38;
	[tilespmem:$0x7800] =	vst v63  }
0xf2: {  	s8 =	sadd.s32 s2, s17;
	s25 =	spop (v2sf)  }
0xf3: {  	[hbm4b:s8+s4] =	stream.linear.scatter [tilespmem:s25], [sflag:$0x4], $0x100, $0x38;
	[tilespmem:$0x7800] =	vst v63  }
0xf4: {  	s26 =	sadd.s32 s2, s18;
	s1 =	spop (v2sf)  }
0xf5: {  	[hbm4b:s26+s4] =	stream.linear.scatter [tilespmem:s1], [sflag:$0x4], $0x100, $0x38;
	[tilespmem:$0x7800] =	vst v63  }
0xf6: {  	s7 =	sadd.s32 s2, s19;
	s8 =	spop (v2sf)  }
0xf7: {  	[hbm4b:s7+s4] =	stream.linear.scatter [tilespmem:s8], [sflag:$0x4], $0x100, $0x38;
	[tilespmem:$0x7800] =	vst v63  }
0xf8: {  	s3 =	sadd.s32 $0xC60, s0;
	s25 =	sadd.s32 s2, s20;
	s8 =	spop (v2sf)  }
0xf9: {  	[hbm4b:s25+s4] =	stream.linear.scatter [tilespmem:s8], [sflag:$0x4], $0x100, $0x38;
	[tilespmem:$0x7800] =	vst v63  }
0xfa: {  	p0 =	slt.s32 s3, s6;
	s26 =	sadd.s32 s2, s21;
	s1 =	spop (v2sf)  }
0xfb: {  	[hbm4b:s26+s4] =	stream.linear.scatter [tilespmem:s1], [sflag:$0x4], $0x100, $0x38;
	[tilespmem:$0x7800] =	vst v63  }
0xfc: {  	s7 =	sadd.s32 s2, s22;
	s25 =	smov.u32 s6;
	s8 =	spop (v2sf)  }
0xfd: {  	[hbm4b:s7+s4] =	stream.linear.scatter [tilespmem:s8], [sflag:$0x4], $0x100, $0x38;
	[tilespmem:$0x7800] =	vst v63  }
0xfe: {  	s2 =	sadd.s32 s2, s23;
	s25 =	smov.u32 @p0 s3;
	s1 =	spop (v2sf)  }
0xff: {  	[hbm4b:s2+s4] =	stream.linear.scatter [tilespmem:s1], [sflag:$0x4], $0x100, $0x38;
	[tilespmem:$0x7800] =	vst v63  }
0x100: {  	s26 =	sshrl.u32 s25, $0x3;
	s1 =	rddreg [dreg:$0x0]  }
0x101: {  	s7 =	sadd.s32 s1, s26  }
0x102: {  	[tilespmem:s24], [sflag:$0x2] =	stream.linear.gather [hbm4b:s7+s4], $0x10, $0x38;
	[tilespmem:$0x7800] =	vst v63  }
0x103: {  	_ =	swait.ge [sflag:s28], $0x10  }
0x104: {  	[sflag:s28] =	ssyncset.done $0x0  }
0x105: {  	[sflag:s28] =	ssyncadd.s32 $0xFFFFFFF0  }
0x106: {  	_ =	swait.ge [sflag:s30], $0x100  }
0x107: {  	[sflag:s30] =	ssyncset.done $0x0  }
0x108: {  	[sflag:s30] =	ssyncadd.s32 $0xFFFFFF00  }
0x109: {  	_ =	swait.ge [sflag:s30], $0x100  }
0x10a: {  	[sflag:s30] =	ssyncset.done $0x0  }
0x10b: {  	[sflag:s30] =	ssyncadd.s32 $0xFFFFFF00  }
0x10c: {  	_ =	swait.ge [sflag:s30], $0x100  }
0x10d: {  	[sflag:s30] =	ssyncset.done $0x0  }
0x10e: {  	[sflag:s30] =	ssyncadd.s32 $0xFFFFFF00  }
0x10f: {  	_ =	swait.ge [sflag:s30], $0x100  }
0x110: {  	[sflag:s30] =	ssyncset.done $0x0  }
0x111: {  	[sflag:s30] =	ssyncadd.s32 $0xFFFFFF00  }
0x112: {  	_ =	swait.ge [sflag:s30], $0x100  }
0x113: {  	[sflag:s30] =	ssyncset.done $0x0  }
0x114: {  	[sflag:s30] =	ssyncadd.s32 $0xFFFFFF00  }
0x115: {  	_ =	swait.ge [sflag:s30], $0x100  }
0x116: {  	[sflag:s30] =	ssyncset.done $0x0  }
0x117: {  	[sflag:s30] =	ssyncadd.s32 $0xFFFFFF00  }
0x118: {  	_ =	swait.ge [sflag:s30], $0x100  }
0x119: {  	[sflag:s30] =	ssyncset.done $0x0  }
0x11a: {  	[sflag:s30] =	ssyncadd.s32 $0xFFFFFF00  }
0x11b: {  	_ =	swait.ge [sflag:s30], $0x100  }
0x11c: {  	[sflag:s30] =	ssyncset.done $0x0  }
0x11d: {  	[sflag:s30] =	ssyncadd.s32 $0xFFFFFF00  }
0x11e: {  	_ =	swait.ge [sflag:s30], $0x100  }
0x11f: {  	[sflag:s30] =	ssyncset.done $0x0  }
0x120: {  	[sflag:s30] =	ssyncadd.s32 $0xFFFFFF00  }
0x121: {  	_ =	swait.ge [sflag:s30], $0x100  }
0x122: {  	[sflag:s30] =	ssyncset.done $0x0  }
0x123: {  	[sflag:s30] =	ssyncadd.s32 $0xFFFFFF00  }
0x124: {  	_ =	swait.ge [sflag:s30], $0x100  }
0x125: {  	[sflag:s30] =	ssyncset.done $0x0  }
0x126: {  	[sflag:s30] =	ssyncadd.s32 $0xFFFFFF00  }
0x127: {  	_ =	swait.ge [sflag:s30], $0x100  }
0x128: {  	[sflag:s30] =	ssyncset.done $0x0  }
0x129: {  	[sflag:s30] =	ssyncadd.s32 $0xFFFFFF00  }
0x12a: {  	_ =	swait.ge [sflag:s30], $0x100  }
0x12b: {  	[sflag:s30] =	ssyncset.done $0x0  }
0x12c: {  	[sflag:s30] =	ssyncadd.s32 $0xFFFFFF00  }
0x12d: {  	_ =	swait.ge [sflag:s30], $0x100  }
0x12e: {  	[sflag:s30] =	ssyncset.done $0x0  }
0x12f: {  	[sflag:s30] =	ssyncadd.s32 $0xFFFFFF00  }
0x130: {  	_ =	swait.ge [sflag:s30], $0x100  }
0x131: {  	[sflag:s30] =	ssyncset.done $0x0  }
0x132: {  	[sflag:s30] =	ssyncadd.s32 $0xFFFFFF00  }
0x133: {  	_ =	swait.ge [sflag:s30], $0x100  }
0x134: {  	[sflag:s30] =	ssyncset.done $0x0  }
0x135: {  	[sflag:s30] =	ssyncadd.s32 $0xFFFFFF00  }
0x136: {  	v63 =	vld [tilespmem:$0x7788];
	_ =	sdelay $0x4  }
0x137: {  	v0 =	vshll.u32 v63, $0xA  }
0x138: {  	v0 =	vshra.s32 v0, $0x2  }
0x139: {  	(v2sf) =	vpush v0, $0x0;
	_ =	sdelay $0x1  }
0x13a: {  	(v2sf) =	vpush v0, $0x1;
	_ =	sdelay $0x1  }
0x13b: {  	(v2sf) =	vpush v0, $0x2;
	_ =	sdelay $0x1  }
0x13c: {  	(v2sf) =	vpush v0, $0x3;
	_ =	sdelay $0x1  }
0x13d: {  	(v2sf) =	vpush v0, $0x4;
	_ =	sdelay $0x1  }
0x13e: {  	s2 =	sadd.s32 $0xC50, s0;
	(v2sf) =	vpush v0, $0x5  }
0x13f: {  	s3 =	smov.u32 s6;
	p0 =	slt.s32 s2, s6  }
0x140: {  	s3 =	smov.u32 @p0 s2;
	(v2sf) =	vpush v0, $0x6  }
0x141: {  	s2 =	sshll.u32 s3, $0x5  }
0x142: {  	s2 =	sand.u32 $0x1FFFFE00, s2;
	(v2sf) =	vpush v0, $0x7  }
0x143: {  	s8 =	sadd.s32 s5, s2;
	s24 =	spop (v2sf)  }
0x144: {  	(v2sf) =	vpush v0, $0x8;
	[hbm4b:s8+s4] =	stream.linear.scatter [tilespmem:s24], [sflag:$0x5], $0x100, $0x38;
	[tilespmem:$0x7800] =	vst v63  }
0x145: {  	s25 =	sadd.s32 s2, s9;
	s26 =	spop (v2sf)  }
0x146: {  	(v2sf) =	vpush v0, $0x9;
	[hbm4b:s25+s4] =	stream.linear.scatter [tilespmem:s26], [sflag:$0x5], $0x100, $0x38;
	[tilespmem:$0x7800] =	vst v63  }
0x147: {  	s8 =	sadd.s32 s2, s10;
	s24 =	spop (v2sf)  }
0x148: {  	(v2sf) =	vpush v0, $0xA;
	[hbm4b:s8+s4] =	stream.linear.scatter [tilespmem:s24], [sflag:$0x5], $0x100, $0x38;
	[tilespmem:$0x7800] =	vst v63  }
0x149: {  	s25 =	sadd.s32 s2, s11;
	s26 =	spop (v2sf)  }
0x14a: {  	(v2sf) =	vpush v0, $0xB;
	[hbm4b:s25+s4] =	stream.linear.scatter [tilespmem:s26], [sflag:$0x5], $0x100, $0x38;
	[tilespmem:$0x7800] =	vst v63  }
0x14b: {  	s8 =	sadd.s32 s2, s12;
	s24 =	spop (v2sf)  }
0x14c: {  	(v2sf) =	vpush v0, $0xC;
	[hbm4b:s8+s4] =	stream.linear.scatter [tilespmem:s24], [sflag:$0x5], $0x100, $0x38;
	[tilespmem:$0x7800] =	vst v63  }
0x14d: {  	s25 =	sadd.s32 s2, s13;
	s26 =	spop (v2sf)  }
0x14e: {  	(v2sf) =	vpush v0, $0xD;
	[hbm4b:s25+s4] =	stream.linear.scatter [tilespmem:s26], [sflag:$0x5], $0x100, $0x38;
	[tilespmem:$0x7800] =	vst v63  }
0x14f: {  	s8 =	sadd.s32 s2, s14;
	s24 =	spop (v2sf)  }
0x150: {  	[hbm4b:s8+s4] =	stream.linear.scatter [tilespmem:s24], [sflag:$0x5], $0x100, $0x38;
	[tilespmem:$0x7800] =	vst v63  }
0x151: {  	(v2sf) =	vpush v0, $0xE;
	s25 =	sadd.s32 s2, s15;
	s26 =	spop (v2sf)  }
0x152: {  	[hbm4b:s25+s4] =	stream.linear.scatter [tilespmem:s26], [sflag:$0x5], $0x100, $0x38;
	[tilespmem:$0x7800] =	vst v63  }
0x153: {  	s8 =	sadd.s32 s2, s16;
	s24 =	spop (v2sf)  }
0x154: {  	(v2sf) =	vpush v0, $0xF;
	[hbm4b:s8+s4] =	stream.linear.scatter [tilespmem:s24], [sflag:$0x5], $0x100, $0x38;
	[tilespmem:$0x7800] =	vst v63  }
0x155: {  	s0 =	sadd.s32 $0xC70, s0;
	s25 =	sadd.s32 s2, s17;
	s26 =	spop (v2sf)  }
0x156: {  	[hbm4b:s25+s4] =	stream.linear.scatter [tilespmem:s26], [sflag:$0x5], $0x100, $0x38;
	[tilespmem:$0x7800] =	vst v63  }
0x157: {  	p0 =	slt.s32 s0, s6;
	s8 =	sadd.s32 s2, s18;
	s24 =	spop (v2sf)  }
0x158: {  	[hbm4b:s8+s4] =	stream.linear.scatter [tilespmem:s24], [sflag:$0x5], $0x100, $0x38;
	[tilespmem:$0x7800] =	vst v63  }
0x159: {  	s3 =	rddreg [dreg:$0x4];
	s25 =	sadd.s32 s2, s19;
	s26 =	spop (v2sf)  }
0x15a: {  	[hbm4b:s25+s4] =	stream.linear.scatter [tilespmem:s26], [sflag:$0x5], $0x100, $0x38;
	[tilespmem:$0x7800] =	vst v63  }
0x15b: {  	s3 =	sadd.s32 $0xFFFFF400, s3;
	s8 =	sadd.s32 s2, s20;
	s24 =	spop (v2sf)  }
0x15c: {  	[hbm4b:s8+s4] =	stream.linear.scatter [tilespmem:s24], [sflag:$0x5], $0x100, $0x38;
	[tilespmem:$0x7800] =	vst v63  }
0x15d: {  	s7 =	sadd.s32 $0xC60, s3;
	s25 =	sadd.s32 s2, s21;
	s26 =	spop (v2sf)  }
0x15e: {  	[hbm4b:s25+s4] =	stream.linear.scatter [tilespmem:s26], [sflag:$0x5], $0x100, $0x38;
	[tilespmem:$0x7800] =	vst v63  }
0x15f: {  	p1 =	slt.s32 s7, s6;
	s24 =	sadd.s32 s2, s22;
	s25 =	smov.u32 s6  }
0x160: {  	s26 =	spop (v2sf);
	s25 =	smov.u32 @p0 s0;
	s0 =	sadd.s32 $0xC40, s3  }
0x161: {  	[hbm4b:s24+s4] =	stream.linear.scatter [tilespmem:s26], [sflag:$0x5], $0x100, $0x38;
	[tilespmem:$0x7800] =	vst v63  }
0x162: {  	s2 =	sadd.s32 s2, s23;
	s8 =	smov.u32 s6;
	p0 =	slt.s32 s0, s6  }
0x163: {  	s24 =	spop (v2sf);
	s8 =	smov.u32 @p0 s0;
	s0 =	smov.u32 s6  }
0x164: {  	[hbm4b:s2+s4] =	stream.linear.scatter [tilespmem:s24], [sflag:$0x5], $0x100, $0x38;
	[tilespmem:$0x7800] =	vst v63  }
0x165: {  	s31 =	smov.u32 s6;
	s2 =	sadd.s32 $0xC50, s3;
	s0 =	smov.u32 @p1 s7  }
0x166: {  	s7 =	sadd.s32 $0xC70, s3;
	s24 =	sshrl.u32 s25, $0x3;
	s8 =	sshll.u32 s8, $0x5  }
0x167: {  	s3 =	smov.u32 s6;
	p0 =	slt.s32 s2, s6;
	s25 =	sand.u32 $0x1FFFFE00, s8  }
0x168: {  	s31 =	smov.u32 @p0 s2;
	p0 =	slt.s32 s7, s6;
	s2 =	simm.s32 $0xFFFFF420  }
0x169: {  	s3 =	smov.u32 @p0 s7;
	s7 =	sshrl.u32 s0, $0x3;
	s26 =	sshll.u32 s31, $0x5  }
0x16a: {  	s31 =	sadd.s32 s1, s24;
	s0 =	sand.u32 $0x1FFFFE00, s26;
	s3 =	sshrl.u32 s3, $0x3  }
.LBB2_2:
0x16b: {  	s1 =	simm.s32 $0x7788;
	s24 =	simm.s32 $0x2  }
0x16c: {  	[tilespmem:s1], [sflag:$0x3] =	stream.linear.gather [hbm4b:s31+s4], $0x10, $0x38;
	[tilespmem:$0x7800] =	vst v63  }
0x16d: {  	_ =	swait.ge [sflag:s24], $0x10  }
0x16e: {  	[sflag:s24] =	ssyncset.done $0x0  }
0x16f: {  	[sflag:s24] =	ssyncadd.s32 $0xFFFFFFF0  }
0x170: {  	_ =	swait.ge [sflag:s29], $0x100  }
0x171: {  	[sflag:s29] =	ssyncset.done $0x0  }
0x172: {  	[sflag:s29] =	ssyncadd.s32 $0xFFFFFF00  }
0x173: {  	_ =	swait.ge [sflag:s29], $0x100  }
0x174: {  	[sflag:s29] =	ssyncset.done $0x0  }
0x175: {  	[sflag:s29] =	ssyncadd.s32 $0xFFFFFF00  }
0x176: {  	_ =	swait.ge [sflag:s29], $0x100  }
0x177: {  	[sflag:s29] =	ssyncset.done $0x0  }
0x178: {  	[sflag:s29] =	ssyncadd.s32 $0xFFFFFF00  }
0x179: {  	_ =	swait.ge [sflag:s29], $0x100  }
0x17a: {  	[sflag:s29] =	ssyncset.done $0x0  }
0x17b: {  	[sflag:s29] =	ssyncadd.s32 $0xFFFFFF00  }
0x17c: {  	_ =	swait.ge [sflag:s29], $0x100  }
0x17d: {  	[sflag:s29] =	ssyncset.done $0x0  }
0x17e: {  	[sflag:s29] =	ssyncadd.s32 $0xFFFFFF00  }
0x17f: {  	_ =	swait.ge [sflag:s29], $0x100  }
0x180: {  	[sflag:s29] =	ssyncset.done $0x0  }
0x181: {  	[sflag:s29] =	ssyncadd.s32 $0xFFFFFF00  }
0x182: {  	_ =	swait.ge [sflag:s29], $0x100  }
0x183: {  	[sflag:s29] =	ssyncset.done $0x0  }
0x184: {  	[sflag:s29] =	ssyncadd.s32 $0xFFFFFF00  }
0x185: {  	_ =	swait.ge [sflag:s29], $0x100  }
0x186: {  	[sflag:s29] =	ssyncset.done $0x0  }
0x187: {  	[sflag:s29] =	ssyncadd.s32 $0xFFFFFF00  }
0x188: {  	_ =	swait.ge [sflag:s29], $0x100  }
0x189: {  	[sflag:s29] =	ssyncset.done $0x0  }
0x18a: {  	[sflag:s29] =	ssyncadd.s32 $0xFFFFFF00  }
0x18b: {  	_ =	swait.ge [sflag:s29], $0x100  }
0x18c: {  	[sflag:s29] =	ssyncset.done $0x0  }
0x18d: {  	[sflag:s29] =	ssyncadd.s32 $0xFFFFFF00  }
0x18e: {  	_ =	swait.ge [sflag:s29], $0x100  }
0x18f: {  	[sflag:s29] =	ssyncset.done $0x0  }
0x190: {  	[sflag:s29] =	ssyncadd.s32 $0xFFFFFF00  }
0x191: {  	_ =	swait.ge [sflag:s29], $0x100  }
0x192: {  	[sflag:s29] =	ssyncset.done $0x0  }
0x193: {  	[sflag:s29] =	ssyncadd.s32 $0xFFFFFF00  }
0x194: {  	_ =	swait.ge [sflag:s29], $0x100  }
0x195: {  	[sflag:s29] =	ssyncset.done $0x0  }
0x196: {  	[sflag:s29] =	ssyncadd.s32 $0xFFFFFF00  }
0x197: {  	_ =	swait.ge [sflag:s29], $0x100  }
0x198: {  	[sflag:s29] =	ssyncset.done $0x0  }
0x199: {  	[sflag:s29] =	ssyncadd.s32 $0xFFFFFF00  }
0x19a: {  	_ =	swait.ge [sflag:s29], $0x100  }
0x19b: {  	[sflag:s29] =	ssyncset.done $0x0  }
0x19c: {  	[sflag:s29] =	ssyncadd.s32 $0xFFFFFF00  }
0x19d: {  	_ =	swait.ge [sflag:s29], $0x100  }
0x19e: {  	[sflag:s29] =	ssyncset.done $0x0  }
0x19f: {  	[sflag:s29] =	ssyncadd.s32 $0xFFFFFF00  }
0x1a0: {  	v0 =	vld [tilespmem:$0x7708];
	_ =	sdelay $0x4  }
0x1a1: {  	v0 =	vshll.u32 v0, $0xA  }
0x1a2: {  	v0 =	vshra.s32 v0, $0x2  }
0x1a3: {  	(v2sf) =	vpush v0, $0x0;
	_ =	sdelay $0x1  }
0x1a4: {  	(v2sf) =	vpush v0, $0x1;
	_ =	sdelay $0x1  }
0x1a5: {  	(v2sf) =	vpush v0, $0x2;
	_ =	sdelay $0x1  }
0x1a6: {  	(v2sf) =	vpush v0, $0x3;
	_ =	sdelay $0x1  }
0x1a7: {  	(v2sf) =	vpush v0, $0x4;
	_ =	sdelay $0x1  }
0x1a8: {  	(v2sf) =	vpush v0, $0x5;
	_ =	sdelay $0x1  }
0x1a9: {  	(v2sf) =	vpush v0, $0x6;
	_ =	sdelay $0x1  }
0x1aa: {  	(v2sf) =	vpush v0, $0x7  }
0x1ab: {  	s8 =	sadd.s32 s5, s25;
	s24 =	spop (v2sf)  }
0x1ac: {  	(v2sf) =	vpush v0, $0x8;
	[hbm4b:s8+s4] =	stream.linear.scatter [tilespmem:s24], [sflag:$0x4], $0x100, $0x38;
	[tilespmem:$0x7800] =	vst v63  }
0x1ad: {  	s26 =	sadd.s32 s25, s9;
	s1 =	spop (v2sf)  }
0x1ae: {  	(v2sf) =	vpush v0, $0x9;
	[hbm4b:s26+s4] =	stream.linear.scatter [tilespmem:s1], [sflag:$0x4], $0x100, $0x38;
	[tilespmem:$0x7800] =	vst v63  }
0x1af: {  	s26 =	sadd.s32 s25, s10;
	s1 =	spop (v2sf)  }
0x1b0: {  	(v2sf) =	vpush v0, $0xA;
	[hbm4b:s26+s4] =	stream.linear.scatter [tilespmem:s1], [sflag:$0x4], $0x100, $0x38;
	[tilespmem:$0x7800] =	vst v63  }
0x1b1: {  	s26 =	sadd.s32 s25, s11;
	s1 =	spop (v2sf)  }
0x1b2: {  	(v2sf) =	vpush v0, $0xB;
	[hbm4b:s26+s4] =	stream.linear.scatter [tilespmem:s1], [sflag:$0x4], $0x100, $0x38;
	[tilespmem:$0x7800] =	vst v63  }
0x1b3: {  	s26 =	sadd.s32 s25, s12;
	s1 =	spop (v2sf)  }
0x1b4: {  	(v2sf) =	vpush v0, $0xC;
	[hbm4b:s26+s4] =	stream.linear.scatter [tilespmem:s1], [sflag:$0x4], $0x100, $0x38;
	[tilespmem:$0x7800] =	vst v63  }
0x1b5: {  	s26 =	sadd.s32 s25, s13;
	s1 =	spop (v2sf)  }
0x1b6: {  	(v2sf) =	vpush v0, $0xD;
	[hbm4b:s26+s4] =	stream.linear.scatter [tilespmem:s1], [sflag:$0x4], $0x100, $0x38;
	[tilespmem:$0x7800] =	vst v63  }
0x1b7: {  	s26 =	sadd.s32 s25, s14;
	s1 =	spop (v2sf)  }
0x1b8: {  	(v2sf) =	vpush v0, $0xE;
	[hbm4b:s26+s4] =	stream.linear.scatter [tilespmem:s1], [sflag:$0x4], $0x100, $0x38;
	[tilespmem:$0x7800] =	vst v63  }
0x1b9: {  	s26 =	sadd.s32 s25, s15;
	s1 =	spop (v2sf)  }
0x1ba: {  	(v2sf) =	vpush v0, $0xF;
	[hbm4b:s26+s4] =	stream.linear.scatter [tilespmem:s1], [sflag:$0x4], $0x100, $0x38;
	[tilespmem:$0x7800] =	vst v63  }
0x1bb: {  	s26 =	sadd.s32 s25, s16;
	s1 =	spop (v2sf)  }
0x1bc: {  	[hbm4b:s26+s4] =	stream.linear.scatter [tilespmem:s1], [sflag:$0x4], $0x100, $0x38;
	[tilespmem:$0x7800] =	vst v63  }
0x1bd: {  	s26 =	sadd.s32 s25, s17;
	s1 =	spop (v2sf)  }
0x1be: {  	[hbm4b:s26+s4] =	stream.linear.scatter [tilespmem:s1], [sflag:$0x4], $0x100, $0x38;
	[tilespmem:$0x7800] =	vst v63  }
0x1bf: {  	s26 =	sadd.s32 s25, s18;
	s1 =	spop (v2sf)  }
0x1c0: {  	[hbm4b:s26+s4] =	stream.linear.scatter [tilespmem:s1], [sflag:$0x4], $0x100, $0x38;
	[tilespmem:$0x7800] =	vst v63  }
0x1c1: {  	s26 =	sadd.s32 s25, s19;
	s1 =	spop (v2sf)  }
0x1c2: {  	[hbm4b:s26+s4] =	stream.linear.scatter [tilespmem:s1], [sflag:$0x4], $0x100, $0x38;
	[tilespmem:$0x7800] =	vst v63  }
0x1c3: {  	s26 =	sadd.s32 s25, s20;
	s1 =	spop (v2sf)  }
0x1c4: {  	[hbm4b:s26+s4] =	stream.linear.scatter [tilespmem:s1], [sflag:$0x4], $0x100, $0x38;
	[tilespmem:$0x7800] =	vst v63  }
0x1c5: {  	s26 =	sadd.s32 s25, s21;
	s1 =	spop (v2sf)  }
0x1c6: {  	[hbm4b:s26+s4] =	stream.linear.scatter [tilespmem:s1], [sflag:$0x4], $0x100, $0x38;
	[tilespmem:$0x7800] =	vst v63  }
0x1c7: {  	s26 =	sadd.s32 s25, s22;
	s1 =	spop (v2sf)  }
0x1c8: {  	[hbm4b:s26+s4] =	stream.linear.scatter [tilespmem:s1], [sflag:$0x4], $0x100, $0x38;
	[tilespmem:$0x7800] =	vst v63  }
0x1c9: {  	s26 =	sadd.s32 s25, s23;
	s1 =	spop (v2sf)  }
0x1ca: {  	[hbm4b:s26+s4] =	stream.linear.scatter [tilespmem:s1], [sflag:$0x4], $0x100, $0x38;
	[tilespmem:$0x7800] =	vst v63  }
0x1cb: {  	s26 =	rddreg [dreg:$0x0]  }
0x1cc: {  	s24 =	simm.s32 $0x7708;
	s7 =	sadd.s32 s26, s7  }
0x1cd: {  	[tilespmem:s24], [sflag:$0x2] =	stream.linear.gather [hbm4b:s7+s4], $0x10, $0x38;
	[tilespmem:$0x7800] =	vst v63  }
0x1ce: {  	_ =	swait.ge [sflag:s28], $0x10  }
0x1cf: {  	[sflag:s28] =	ssyncset.done $0x0  }
0x1d0: {  	[sflag:s28] =	ssyncadd.s32 $0xFFFFFFF0  }
0x1d1: {  	_ =	swait.ge [sflag:s30], $0x100  }
0x1d2: {  	[sflag:s30] =	ssyncset.done $0x0  }
0x1d3: {  	[sflag:s30] =	ssyncadd.s32 $0xFFFFFF00  }
0x1d4: {  	_ =	swait.ge [sflag:s30], $0x100  }
0x1d5: {  	[sflag:s30] =	ssyncset.done $0x0  }
0x1d6: {  	[sflag:s30] =	ssyncadd.s32 $0xFFFFFF00  }
0x1d7: {  	_ =	swait.ge [sflag:s30], $0x100  }
0x1d8: {  	[sflag:s30] =	ssyncset.done $0x0  }
0x1d9: {  	[sflag:s30] =	ssyncadd.s32 $0xFFFFFF00  }
0x1da: {  	_ =	swait.ge [sflag:s30], $0x100  }
0x1db: {  	[sflag:s30] =	ssyncset.done $0x0  }
0x1dc: {  	[sflag:s30] =	ssyncadd.s32 $0xFFFFFF00  }
0x1dd: {  	_ =	swait.ge [sflag:s30], $0x100  }
0x1de: {  	[sflag:s30] =	ssyncset.done $0x0  }
0x1df: {  	[sflag:s30] =	ssyncadd.s32 $0xFFFFFF00  }
0x1e0: {  	_ =	swait.ge [sflag:s30], $0x100  }
0x1e1: {  	[sflag:s30] =	ssyncset.done $0x0  }
0x1e2: {  	[sflag:s30] =	ssyncadd.s32 $0xFFFFFF00  }
0x1e3: {  	_ =	swait.ge [sflag:s30], $0x100  }
0x1e4: {  	[sflag:s30] =	ssyncset.done $0x0  }
0x1e5: {  	[sflag:s30] =	ssyncadd.s32 $0xFFFFFF00  }
0x1e6: {  	_ =	swait.ge [sflag:s30], $0x100  }
0x1e7: {  	[sflag:s30] =	ssyncset.done $0x0  }
0x1e8: {  	[sflag:s30] =	ssyncadd.s32 $0xFFFFFF00  }
0x1e9: {  	_ =	swait.ge [sflag:s30], $0x100  }
0x1ea: {  	[sflag:s30] =	ssyncset.done $0x0  }
0x1eb: {  	[sflag:s30] =	ssyncadd.s32 $0xFFFFFF00  }
0x1ec: {  	_ =	swait.ge [sflag:s30], $0x100  }
0x1ed: {  	[sflag:s30] =	ssyncset.done $0x0  }
0x1ee: {  	[sflag:s30] =	ssyncadd.s32 $0xFFFFFF00  }
0x1ef: {  	_ =	swait.ge [sflag:s30], $0x100  }
0x1f0: {  	[sflag:s30] =	ssyncset.done $0x0  }
0x1f1: {  	[sflag:s30] =	ssyncadd.s32 $0xFFFFFF00  }
0x1f2: {  	_ =	swait.ge [sflag:s30], $0x100  }
0x1f3: {  	[sflag:s30] =	ssyncset.done $0x0  }
0x1f4: {  	[sflag:s30] =	ssyncadd.s32 $0xFFFFFF00  }
0x1f5: {  	_ =	swait.ge [sflag:s30], $0x100  }
0x1f6: {  	[sflag:s30] =	ssyncset.done $0x0  }
0x1f7: {  	[sflag:s30] =	ssyncadd.s32 $0xFFFFFF00  }
0x1f8: {  	_ =	swait.ge [sflag:s30], $0x100  }
0x1f9: {  	[sflag:s30] =	ssyncset.done $0x0  }
0x1fa: {  	[sflag:s30] =	ssyncadd.s32 $0xFFFFFF00  }
0x1fb: {  	_ =	swait.ge [sflag:s30], $0x100  }
0x1fc: {  	[sflag:s30] =	ssyncset.done $0x0  }
0x1fd: {  	[sflag:s30] =	ssyncadd.s32 $0xFFFFFF00  }
0x1fe: {  	_ =	swait.ge [sflag:s30], $0x100  }
0x1ff: {  	[sflag:s30] =	ssyncset.done $0x0  }
0x200: {  	[sflag:s30] =	ssyncadd.s32 $0xFFFFFF00  }
0x201: {  	v63 =	vld [tilespmem:$0x7788];
	_ =	sdelay $0x4  }
0x202: {  	v0 =	vshll.u32 v63, $0xA  }
0x203: {  	v0 =	vshra.s32 v0, $0x2  }
0x204: {  	(v2sf) =	vpush v0, $0x0;
	_ =	sdelay $0x1  }
0x205: {  	(v2sf) =	vpush v0, $0x1;
	_ =	sdelay $0x1  }
0x206: {  	(v2sf) =	vpush v0, $0x2  }
0x207: {  	s31 =	smov.u32 s2;
	s25 =	rddreg [dreg:$0x4]  }
0x208: {  	s7 =	sadd.s32 s31, s25;
	(v2sf) =	vpush v0, $0x3  }
0x209: {  	s31 =	smov.u32 s6;
	s8 =	sadd.s32 $0xC40, s7  }
0x20a: {  	s24 =	sadd.s32 $0xC60, s7;
	s25 =	sadd.s32 $0xC50, s7;
	p1 =	slt.s32 s8, s6;
	(v2sf) =	vpush v0, $0x4  }
0x20b: {  	p2 =	slt.s32 s24, s6;
	s31 =	smov.u32 @p1 s8;
	s8 =	smov.u32 s6  }
0x20c: {  	p3 =	slt.s32 s25, s6;
	s8 =	smov.u32 @p2 s24;
	(v2sf) =	vpush v0, $0x5  }
0x20d: {  	s24 =	sadd.s32 $0xC70, s7;
	s7 =	sshrl.u32 s8, $0x3;
	s8 =	smov.u32 s6  }
0x20e: {  	s8 =	smov.u32 @p3 s25;
	(v2sf) =	vpush v0, $0x6  }
0x20f: {  	s31 =	sshll.u32 s31, $0x5;
	p1 =	slt.s32 s24, s6;
	s8 =	sshll.u32 s8, $0x5  }
0x210: {  	s25 =	sand.u32 $0x1FFFFE00, s31;
	s31 =	sand.u32 $0x1FFFFE00, s8;
	s8 =	smov.u32 s6;
	(v2sf) =	vpush v0, $0x7  }
0x211: {  	s8 =	smov.u32 @p1 s24;
	s24 =	sadd.s32 s5, s0;
	s1 =	spop (v2sf)  }
0x212: {  	(v2sf) =	vpush v0, $0x8;
	[hbm4b:s24+s4] =	stream.linear.scatter [tilespmem:s1], [sflag:$0x5], $0x100, $0x38;
	[tilespmem:$0x7800] =	vst v63  }
0x213: {  	s1 =	sadd.s32 s0, s9;
	s24 =	spop (v2sf)  }
0x214: {  	(v2sf) =	vpush v0, $0x9;
	[hbm4b:s1+s4] =	stream.linear.scatter [tilespmem:s24], [sflag:$0x5], $0x100, $0x38;
	[tilespmem:$0x7800] =	vst v63  }
0x215: {  	s1 =	sadd.s32 s0, s10;
	s24 =	spop (v2sf)  }
0x216: {  	(v2sf) =	vpush v0, $0xA;
	[hbm4b:s1+s4] =	stream.linear.scatter [tilespmem:s24], [sflag:$0x5], $0x100, $0x38;
	[tilespmem:$0x7800] =	vst v63  }
0x217: {  	s1 =	sadd.s32 s0, s11;
	s24 =	spop (v2sf)  }
0x218: {  	(v2sf) =	vpush v0, $0xB;
	[hbm4b:s1+s4] =	stream.linear.scatter [tilespmem:s24], [sflag:$0x5], $0x100, $0x38;
	[tilespmem:$0x7800] =	vst v63  }
0x219: {  	s1 =	sadd.s32 s0, s12;
	s24 =	spop (v2sf)  }
0x21a: {  	(v2sf) =	vpush v0, $0xC;
	[hbm4b:s1+s4] =	stream.linear.scatter [tilespmem:s24], [sflag:$0x5], $0x100, $0x38;
	[tilespmem:$0x7800] =	vst v63  }
0x21b: {  	s1 =	sadd.s32 s0, s13;
	s24 =	spop (v2sf)  }
0x21c: {  	(v2sf) =	vpush v0, $0xD;
	[hbm4b:s1+s4] =	stream.linear.scatter [tilespmem:s24], [sflag:$0x5], $0x100, $0x38;
	[tilespmem:$0x7800] =	vst v63  }
0x21d: {  	s1 =	sadd.s32 s0, s14;
	s24 =	spop (v2sf)  }
0x21e: {  	(v2sf) =	vpush v0, $0xE;
	[hbm4b:s1+s4] =	stream.linear.scatter [tilespmem:s24], [sflag:$0x5], $0x100, $0x38;
	[tilespmem:$0x7800] =	vst v63  }
0x21f: {  	s1 =	sadd.s32 s0, s15;
	s24 =	spop (v2sf)  }
0x220: {  	(v2sf) =	vpush v0, $0xF;
	[hbm4b:s1+s4] =	stream.linear.scatter [tilespmem:s24], [sflag:$0x5], $0x100, $0x38;
	[tilespmem:$0x7800] =	vst v63  }
0x221: {  	s1 =	sadd.s32 s0, s16;
	s24 =	spop (v2sf)  }
0x222: {  	[hbm4b:s1+s4] =	stream.linear.scatter [tilespmem:s24], [sflag:$0x5], $0x100, $0x38;
	[tilespmem:$0x7800] =	vst v63  }
0x223: {  	s1 =	sadd.s32 s0, s17;
	s24 =	spop (v2sf)  }
0x224: {  	[hbm4b:s1+s4] =	stream.linear.scatter [tilespmem:s24], [sflag:$0x5], $0x100, $0x38;
	[tilespmem:$0x7800] =	vst v63  }
0x225: {  	s1 =	sadd.s32 s0, s18;
	s24 =	spop (v2sf)  }
0x226: {  	[hbm4b:s1+s4] =	stream.linear.scatter [tilespmem:s24], [sflag:$0x5], $0x100, $0x38;
	[tilespmem:$0x7800] =	vst v63  }
0x227: {  	s1 =	sadd.s32 s0, s19;
	s24 =	spop (v2sf)  }
0x228: {  	[hbm4b:s1+s4] =	stream.linear.scatter [tilespmem:s24], [sflag:$0x5], $0x100, $0x38;
	[tilespmem:$0x7800] =	vst v63  }
0x229: {  	p0 =	sne.s32 s2, $0xFFFFFFE0;
	s1 =	sadd.s32 s0, s20;
	s24 =	spop (v2sf)  }
0x22a: {  	[hbm4b:s1+s4] =	stream.linear.scatter [tilespmem:s24], [sflag:$0x5], $0x100, $0x38;
	[tilespmem:$0x7800] =	vst v63  }
0x22b: {  	s2 =	sadd.s32 $0x20, s2;
	s1 =	sadd.s32 s0, s21;
	s24 =	spop (v2sf)  }
0x22c: {  	[hbm4b:s1+s4] =	stream.linear.scatter [tilespmem:s24], [sflag:$0x5], $0x100, $0x38;
	[tilespmem:$0x7800] =	vst v63  }
.Ltmp0:
0x22d: {  	s1 =	sadd.s32 s0, s22;
	s24 =	spop (v2sf);
	(pc) =	sbr.rel @p0 .LBB2_2-.Ltmp0, $4  }
0x22e: {  	[hbm4b:s1+s4] =	stream.linear.scatter [tilespmem:s24], [sflag:$0x5], $0x100, $0x38;
	[tilespmem:$0x7800] =	vst v63  }
0x22f: {  	s8 =	sshrl.u32 s8, $0x3;
	s1 =	sadd.s32 s0, s23;
	s24 =	spop (v2sf)  }
0x230: {  	s0 =	smov.u32 s31;
	s31 =	sadd.s32 s26, s3;
	s3 =	smov.u32 s8  }
0x231: {  	[hbm4b:s1+s4] =	stream.linear.scatter [tilespmem:s24], [sflag:$0x5], $0x100, $0x38;
	[tilespmem:$0x7800] =	vst v63  }
0x232: {  	s24 =	simm.s32 $0x7788;
	s26 =	simm.s32 $0x2  }
0x233: {  	[tilespmem:s24], [sflag:$0x3] =	stream.linear.gather [hbm4b:s31+s4], $0x10, $0x38;
	[tilespmem:$0x7800] =	vst v63  }
0x234: {  	_ =	swait.ge [sflag:s26], $0x10  }
0x235: {  	[sflag:s26] =	ssyncset.done $0x0  }
0x236: {  	[sflag:s26] =	ssyncadd.s32 $0xFFFFFFF0  }
0x237: {  	_ =	swait.ge [sflag:s29], $0x100  }
0x238: {  	[sflag:s29] =	ssyncset.done $0x0  }
0x239: {  	[sflag:s29] =	ssyncadd.s32 $0xFFFFFF00  }
0x23a: {  	_ =	swait.ge [sflag:s29], $0x100  }
0x23b: {  	[sflag:s29] =	ssyncset.done $0x0  }
0x23c: {  	[sflag:s29] =	ssyncadd.s32 $0xFFFFFF00  }
0x23d: {  	_ =	swait.ge [sflag:s29], $0x100  }
0x23e: {  	[sflag:s29] =	ssyncset.done $0x0  }
0x23f: {  	[sflag:s29] =	ssyncadd.s32 $0xFFFFFF00  }
0x240: {  	_ =	swait.ge [sflag:s29], $0x100  }
0x241: {  	[sflag:s29] =	ssyncset.done $0x0  }
0x242: {  	[sflag:s29] =	ssyncadd.s32 $0xFFFFFF00  }
0x243: {  	_ =	swait.ge [sflag:s29], $0x100  }
0x244: {  	[sflag:s29] =	ssyncset.done $0x0  }
0x245: {  	[sflag:s29] =	ssyncadd.s32 $0xFFFFFF00  }
0x246: {  	_ =	swait.ge [sflag:s29], $0x100  }
0x247: {  	[sflag:s29] =	ssyncset.done $0x0  }
0x248: {  	[sflag:s29] =	ssyncadd.s32 $0xFFFFFF00  }
0x249: {  	_ =	swait.ge [sflag:s29], $0x100  }
0x24a: {  	[sflag:s29] =	ssyncset.done $0x0  }
0x24b: {  	[sflag:s29] =	ssyncadd.s32 $0xFFFFFF00  }
0x24c: {  	_ =	swait.ge [sflag:s29], $0x100  }
0x24d: {  	[sflag:s29] =	ssyncset.done $0x0  }
0x24e: {  	[sflag:s29] =	ssyncadd.s32 $0xFFFFFF00  }
0x24f: {  	_ =	swait.ge [sflag:s29], $0x100  }
0x250: {  	[sflag:s29] =	ssyncset.done $0x0  }
0x251: {  	[sflag:s29] =	ssyncadd.s32 $0xFFFFFF00  }
0x252: {  	_ =	swait.ge [sflag:s29], $0x100  }
0x253: {  	[sflag:s29] =	ssyncset.done $0x0  }
0x254: {  	[sflag:s29] =	ssyncadd.s32 $0xFFFFFF00  }
0x255: {  	_ =	swait.ge [sflag:s29], $0x100  }
0x256: {  	[sflag:s29] =	ssyncset.done $0x0  }
0x257: {  	[sflag:s29] =	ssyncadd.s32 $0xFFFFFF00  }
0x258: {  	_ =	swait.ge [sflag:s29], $0x100  }
0x259: {  	[sflag:s29] =	ssyncset.done $0x0  }
0x25a: {  	[sflag:s29] =	ssyncadd.s32 $0xFFFFFF00  }
0x25b: {  	_ =	swait.ge [sflag:s29], $0x100  }
0x25c: {  	[sflag:s29] =	ssyncset.done $0x0  }
0x25d: {  	[sflag:s29] =	ssyncadd.s32 $0xFFFFFF00  }
0x25e: {  	_ =	swait.ge [sflag:s29], $0x100  }
0x25f: {  	[sflag:s29] =	ssyncset.done $0x0  }
0x260: {  	[sflag:s29] =	ssyncadd.s32 $0xFFFFFF00  }
0x261: {  	_ =	swait.ge [sflag:s29], $0x100  }
0x262: {  	[sflag:s29] =	ssyncset.done $0x0  }
0x263: {  	[sflag:s29] =	ssyncadd.s32 $0xFFFFFF00  }
0x264: {  	_ =	swait.ge [sflag:s29], $0x100  }
0x265: {  	[sflag:s29] =	ssyncset.done $0x0  }
0x266: {  	[sflag:s29] =	ssyncadd.s32 $0xFFFFFF00  }
0x267: {  	v0 =	vld [tilespmem:$0x7708];
	_ =	sdelay $0x4  }
0x268: {  	v0 =	vshll.u32 v0, $0xA  }
0x269: {  	v0 =	vshra.s32 v0, $0x2  }
0x26a: {  	(v2sf) =	vpush v0, $0x0;
	_ =	sdelay $0x1  }
0x26b: {  	(v2sf) =	vpush v0, $0x1;
	_ =	sdelay $0x1  }
0x26c: {  	(v2sf) =	vpush v0, $0x2;
	_ =	sdelay $0x1  }
0x26d: {  	(v2sf) =	vpush v0, $0x3;
	_ =	sdelay $0x1  }
0x26e: {  	(v2sf) =	vpush v0, $0x4;
	_ =	sdelay $0x1  }
0x26f: {  	(v2sf) =	vpush v0, $0x5;
	_ =	sdelay $0x1  }
0x270: {  	(v2sf) =	vpush v0, $0x6;
	_ =	sdelay $0x1  }
0x271: {  	(v2sf) =	vpush v0, $0x7  }
0x272: {  	s1 =	sadd.s32 s5, s25;
	s2 =	spop (v2sf)  }
0x273: {  	(v2sf) =	vpush v0, $0x8;
	[hbm4b:s1+s4] =	stream.linear.scatter [tilespmem:s2], [sflag:$0x4], $0x100, $0x38;
	[tilespmem:$0x7800] =	vst v63  }
0x274: {  	s8 =	sadd.s32 s25, s9;
	s31 =	spop (v2sf)  }
0x275: {  	(v2sf) =	vpush v0, $0x9;
	[hbm4b:s8+s4] =	stream.linear.scatter [tilespmem:s31], [sflag:$0x4], $0x100, $0x38;
	[tilespmem:$0x7800] =	vst v63  }
0x276: {  	s8 =	sadd.s32 s25, s10;
	s31 =	spop (v2sf)  }
0x277: {  	(v2sf) =	vpush v0, $0xA;
	[hbm4b:s8+s4] =	stream.linear.scatter [tilespmem:s31], [sflag:$0x4], $0x100, $0x38;
	[tilespmem:$0x7800] =	vst v63  }
0x278: {  	s8 =	sadd.s32 s25, s11;
	s31 =	spop (v2sf)  }
0x279: {  	(v2sf) =	vpush v0, $0xB;
	[hbm4b:s8+s4] =	stream.linear.scatter [tilespmem:s31], [sflag:$0x4], $0x100, $0x38;
	[tilespmem:$0x7800] =	vst v63  }
0x27a: {  	s8 =	sadd.s32 s25, s12;
	s31 =	spop (v2sf)  }
0x27b: {  	(v2sf) =	vpush v0, $0xC;
	[hbm4b:s8+s4] =	stream.linear.scatter [tilespmem:s31], [sflag:$0x4], $0x100, $0x38;
	[tilespmem:$0x7800] =	vst v63  }
0x27c: {  	s8 =	sadd.s32 s25, s13;
	s31 =	spop (v2sf)  }
0x27d: {  	(v2sf) =	vpush v0, $0xD;
	[hbm4b:s8+s4] =	stream.linear.scatter [tilespmem:s31], [sflag:$0x4], $0x100, $0x38;
	[tilespmem:$0x7800] =	vst v63  }
0x27e: {  	s8 =	sadd.s32 s25, s14;
	s31 =	spop (v2sf)  }
0x27f: {  	(v2sf) =	vpush v0, $0xE;
	[hbm4b:s8+s4] =	stream.linear.scatter [tilespmem:s31], [sflag:$0x4], $0x100, $0x38;
	[tilespmem:$0x7800] =	vst v63  }
0x280: {  	s8 =	sadd.s32 s25, s15;
	s31 =	spop (v2sf)  }
0x281: {  	(v2sf) =	vpush v0, $0xF;
	[hbm4b:s8+s4] =	stream.linear.scatter [tilespmem:s31], [sflag:$0x4], $0x100, $0x38;
	[tilespmem:$0x7800] =	vst v63  }
0x282: {  	s8 =	sadd.s32 s25, s16;
	s31 =	spop (v2sf)  }
0x283: {  	[hbm4b:s8+s4] =	stream.linear.scatter [tilespmem:s31], [sflag:$0x4], $0x100, $0x38;
	[tilespmem:$0x7800] =	vst v63  }
0x284: {  	s8 =	sadd.s32 s25, s17;
	s31 =	spop (v2sf)  }
0x285: {  	[hbm4b:s8+s4] =	stream.linear.scatter [tilespmem:s31], [sflag:$0x4], $0x100, $0x38;
	[tilespmem:$0x7800] =	vst v63  }
0x286: {  	s8 =	sadd.s32 s25, s18;
	s31 =	spop (v2sf)  }
0x287: {  	[hbm4b:s8+s4] =	stream.linear.scatter [tilespmem:s31], [sflag:$0x4], $0x100, $0x38;
	[tilespmem:$0x7800] =	vst v63  }
0x288: {  	s8 =	sadd.s32 s25, s19;
	s31 =	spop (v2sf)  }
0x289: {  	[hbm4b:s8+s4] =	stream.linear.scatter [tilespmem:s31], [sflag:$0x4], $0x100, $0x38;
	[tilespmem:$0x7800] =	vst v63  }
0x28a: {  	s8 =	sadd.s32 s25, s20;
	s31 =	spop (v2sf)  }
0x28b: {  	[hbm4b:s8+s4] =	stream.linear.scatter [tilespmem:s31], [sflag:$0x4], $0x100, $0x38;
	[tilespmem:$0x7800] =	vst v63  }
0x28c: {  	s8 =	sadd.s32 s25, s21;
	s31 =	spop (v2sf)  }
0x28d: {  	[hbm4b:s8+s4] =	stream.linear.scatter [tilespmem:s31], [sflag:$0x4], $0x100, $0x38;
	[tilespmem:$0x7800] =	vst v63  }
0x28e: {  	s2 =	sadd.s32 s25, s22;
	s8 =	spop (v2sf)  }
0x28f: {  	[hbm4b:s2+s4] =	stream.linear.scatter [tilespmem:s8], [sflag:$0x4], $0x100, $0x38;
	[tilespmem:$0x7800] =	vst v63  }
0x290: {  	s25 =	sadd.s32 s25, s23;
	s31 =	spop (v2sf);
	s8 =	rddreg [dreg:$0x0]  }
0x291: {  	[hbm4b:s25+s4] =	stream.linear.scatter [tilespmem:s31], [sflag:$0x4], $0x100, $0x38;
	[tilespmem:$0x7800] =	vst v63  }
0x292: {  	s2 =	sadd.s32 s8, s7;
	s7 =	simm.s32 $0x7708  }
0x293: {  	[tilespmem:s7], [sflag:$0x2] =	stream.linear.gather [hbm4b:s2+s4], $0x10, $0x38;
	[tilespmem:$0x7800] =	vst v63  }
0x294: {  	_ =	swait.ge [sflag:s28], $0x10  }
0x295: {  	[sflag:s28] =	ssyncset.done $0x0  }
0x296: {  	[sflag:s28] =	ssyncadd.s32 $0xFFFFFFF0  }
0x297: {  	_ =	swait.ge [sflag:s30], $0x100  }
0x298: {  	[sflag:s30] =	ssyncset.done $0x0  }
0x299: {  	[sflag:s30] =	ssyncadd.s32 $0xFFFFFF00  }
0x29a: {  	_ =	swait.ge [sflag:s30], $0x100  }
0x29b: {  	[sflag:s30] =	ssyncset.done $0x0  }
0x29c: {  	[sflag:s30] =	ssyncadd.s32 $0xFFFFFF00  }
0x29d: {  	_ =	swait.ge [sflag:s30], $0x100  }
0x29e: {  	[sflag:s30] =	ssyncset.done $0x0  }
0x29f: {  	[sflag:s30] =	ssyncadd.s32 $0xFFFFFF00  }
0x2a0: {  	_ =	swait.ge [sflag:s30], $0x100  }
0x2a1: {  	[sflag:s30] =	ssyncset.done $0x0  }
0x2a2: {  	[sflag:s30] =	ssyncadd.s32 $0xFFFFFF00  }
0x2a3: {  	_ =	swait.ge [sflag:s30], $0x100  }
0x2a4: {  	[sflag:s30] =	ssyncset.done $0x0  }
0x2a5: {  	[sflag:s30] =	ssyncadd.s32 $0xFFFFFF00  }
0x2a6: {  	_ =	swait.ge [sflag:s30], $0x100  }
0x2a7: {  	[sflag:s30] =	ssyncset.done $0x0  }
0x2a8: {  	[sflag:s30] =	ssyncadd.s32 $0xFFFFFF00  }
0x2a9: {  	_ =	swait.ge [sflag:s30], $0x100  }
0x2aa: {  	[sflag:s30] =	ssyncset.done $0x0  }
0x2ab: {  	[sflag:s30] =	ssyncadd.s32 $0xFFFFFF00  }
0x2ac: {  	_ =	swait.ge [sflag:s30], $0x100  }
0x2ad: {  	[sflag:s30] =	ssyncset.done $0x0  }
0x2ae: {  	[sflag:s30] =	ssyncadd.s32 $0xFFFFFF00  }
0x2af: {  	_ =	swait.ge [sflag:s30], $0x100  }
0x2b0: {  	[sflag:s30] =	ssyncset.done $0x0  }
0x2b1: {  	[sflag:s30] =	ssyncadd.s32 $0xFFFFFF00  }
0x2b2: {  	_ =	swait.ge [sflag:s30], $0x100  }
0x2b3: {  	[sflag:s30] =	ssyncset.done $0x0  }
0x2b4: {  	[sflag:s30] =	ssyncadd.s32 $0xFFFFFF00  }
0x2b5: {  	_ =	swait.ge [sflag:s30], $0x100  }
0x2b6: {  	[sflag:s30] =	ssyncset.done $0x0  }
0x2b7: {  	[sflag:s30] =	ssyncadd.s32 $0xFFFFFF00  }
0x2b8: {  	_ =	swait.ge [sflag:s30], $0x100  }
0x2b9: {  	[sflag:s30] =	ssyncset.done $0x0  }
0x2ba: {  	[sflag:s30] =	ssyncadd.s32 $0xFFFFFF00  }
0x2bb: {  	_ =	swait.ge [sflag:s30], $0x100  }
0x2bc: {  	[sflag:s30] =	ssyncset.done $0x0  }
0x2bd: {  	[sflag:s30] =	ssyncadd.s32 $0xFFFFFF00  }
0x2be: {  	_ =	swait.ge [sflag:s30], $0x100  }
0x2bf: {  	[sflag:s30] =	ssyncset.done $0x0  }
0x2c0: {  	[sflag:s30] =	ssyncadd.s32 $0xFFFFFF00  }
0x2c1: {  	_ =	swait.ge [sflag:s30], $0x100  }
0x2c2: {  	[sflag:s30] =	ssyncset.done $0x0  }
0x2c3: {  	[sflag:s30] =	ssyncadd.s32 $0xFFFFFF00  }
0x2c4: {  	_ =	swait.ge [sflag:s30], $0x100  }
0x2c5: {  	[sflag:s30] =	ssyncset.done $0x0  }
0x2c6: {  	[sflag:s30] =	ssyncadd.s32 $0xFFFFFF00  }
0x2c7: {  	v63 =	vld [tilespmem:$0x7788];
	_ =	sdelay $0x4  }
0x2c8: {  	v0 =	vshll.u32 v63, $0xA  }
0x2c9: {  	v0 =	vshra.s32 v0, $0x2  }
0x2ca: {  	(v2sf) =	vpush v0, $0x0;
	_ =	sdelay $0x1  }
0x2cb: {  	(v2sf) =	vpush v0, $0x1;
	_ =	sdelay $0x1  }
0x2cc: {  	(v2sf) =	vpush v0, $0x2;
	_ =	sdelay $0x1  }
0x2cd: {  	(v2sf) =	vpush v0, $0x3;
	_ =	sdelay $0x1  }
0x2ce: {  	(v2sf) =	vpush v0, $0x4;
	_ =	sdelay $0x1  }
0x2cf: {  	(v2sf) =	vpush v0, $0x5;
	_ =	sdelay $0x1  }
0x2d0: {  	(v2sf) =	vpush v0, $0x6;
	_ =	sdelay $0x1  }
0x2d1: {  	(v2sf) =	vpush v0, $0x7  }
0x2d2: {  	s25 =	sadd.s32 s5, s0;
	s31 =	spop (v2sf)  }
0x2d3: {  	(v2sf) =	vpush v0, $0x8;
	[hbm4b:s25+s4] =	stream.linear.scatter [tilespmem:s31], [sflag:$0x5], $0x100, $0x38;
	[tilespmem:$0x7800] =	vst v63  }
0x2d4: {  	s2 =	sadd.s32 s0, s9;
	s7 =	spop (v2sf)  }
0x2d5: {  	(v2sf) =	vpush v0, $0x9;
	[hbm4b:s2+s4] =	stream.linear.scatter [tilespmem:s7], [sflag:$0x5], $0x100, $0x38;
	[tilespmem:$0x7800] =	vst v63  }
0x2d6: {  	s25 =	sadd.s32 s0, s10;
	s31 =	spop (v2sf)  }
0x2d7: {  	(v2sf) =	vpush v0, $0xA;
	[hbm4b:s25+s4] =	stream.linear.scatter [tilespmem:s31], [sflag:$0x5], $0x100, $0x38;
	[tilespmem:$0x7800] =	vst v63  }
0x2d8: {  	s2 =	sadd.s32 s0, s11;
	s7 =	spop (v2sf)  }
0x2d9: {  	(v2sf) =	vpush v0, $0xB;
	[hbm4b:s2+s4] =	stream.linear.scatter [tilespmem:s7], [sflag:$0x5], $0x100, $0x38;
	[tilespmem:$0x7800] =	vst v63  }
0x2da: {  	s25 =	sadd.s32 s0, s12;
	s31 =	spop (v2sf)  }
0x2db: {  	(v2sf) =	vpush v0, $0xC;
	[hbm4b:s25+s4] =	stream.linear.scatter [tilespmem:s31], [sflag:$0x5], $0x100, $0x38;
	[tilespmem:$0x7800] =	vst v63  }
0x2dc: {  	s2 =	sadd.s32 s0, s13;
	s7 =	spop (v2sf)  }
0x2dd: {  	(v2sf) =	vpush v0, $0xD;
	[hbm4b:s2+s4] =	stream.linear.scatter [tilespmem:s7], [sflag:$0x5], $0x100, $0x38;
	[tilespmem:$0x7800] =	vst v63  }
0x2de: {  	s25 =	sadd.s32 s0, s14;
	s31 =	spop (v2sf)  }
0x2df: {  	(v2sf) =	vpush v0, $0xE;
	[hbm4b:s25+s4] =	stream.linear.scatter [tilespmem:s31], [sflag:$0x5], $0x100, $0x38;
	[tilespmem:$0x7800] =	vst v63  }
0x2e0: {  	s2 =	sadd.s32 s0, s15;
	s7 =	spop (v2sf)  }
0x2e1: {  	(v2sf) =	vpush v0, $0xF;
	[hbm4b:s2+s4] =	stream.linear.scatter [tilespmem:s7], [sflag:$0x5], $0x100, $0x38;
	[tilespmem:$0x7800] =	vst v63  }
0x2e2: {  	s25 =	sadd.s32 s0, s16;
	s31 =	spop (v2sf)  }
0x2e3: {  	[hbm4b:s25+s4] =	stream.linear.scatter [tilespmem:s31], [sflag:$0x5], $0x100, $0x38;
	[tilespmem:$0x7800] =	vst v63  }
0x2e4: {  	s2 =	sadd.s32 s0, s17;
	s7 =	spop (v2sf)  }
0x2e5: {  	[hbm4b:s2+s4] =	stream.linear.scatter [tilespmem:s7], [sflag:$0x5], $0x100, $0x38;
	[tilespmem:$0x7800] =	vst v63  }
0x2e6: {  	s25 =	sadd.s32 s0, s18;
	s31 =	spop (v2sf)  }
0x2e7: {  	[hbm4b:s25+s4] =	stream.linear.scatter [tilespmem:s31], [sflag:$0x5], $0x100, $0x38;
	[tilespmem:$0x7800] =	vst v63  }
0x2e8: {  	s2 =	sadd.s32 s0, s19;
	s7 =	spop (v2sf)  }
0x2e9: {  	[hbm4b:s2+s4] =	stream.linear.scatter [tilespmem:s7], [sflag:$0x5], $0x100, $0x38;
	[tilespmem:$0x7800] =	vst v63  }
0x2ea: {  	s25 =	sadd.s32 s0, s20;
	s31 =	spop (v2sf)  }
0x2eb: {  	[hbm4b:s25+s4] =	stream.linear.scatter [tilespmem:s31], [sflag:$0x5], $0x100, $0x38;
	[tilespmem:$0x7800] =	vst v63  }
0x2ec: {  	s2 =	sadd.s32 s0, s21;
	s7 =	spop (v2sf)  }
0x2ed: {  	[hbm4b:s2+s4] =	stream.linear.scatter [tilespmem:s7], [sflag:$0x5], $0x100, $0x38;
	[tilespmem:$0x7800] =	vst v63  }
0x2ee: {  	s25 =	sadd.s32 s0, s22;
	s31 =	spop (v2sf)  }
0x2ef: {  	[hbm4b:s25+s4] =	stream.linear.scatter [tilespmem:s31], [sflag:$0x5], $0x100, $0x38;
	[tilespmem:$0x7800] =	vst v63  }
0x2f0: {  	s2 =	sadd.s32 s0, s23;
	s7 =	spop (v2sf)  }
0x2f1: {  	[hbm4b:s2+s4] =	stream.linear.scatter [tilespmem:s7], [sflag:$0x5], $0x100, $0x38;
	[tilespmem:$0x7800] =	vst v63  }
0x2f2: {  	s25 =	sadd.s32 s8, s3  }
0x2f3: {  	[tilespmem:s24], [sflag:$0x3] =	stream.linear.gather [hbm4b:s25+s4], $0x10, $0x38;
	[tilespmem:$0x7800] =	vst v63  }
0x2f4: {  	_ =	swait.ge [sflag:s26], $0x10  }
0x2f5: {  	[sflag:s26] =	ssyncset.done $0x0  }
0x2f6: {  	[sflag:s26] =	ssyncadd.s32 $0xFFFFFFF0  }
0x2f7: {  	_ =	swait.ge [sflag:s29], $0x100  }
0x2f8: {  	[sflag:s29] =	ssyncset.done $0x0  }
0x2f9: {  	[sflag:s29] =	ssyncadd.s32 $0xFFFFFF00  }
0x2fa: {  	_ =	swait.ge [sflag:s29], $0x100  }
0x2fb: {  	[sflag:s29] =	ssyncset.done $0x0  }
0x2fc: {  	[sflag:s29] =	ssyncadd.s32 $0xFFFFFF00  }
0x2fd: {  	_ =	swait.ge [sflag:s29], $0x100  }
0x2fe: {  	[sflag:s29] =	ssyncset.done $0x0  }
0x2ff: {  	[sflag:s29] =	ssyncadd.s32 $0xFFFFFF00  }
0x300: {  	_ =	swait.ge [sflag:s29], $0x100  }
0x301: {  	[sflag:s29] =	ssyncset.done $0x0  }
0x302: {  	[sflag:s29] =	ssyncadd.s32 $0xFFFFFF00  }
0x303: {  	_ =	swait.ge [sflag:s29], $0x100  }
0x304: {  	[sflag:s29] =	ssyncset.done $0x0  }
0x305: {  	[sflag:s29] =	ssyncadd.s32 $0xFFFFFF00  }
0x306: {  	_ =	swait.ge [sflag:s29], $0x100  }
0x307: {  	[sflag:s29] =	ssyncset.done $0x0  }
0x308: {  	[sflag:s29] =	ssyncadd.s32 $0xFFFFFF00  }
0x309: {  	_ =	swait.ge [sflag:s29], $0x100  }
0x30a: {  	[sflag:s29] =	ssyncset.done $0x0  }
0x30b: {  	[sflag:s29] =	ssyncadd.s32 $0xFFFFFF00  }
0x30c: {  	_ =	swait.ge [sflag:s29], $0x100  }
0x30d: {  	[sflag:s29] =	ssyncset.done $0x0  }
0x30e: {  	[sflag:s29] =	ssyncadd.s32 $0xFFFFFF00  }
0x30f: {  	_ =	swait.ge [sflag:s29], $0x100  }
0x310: {  	[sflag:s29] =	ssyncset.done $0x0  }
0x311: {  	[sflag:s29] =	ssyncadd.s32 $0xFFFFFF00  }
0x312: {  	_ =	swait.ge [sflag:s29], $0x100  }
0x313: {  	[sflag:s29] =	ssyncset.done $0x0  }
0x314: {  	[sflag:s29] =	ssyncadd.s32 $0xFFFFFF00  }
0x315: {  	_ =	swait.ge [sflag:s29], $0x100  }
0x316: {  	[sflag:s29] =	ssyncset.done $0x0  }
0x317: {  	[sflag:s29] =	ssyncadd.s32 $0xFFFFFF00  }
0x318: {  	_ =	swait.ge [sflag:s29], $0x100  }
0x319: {  	[sflag:s29] =	ssyncset.done $0x0  }
0x31a: {  	[sflag:s29] =	ssyncadd.s32 $0xFFFFFF00  }
0x31b: {  	_ =	swait.ge [sflag:s29], $0x100  }
0x31c: {  	[sflag:s29] =	ssyncset.done $0x0  }
0x31d: {  	[sflag:s29] =	ssyncadd.s32 $0xFFFFFF00  }
0x31e: {  	_ =	swait.ge [sflag:s29], $0x100  }
0x31f: {  	[sflag:s29] =	ssyncset.done $0x0  }
0x320: {  	[sflag:s29] =	ssyncadd.s32 $0xFFFFFF00  }
0x321: {  	_ =	swait.ge [sflag:s29], $0x100  }
0x322: {  	[sflag:s29] =	ssyncset.done $0x0  }
0x323: {  	[sflag:s29] =	ssyncadd.s32 $0xFFFFFF00  }
0x324: {  	_ =	swait.ge [sflag:s29], $0x100  }
0x325: {  	[sflag:s29] =	ssyncset.done $0x0  }
0x326: {  	[sflag:s29] =	ssyncadd.s32 $0xFFFFFF00  }
0x327: {  	_ =	swait.ge [sflag:s28], $0x10  }
0x328: {  	[sflag:s28] =	ssyncset.done $0x0  }
0x329: {  	[sflag:s28] =	ssyncadd.s32 $0xFFFFFFF0  }
0x32a: {  	_ =	swait.ge [sflag:s30], $0x100  }
0x32b: {  	[sflag:s30] =	ssyncset.done $0x0  }
0x32c: {  	[sflag:s30] =	ssyncadd.s32 $0xFFFFFF00  }
0x32d: {  	_ =	swait.ge [sflag:s30], $0x100  }
0x32e: {  	[sflag:s30] =	ssyncset.done $0x0  }
0x32f: {  	[sflag:s30] =	ssyncadd.s32 $0xFFFFFF00  }
0x330: {  	_ =	swait.ge [sflag:s30], $0x100  }
0x331: {  	[sflag:s30] =	ssyncset.done $0x0  }
0x332: {  	[sflag:s30] =	ssyncadd.s32 $0xFFFFFF00  }
0x333: {  	_ =	swait.ge [sflag:s30], $0x100  }
0x334: {  	[sflag:s30] =	ssyncset.done $0x0  }
0x335: {  	[sflag:s30] =	ssyncadd.s32 $0xFFFFFF00  }
0x336: {  	_ =	swait.ge [sflag:s30], $0x100  }
0x337: {  	[sflag:s30] =	ssyncset.done $0x0  }
0x338: {  	[sflag:s30] =	ssyncadd.s32 $0xFFFFFF00  }
0x339: {  	_ =	swait.ge [sflag:s30], $0x100  }
0x33a: {  	[sflag:s30] =	ssyncset.done $0x0  }
0x33b: {  	[sflag:s30] =	ssyncadd.s32 $0xFFFFFF00  }
0x33c: {  	_ =	swait.ge [sflag:s30], $0x100  }
0x33d: {  	[sflag:s30] =	ssyncset.done $0x0  }
0x33e: {  	[sflag:s30] =	ssyncadd.s32 $0xFFFFFF00  }
0x33f: {  	_ =	swait.ge [sflag:s30], $0x100  }
0x340: {  	[sflag:s30] =	ssyncset.done $0x0  }
0x341: {  	[sflag:s30] =	ssyncadd.s32 $0xFFFFFF00  }
0x342: {  	_ =	swait.ge [sflag:s30], $0x100  }
0x343: {  	[sflag:s30] =	ssyncset.done $0x0  }
0x344: {  	[sflag:s30] =	ssyncadd.s32 $0xFFFFFF00  }
0x345: {  	_ =	swait.ge [sflag:s30], $0x100  }
0x346: {  	[sflag:s30] =	ssyncset.done $0x0  }
0x347: {  	[sflag:s30] =	ssyncadd.s32 $0xFFFFFF00  }
0x348: {  	_ =	swait.ge [sflag:s30], $0x100  }
0x349: {  	[sflag:s30] =	ssyncset.done $0x0  }
0x34a: {  	[sflag:s30] =	ssyncadd.s32 $0xFFFFFF00  }
0x34b: {  	_ =	swait.ge [sflag:s30], $0x100  }
0x34c: {  	[sflag:s30] =	ssyncset.done $0x0  }
0x34d: {  	[sflag:s30] =	ssyncadd.s32 $0xFFFFFF00  }
0x34e: {  	_ =	swait.ge [sflag:s30], $0x100  }
0x34f: {  	[sflag:s30] =	ssyncset.done $0x0  }
0x350: {  	[sflag:s30] =	ssyncadd.s32 $0xFFFFFF00  }
0x351: {  	_ =	swait.ge [sflag:s30], $0x100  }
0x352: {  	[sflag:s30] =	ssyncset.done $0x0  }
0x353: {  	[sflag:s30] =	ssyncadd.s32 $0xFFFFFF00  }
0x354: {  	_ =	swait.ge [sflag:s30], $0x100  }
0x355: {  	[sflag:s30] =	ssyncset.done $0x0  }
0x356: {  	[sflag:s30] =	ssyncadd.s32 $0xFFFFFF00  }
0x357: {  	_ =	swait.ge [sflag:s30], $0x100  }
0x358: {  	s26 =	sld [smem:$0x7F3]  }
0x359: {  	s31 =	sld [smem:$0x7FD];
	_ =	sdelay $0x1  }
0x35a: {  	s1 =	sadd.s32 $0x1, s26  }
0x35b: {  	p0 =	sne.s32 s1, s31  }
.Ltmp1:
0x35c: {  	_ = 	snop;
	(pc) =	sbr.rel @p0 .LBB2_1-.Ltmp1, $3  }
0x35d: {  	_ =	sdelay $0x1  }
0x35e: {  	[sflag:s30] =	ssyncset.done $0x0  }
0x35f: {  	[sflag:s30] =	ssyncadd.s32 $0xFFFFFF00  }
0x360: {  	_ =	sfence.sel $0x180000  }
0x361: {  	[bflag:$0x0] =	sbarrier.arrive $0xFFFF  }
0x362: {  	_ =	strace $0x90000047  }
0x363: {  	s0 =	stileid.u32;
	[bflag:$0x2] =	sbarrier.arrive $0xFFFF  }
0x364: {  	p0 =	sne.s32 s0, $0x0;
	s0 =	rddreg [dreg:$0x3]  }
0x365: {  	s0 =	sadd.s32 @!p0 $0x100000, s0  }
0x366: {  	[sflag:s0] =	ssyncadd.tile.s32 @!p0 $0x1;
	_ =	shalt  }
.Lfunc_end2:
_tile_overlayer_lowered:
.L_overlay_start_2:
0x367: {  	(tag) =	ssettag $0x2  }
0x368: {  	s0 =	rddreg [dreg:$0x0];
	s2 =	stileid.u32  }
0x369: {  	s1 =	rddreg [dreg:$0x1];
	p0 =	sne.s32 s2, $0x0  }
0x36a: {  	s3 =	rddreg [dreg:$0x2];
	[bflag:$0x3] =	sbarrier.arrive $0xFFFF;
	s2 =	simm.s32 @!p0 $0x1C06  }
0x36b: {  	[timem:s3], [sflag:s2] =	dma.local @!p0 [hbm:s0], s1  }
0x36c: {  	s0 =	simm.s32 @!p0 $0x6  }
0x36d: {  	_ =	swait.ge @!p0 [sflag:s0], s1  }
0x36e: {  	s1 =	ssub.s32 @!p0 $0x0, s1;
	[sflag:s0] =	ssyncset.done @!p0 $0x0  }
0x36f: {  	[sflag:s0] =	ssyncadd.s32 @!p0 s1  }
0x370: {  	[bflag:$0x3] =	sbarrier.arrive $0xFFFF  }
0x371: {  	_ =	shalt  }

</sc_bundles>
